<compile_context>
chip_gen: v7x
topology: tpu7x:2x2x1
jax: 0.10.2.dev20260603
libtpu: 0.0.44.dev20260713+nightly
codegen_flags: <defaults>
</compile_context>

<pallas_src>
import functools

import jax
import jax.numpy as jnp
from jax import lax
from jax.experimental import pallas as pl
from jax.experimental.pallas import tpu as pltpu
from jax.experimental.pallas import tpu_sc as plsc

BATCH = 16384
D = 64
NROWS = 100000
HALF = 51200
CHUNK = 128
_info = plsc.get_sparse_core_info()
NC, NS = _info.num_cores, _info.num_subcores
NW = NC * NS
B_PER_W = BATCH // NW
CHUNKS_PER_W = B_PER_W // CHUNK



def _pack16(a, b):
    au = lax.bitcast_convert_type(a.astype(jnp.bfloat16).T,
                                  jnp.uint16).astype(jnp.uint32)
    bu = lax.bitcast_convert_type(b.astype(jnp.bfloat16).T,
                                  jnp.uint16).astype(jnp.uint32)
    return lax.bitcast_convert_type((bu << 16) | au, jnp.int32)


def _tc_pack_kernel(a1_ref, a2_ref, b1_ref, b2_ref, out_ref):
    out_ref[:, :D] = _pack16(a1_ref[...], b1_ref[...])
    out_ref[:, D:] = _pack16(a2_ref[...], b2_ref[...])


def _tc_pack(a, b):
    CB = 5120
    grid = (HALF // CB,)
    lo_spec = pl.BlockSpec((D, CB), lambda i: (0, i))
    hi_spec = pl.BlockSpec((D, CB), lambda i: (0, i + HALF // CB))
    return pl.pallas_call(
        _tc_pack_kernel,
        grid=grid,
        in_specs=[lo_spec, hi_spec, lo_spec, hi_spec],
        out_specs=pl.BlockSpec((CB, 2 * D), lambda i: (i, 0)),
        out_shape=jax.ShapeDtypeStruct((HALF, 2 * D), jnp.int32),
    )(a.T, a.T, b.T, b.T)



def _sc_gather_kernel(idx_hbm, tab_hbm, out_hbm, idx_v,
                      rows_a, rows_b, sem_a, sem_b, ssem):
    wid = lax.axis_index("s") * NC + lax.axis_index("c")
    base = wid * B_PER_W
    pltpu.sync_copy(idx_hbm.at[pl.ds(wid * CHUNKS_PER_W, CHUNKS_PER_W)], idx_v)
    half = jnp.int32(HALF)
    one = jnp.int32(1)
    for j in range(CHUNKS_PER_W):
        for k in range(CHUNK // 16):
            v = idx_v[j, pl.ds(k * 16, 16)]
            idx_v[j, pl.ds(k * 16, 16)] = jnp.where(
                v >= half,
                lax.shift_left(v - half, one) | one,
                lax.shift_left(v, one))
    bufs = (rows_a, rows_b)
    gsems = (sem_a, sem_b)
    gathers = [None, None]
    scatters = [None, None]
    gathers[0] = pltpu.async_copy(tab_hbm.at[idx_v.at[0]], bufs[0], gsems[0])
    for j in range(CHUNKS_PER_W):
        s = j % 2
        gathers[s].wait()
        if j + 1 < CHUNKS_PER_W:
            ns = (j + 1) % 2
            if scatters[ns] is not None:
                scatters[ns].wait()
            gathers[ns] = pltpu.async_copy(
                tab_hbm.at[idx_v.at[j + 1]], bufs[ns], gsems[ns])
        scatters[s] = pltpu.async_copy(
            bufs[s], out_hbm.at[pl.ds(base + j * CHUNK, CHUNK)], ssem)
    for j in range(2):
        if scatters[j] is not None:
            scatters[j].wait()


def _sc_gather(idx, tab):
    mesh = plsc.VectorSubcoreMesh(core_axis_name="c", subcore_axis_name="s")
    kern = pl.kernel(
        _sc_gather_kernel,
        mesh=mesh,
        out_type=jax.ShapeDtypeStruct((BATCH, D), jnp.int32),
        scratch_types=[
            pltpu.VMEM((CHUNKS_PER_W, CHUNK), jnp.int32),
            pltpu.VMEM((CHUNK, D), jnp.int32),
            pltpu.VMEM((CHUNK, D), jnp.int32),
            pltpu.SemaphoreType.DMA,
            pltpu.SemaphoreType.DMA,
            pltpu.SemaphoreType.DMA,
        ],
        compiler_params=pltpu.CompilerParams(use_tc_tiling_on_sc=False),
    )
    return kern(idx.reshape(BATCH // CHUNK, CHUNK), tab.reshape(2 * HALF, D))



def _unpack(g):
    gu32 = lax.bitcast_convert_type(g, jnp.uint32)
    lo = lax.bitcast_convert_type(
        (gu32 & jnp.uint32(0xFFFF)).astype(jnp.uint16), jnp.bfloat16)
    hi = lax.bitcast_convert_type(
        lax.shift_right_logical(gu32, jnp.uint32(16)).astype(jnp.uint16),
        jnp.bfloat16)
    return lo, hi


def _tc_dense_kernel(gu_ref, gi_ref,
                     W0_ref, b0_ref, W1_ref, b1_ref, W2_ref, b2_ref,
                     Wo_ref, bo_ref, out_ref):
    mf_u, mlp_u = _unpack(gu_ref[...])
    mf_i, mlp_i = _unpack(gi_ref[...])
    mf = mf_u.astype(jnp.float32) * mf_i.astype(jnp.float32)
    W0 = W0_ref[...].astype(jnp.bfloat16)
    f32 = jnp.float32
    h = (lax.dot_general(mlp_u, W0[:D, :], (((1,), (0,)), ((), ())),
                         preferred_element_type=f32)
         + lax.dot_general(mlp_i, W0[D:, :], (((1,), (0,)), ((), ())),
                           preferred_element_type=f32)
         + b0_ref[...])
    h = jnp.maximum(h, 0.0)
    h = jnp.maximum(h @ W1_ref[...] + b1_ref[...], 0.0)
    h = jnp.maximum(h @ W2_ref[...] + b2_ref[...], 0.0)
    Wo = Wo_ref[...]
    out_ref[...] = mf @ Wo[:D, :] + h @ Wo[D:, :] + bo_ref[...]


def _tc_dense(gu, gi, W0, b0, W1, b1, W2, b2, Wo, bo):
    BLK = 4096
    grid = (BATCH // BLK,)
    row_spec = pl.BlockSpec((BLK, D), lambda i: (i, 0))
    full = lambda shape: pl.BlockSpec(shape, lambda i: tuple(0 for _ in shape))
    return pl.pallas_call(
        _tc_dense_kernel,
        grid=grid,
        in_specs=[
            row_spec, row_spec,
            full(W0.shape), full(b0.shape), full(W1.shape), full(b1.shape),
            full(W2.shape), full(b2.shape), full(Wo.shape), full(bo.shape),
        ],
        out_specs=pl.BlockSpec((BLK, 1), lambda i: (i, 0)),
        out_shape=jax.ShapeDtypeStruct((BATCH, 1), jnp.float32),
    )(gu, gi, W0, b0, W1, b1, W2, b2, Wo, bo)


def kernel(user, item, mf_user_emb, mf_item_emb, mlp_user_emb, mlp_item_emb,
           W0, b0, W1, b1, W2, b2, Wo, bo):
    tab_u = _tc_pack(mf_user_emb, mlp_user_emb)
    gu = _sc_gather(user, tab_u)
    tab_i = _tc_pack(mf_item_emb, mlp_item_emb)
    gi = _sc_gather(item, tab_i)
    return _tc_dense(gu, gi, W0, b0, W1, b1, W2, b2, Wo, bo)

# --- scband reference (transcript-rebuilt; emitter-appended) ---
"""Pipeline reference for scband-neu-mf-59760174956757 (READ-ONLY COPY).

The authoritative reference and input builder live on the scoring server;
editing this copy changes nothing except your own understanding.
"""

import jax, jax.numpy as jnp
import numpy as np

NUM_USERS = 100000
NUM_ITEMS = 100000
MF_DIM = 64
MLP_SIZES = [128, 64, 32, 16]
MLP_EMBED = MLP_SIZES[0] // 2
BATCH = 16384


def _glorot(key, fan_in, fan_out):
    limit = np.sqrt(6.0 / (fan_in + fan_out))
    return jax.random.uniform(key, (fan_in, fan_out), minval=-limit, maxval=limit, dtype=jnp.float32)


def setup_inputs(seed: int = 0) -> dict:
    key = jax.random.key(seed)
    ks = jax.random.split(key, 16)
    user = jax.random.randint(ks[0], (BATCH,), 0, NUM_USERS)
    item = jax.random.randint(ks[1], (BATCH,), 0, NUM_ITEMS)
    mf_user_emb = 0.01 * jax.random.normal(ks[2], (NUM_USERS, MF_DIM), dtype=jnp.float32)
    mf_item_emb = 0.01 * jax.random.normal(ks[3], (NUM_ITEMS, MF_DIM), dtype=jnp.float32)
    mlp_user_emb = 0.01 * jax.random.normal(ks[4], (NUM_USERS, MLP_EMBED), dtype=jnp.float32)
    mlp_item_emb = 0.01 * jax.random.normal(ks[5], (NUM_ITEMS, MLP_EMBED), dtype=jnp.float32)
    W0 = _glorot(ks[6], MLP_SIZES[0], MLP_SIZES[1]); b0 = jnp.zeros((MLP_SIZES[1],), dtype=jnp.float32)
    W1 = _glorot(ks[7], MLP_SIZES[1], MLP_SIZES[2]); b1 = jnp.zeros((MLP_SIZES[2],), dtype=jnp.float32)
    W2 = _glorot(ks[8], MLP_SIZES[2], MLP_SIZES[3]); b2 = jnp.zeros((MLP_SIZES[3],), dtype=jnp.float32)
    out_in = MF_DIM + MLP_SIZES[-1]
    lim = np.sqrt(3.0 / out_in)
    Wo = jax.random.uniform(ks[9], (out_in, 1), minval=-lim, maxval=lim, dtype=jnp.float32)
    bo = jnp.zeros((1,), dtype=jnp.float32)
    return {
        'user': user, 'item': item,
        'mf_user_emb': mf_user_emb, 'mf_item_emb': mf_item_emb,
        'mlp_user_emb': mlp_user_emb, 'mlp_item_emb': mlp_item_emb,
        'W0': W0, 'b0': b0, 'W1': W1, 'b1': b1, 'W2': W2, 'b2': b2,
        'Wo': Wo, 'bo': bo,
    }


def reference(user, item, mf_user_emb, mf_item_emb, mlp_user_emb, mlp_item_emb,
              W0, b0, W1, b1, W2, b2, Wo, bo):
    # GMF branch
    mf_u = jnp.take(mf_user_emb, user, axis=0)
    mf_i = jnp.take(mf_item_emb, item, axis=0)
    mf_out = mf_u * mf_i
    # MLP branch
    mlp_u = jnp.take(mlp_user_emb, user, axis=0)
    mlp_i = jnp.take(mlp_item_emb, item, axis=0)
    h = jnp.concatenate([mlp_u, mlp_i], axis=-1)
    h = jax.nn.relu(h @ W0 + b0)
    h = jax.nn.relu(h @ W1 + b1)
    h = jax.nn.relu(h @ W2 + b2)
    concat = jnp.concatenate([mf_out, h], axis=-1)
    out = concat @ Wo + bo
    return out

if __name__ == "__main__":
    import jax
    _d = setup_inputs()
    print(jax.jit(kernel)(*tuple(_d.values())))

</pallas_src>

<mosaic_0001>
#map = affine_map<(d0, d1) -> (0, 0)>
module attributes {stable_mosaic.version = 14 : i64} {
  func.func @_sc_gather_kernel(%arg0: i32, %arg1: i32, %arg2: memref<128x128xi32, #tpu.memory_space<hbm>>, %arg3: memref<102400x64xi32, #tpu.memory_space<hbm>>, %arg4: memref<16384x64xi32, #tpu.memory_space<hbm>>, %arg5: memref<4x128xi32, #tpu.memory_space<vmem>>, %arg6: memref<128x64xi32, #tpu.memory_space<vmem>>, %arg7: memref<128x64xi32, #tpu.memory_space<vmem>>, %arg8: memref<!tpu.dma_semaphore, #tpu.memory_space<semaphore_mem>>, %arg9: memref<!tpu.dma_semaphore, #tpu.memory_space<semaphore_mem>>, %arg10: memref<!tpu.dma_semaphore, #tpu.memory_space<semaphore_mem>>) attributes {dimension_semantics = [#tpu.dimension_semantics<core_parallel>, #tpu.dimension_semantics<subcore_parallel>], iteration_bounds = array<i64: 2, 16>, scalar_prefetch = 0 : i64, scratch_operands = 6 : i64, tpu.core_type = #tpu.core_type<sc_vector_subcore>, window_params = [{transform_indices = #map}, {transform_indices = #map}, {transform_indices = #map}]} {
    %mul3A = arith.constant 2 : i32
    %mul3A_0 = arith.muli %arg1, %mul3A : i32
    %add3A = arith.addi %mul3A_0, %arg0 : i32
    %mul3A_1 = arith.constant 512 : i32
    %mul3A_2 = arith.muli %add3A, %mul3A_1 : i32
    %mul3A_3 = arith.constant 4 : i32
    %mul3A_4 = arith.muli %add3A, %mul3A_3 : i32
    "tpu.region"() ({
      %run_scoped3A = tpu.sem_alloc : memref<!tpu.dma_semaphore, #tpu.memory_space<semaphore_mem>>
      %dma_start3A_956 = arith.constant 0 : i32
      %dma_start3A_957 = tpu.memref_slice %arg2[%mul3A_4, %dma_start3A_956] : memref<128x128xi32, #tpu.memory_space<hbm>> -> memref<4x128xi32, #tpu.memory_space<hbm>>
      %dma_start3A_958 = arith.constant 0 : i32
      %dma_start3A_959 = tpu.memref_slice %arg2[%mul3A_4, %dma_start3A_958] : memref<128x128xi32, #tpu.memory_space<hbm>> -> memref<4x128xi32, #tpu.memory_space<hbm>>
      tpu.enqueue_dma source(%dma_start3A_959 : memref<4x128xi32, #tpu.memory_space<hbm>>) target(%arg5 : memref<4x128xi32, #tpu.memory_space<vmem>>) target_semaphore(%run_scoped3A : memref<!tpu.dma_semaphore, #tpu.memory_space<semaphore_mem>>)
      %dma_wait3A_960 = arith.constant 0 : i32
      %dma_wait3A_961 = tpu.memref_slice %arg2[%mul3A_4, %dma_wait3A_960] : memref<128x128xi32, #tpu.memory_space<hbm>> -> memref<4x128xi32, #tpu.memory_space<hbm>>
      %dma_wait3A_962 = arith.constant 0 : i32
      %dma_wait3A_963 = tpu.memref_slice %arg2[%mul3A_4, %dma_wait3A_962] : memref<128x128xi32, #tpu.memory_space<hbm>> -> memref<4x128xi32, #tpu.memory_space<hbm>>
      tpu.wait_dma2 semaphore(%run_scoped3A : memref<!tpu.dma_semaphore, #tpu.memory_space<semaphore_mem>>) src(%dma_wait3A_963 : memref<4x128xi32, #tpu.memory_space<hbm>>) dst(%arg5 : memref<4x128xi32, #tpu.memory_space<vmem>>)
      tpu.yield
    }) : () -> ()
    %get3A = arith.constant 0 : i32
    %get3A_5 = arith.index_cast %get3A : i32 to index
    %get3A_6 = arith.constant 0 : index
    %get3A_7 = tpu.vector_load %arg5[%get3A_5, %get3A_6] {strides = array<i32>} : memref<4x128xi32, #tpu.memory_space<vmem>>, vector<1x16xi32>,
    %get3A_8 = vector.shape_cast %get3A_7 : vector<1x16xi32> to vector<16xi32>
    %ge3A = arith.constant 51200 : i32
    %ge3A_9 = vector.broadcast %ge3A : i32 to vector<16xi32>
    %ge3A_10 = arith.cmpi sge, %get3A_8, %ge3A_9 : vector<16xi32>
    %sub3A = arith.constant 51200 : i32
    %sub3A_11 = vector.broadcast %sub3A : i32 to vector<16xi32>
    %sub3A_12 = arith.subi %get3A_8, %sub3A_11 : vector<16xi32>
    %shift_left3A = arith.constant 1 : i32
    %shift_left3A_13 = vector.broadcast %shift_left3A : i32 to vector<16xi32>
    %shift_left3A_14 = arith.shli %sub3A_12, %shift_left3A_13 : vector<16xi32>
    %or3A = arith.constant 1 : i32
    %or3A_15 = vector.broadcast %or3A : i32 to vector<16xi32>
    %or3A_16 = arith.ori %shift_left3A_14, %or3A_15 : vector<16xi32>
    %shift_left3A_17 = arith.constant 1 : i32
    %shift_left3A_18 = vector.broadcast %shift_left3A_17 : i32 to vector<16xi32>
    %shift_left3A_19 = arith.shli %get3A_8, %shift_left3A_18 : vector<16xi32>
    %select_n3A = arith.select %ge3A_10, %or3A_16, %shift_left3A_19 : vector<16xi1>, vector<16xi32>
    %swap3A = arith.constant 0 : i32
    %swap3A_20 = arith.index_cast %swap3A : i32 to index
    %swap3A_21 = arith.constant 0 : index
    %swap3A_22 = tpu.vector_load %arg5[%swap3A_20, %swap3A_21] {strides = array<i32>} : memref<4x128xi32, #tpu.memory_space<vmem>>, vector<1x16xi32>,
    %swap3A_23 = vector.shape_cast %swap3A_22 : vector<1x16xi32> to vector<16xi32>
    %swap3A_24 = vector.shape_cast %select_n3A : vector<16xi32> to vector<1x16xi32>
    tpu.vector_store %arg5[%swap3A_20, %swap3A_21], %swap3A_24 {strides = array<i32>} : memref<4x128xi32, #tpu.memory_space<vmem>>, vector<1x16xi32>,
    %get3A_25 = arith.constant 0 : i32
    %get3A_26 = arith.index_cast %get3A_25 : i32 to index
    %get3A_27 = arith.constant 16 : index
    %get3A_28 = tpu.vector_load %arg5[%get3A_26, %get3A_27] {strides = array<i32>} : memref<4x128xi32, #tpu.memory_space<vmem>>, vector<1x16xi32>,
    %get3A_29 = vector.shape_cast %get3A_28 : vector<1x16xi32> to vector<16xi32>
    %ge3A_30 = arith.constant 51200 : i32
    %ge3A_31 = vector.broadcast %ge3A_30 : i32 to vector<16xi32>
    %ge3A_32 = arith.cmpi sge, %get3A_29, %ge3A_31 : vector<16xi32>
    %sub3A_33 = arith.constant 51200 : i32
    %sub3A_34 = vector.broadcast %sub3A_33 : i32 to vector<16xi32>
    %sub3A_35 = arith.subi %get3A_29, %sub3A_34 : vector<16xi32>
    %shift_left3A_36 = arith.constant 1 : i32
    %shift_left3A_37 = vector.broadcast %shift_left3A_36 : i32 to vector<16xi32>
    %shift_left3A_38 = arith.shli %sub3A_35, %shift_left3A_37 : vector<16xi32>
    %or3A_39 = arith.constant 1 : i32
    %or3A_40 = vector.broadcast %or3A_39 : i32 to vector<16xi32>
    %or3A_41 = arith.ori %shift_left3A_38, %or3A_40 : vector<16xi32>
    %shift_left3A_42 = arith.constant 1 : i32
    %shift_left3A_43 = vector.broadcast %shift_left3A_42 : i32 to vector<16xi32>
    %shift_left3A_44 = arith.shli %get3A_29, %shift_left3A_43 : vector<16xi32>
    %select_n3A_45 = arith.select %ge3A_32, %or3A_41, %shift_left3A_44 : vector<16xi1>, vector<16xi32>
    %swap3A_46 = arith.constant 0 : i32
    %swap3A_47 = arith.index_cast %swap3A_46 : i32 to index
    %swap3A_48 = arith.constant 16 : index
    %swap3A_49 = tpu.vector_load %arg5[%swap3A_47, %swap3A_48] {strides = array<i32>} : memref<4x128xi32, #tpu.memory_space<vmem>>, vector<1x16xi32>,
    %swap3A_50 = vector.shape_cast %swap3A_49 : vector<1x16xi32> to vector<16xi32>
    %swap3A_51 = vector.shape_cast %select_n3A_45 : vector<16xi32> to vector<1x16xi32>
    tpu.vector_store %arg5[%swap3A_47, %swap3A_48], %swap3A_51 {strides = array<i32>} : memref<4x128xi32, #tpu.memory_space<vmem>>, vector<1x16xi32>,
    %get3A_52 = arith.constant 0 : i32
    %get3A_53 = arith.index_cast %get3A_52 : i32 to index
    %get3A_54 = arith.constant 32 : index
    %get3A_55 = tpu.vector_load %arg5[%get3A_53, %get3A_54] {strides = array<i32>} : memref<4x128xi32, #tpu.memory_space<vmem>>, vector<1x16xi32>,
    %get3A_56 = vector.shape_cast %get3A_55 : vector<1x16xi32> to vector<16xi32>
    %ge3A_57 = arith.constant 51200 : i32
    %ge3A_58 = vector.broadcast %ge3A_57 : i32 to vector<16xi32>
    %ge3A_59 = arith.cmpi sge, %get3A_56, %ge3A_58 : vector<16xi32>
    %sub3A_60 = arith.constant 51200 : i32
    %sub3A_61 = vector.broadcast %sub3A_60 : i32 to vector<16xi32>
    %sub3A_62 = arith.subi %get3A_56, %sub3A_61 : vector<16xi32>
    %shift_left3A_63 = arith.constant 1 : i32
    %shift_left3A_64 = vector.broadcast %shift_left3A_63 : i32 to vector<16xi32>
    %shift_left3A_65 = arith.shli %sub3A_62, %shift_left3A_64 : vector<16xi32>
    %or3A_66 = arith.constant 1 : i32
    %or3A_67 = vector.broadcast %or3A_66 : i32 to vector<16xi32>
    %or3A_68 = arith.ori %shift_left3A_65, %or3A_67 : vector<16xi32>
    %shift_left3A_69 = arith.constant 1 : i32
    %shift_left3A_70 = vector.broadcast %shift_left3A_69 : i32 to vector<16xi32>
    %shift_left3A_71 = arith.shli %get3A_56, %shift_left3A_70 : vector<16xi32>
    %select_n3A_72 = arith.select %ge3A_59, %or3A_68, %shift_left3A_71 : vector<16xi1>, vector<16xi32>
    %swap3A_73 = arith.constant 0 : i32
    %swap3A_74 = arith.index_cast %swap3A_73 : i32 to index
    %swap3A_75 = arith.constant 32 : index
    %swap3A_76 = tpu.vector_load %arg5[%swap3A_74, %swap3A_75] {strides = array<i32>} : memref<4x128xi32, #tpu.memory_space<vmem>>, vector<1x16xi32>,
    %swap3A_77 = vector.shape_cast %swap3A_76 : vector<1x16xi32> to vector<16xi32>
    %swap3A_78 = vector.shape_cast %select_n3A_72 : vector<16xi32> to vector<1x16xi32>
    tpu.vector_store %arg5[%swap3A_74, %swap3A_75], %swap3A_78 {strides = array<i32>} : memref<4x128xi32, #tpu.memory_space<vmem>>, vector<1x16xi32>,
    %get3A_79 = arith.constant 0 : i32
    %get3A_80 = arith.index_cast %get3A_79 : i32 to index
    %get3A_81 = arith.constant 48 : index
    %get3A_82 = tpu.vector_load %arg5[%get3A_80, %get3A_81] {strides = array<i32>} : memref<4x128xi32, #tpu.memory_space<vmem>>, vector<1x16xi32>,
    %get3A_83 = vector.shape_cast %get3A_82 : vector<1x16xi32> to vector<16xi32>
    %ge3A_84 = arith.constant 51200 : i32
    %ge3A_85 = vector.broadcast %ge3A_84 : i32 to vector<16xi32>
    %ge3A_86 = arith.cmpi sge, %get3A_83, %ge3A_85 : vector<16xi32>
    %sub3A_87 = arith.constant 51200 : i32
    %sub3A_88 = vector.broadcast %sub3A_87 : i32 to vector<16xi32>
    %sub3A_89 = arith.subi %get3A_83, %sub3A_88 : vector<16xi32>
    %shift_left3A_90 = arith.constant 1 : i32
    %shift_left3A_91 = vector.broadcast %shift_left3A_90 : i32 to vector<16xi32>
    %shift_left3A_92 = arith.shli %sub3A_89, %shift_left3A_91 : vector<16xi32>
    %or3A_93 = arith.constant 1 : i32
    %or3A_94 = vector.broadcast %or3A_93 : i32 to vector<16xi32>
    %or3A_95 = arith.ori %shift_left3A_92, %or3A_94 : vector<16xi32>
    %shift_left3A_96 = arith.constant 1 : i32
    %shift_left3A_97 = vector.broadcast %shift_left3A_96 : i32 to vector<16xi32>
    %shift_left3A_98 = arith.shli %get3A_83, %shift_left3A_97 : vector<16xi32>
    %select_n3A_99 = arith.select %ge3A_86, %or3A_95, %shift_left3A_98 : vector<16xi1>, vector<16xi32>
    %swap3A_100 = arith.constant 0 : i32
    %swap3A_101 = arith.index_cast %swap3A_100 : i32 to index
    %swap3A_102 = arith.constant 48 : index
    %swap3A_103 = tpu.vector_load %arg5[%swap3A_101, %swap3A_102] {strides = array<i32>} : memref<4x128xi32, #tpu.memory_space<vmem>>, vector<1x16xi32>,
    %swap3A_104 = vector.shape_cast %swap3A_103 : vector<1x16xi32> to vector<16xi32>
    %swap3A_105 = vector.shape_cast %select_n3A_99 : vector<16xi32> to vector<1x16xi32>
    tpu.vector_store %arg5[%swap3A_101, %swap3A_102], %swap3A_105 {strides = array<i32>} : memref<4x128xi32, #tpu.memory_space<vmem>>, vector<1x16xi32>,
    %get3A_106 = arith.constant 0 : i32
    %get3A_107 = arith.index_cast %get3A_106 : i32 to index
    %get3A_108 = arith.constant 64 : index
    %get3A_109 = tpu.vector_load %arg5[%get3A_107, %get3A_108] {strides = array<i32>} : memref<4x128xi32, #tpu.memory_space<vmem>>, vector<1x16xi32>,
    %get3A_110 = vector.shape_cast %get3A_109 : vector<1x16xi32> to vector<16xi32>
    %ge3A_111 = arith.constant 51200 : i32
    %ge3A_112 = vector.broadcast %ge3A_111 : i32 to vector<16xi32>
    %ge3A_113 = arith.cmpi sge, %get3A_110, %ge3A_112 : vector<16xi32>
    %sub3A_114 = arith.constant 51200 : i32
    %sub3A_115 = vector.broadcast %sub3A_114 : i32 to vector<16xi32>
    %sub3A_116 = arith.subi %get3A_110, %sub3A_115 : vector<16xi32>
    %shift_left3A_117 = arith.constant 1 : i32
    %shift_left3A_118 = vector.broadcast %shift_left3A_117 : i32 to vector<16xi32>
    %shift_left3A_119 = arith.shli %sub3A_116, %shift_left3A_118 : vector<16xi32>
    %or3A_120 = arith.constant 1 : i32
    %or3A_121 = vector.broadcast %or3A_120 : i32 to vector<16xi32>
    %or3A_122 = arith.ori %shift_left3A_119, %or3A_121 : vector<16xi32>
    %shift_left3A_123 = arith.constant 1 : i32
    %shift_left3A_124 = vector.broadcast %shift_left3A_123 : i32 to vector<16xi32>
    %shift_left3A_125 = arith.shli %get3A_110, %shift_left3A_124 : vector<16xi32>
    %select_n3A_126 = arith.select %ge3A_113, %or3A_122, %shift_left3A_125 : vector<16xi1>, vector<16xi32>
    %swap3A_127 = arith.constant 0 : i32
    %swap3A_128 = arith.index_cast %swap3A_127 : i32 to index
    %swap3A_129 = arith.constant 64 : index
    %swap3A_130 = tpu.vector_load %arg5[%swap3A_128, %swap3A_129] {strides = array<i32>} : memref<4x128xi32, #tpu.memory_space<vmem>>, vector<1x16xi32>,
    %swap3A_131 = vector.shape_cast %swap3A_130 : vector<1x16xi32> to vector<16xi32>
    %swap3A_132 = vector.shape_cast %select_n3A_126 : vector<16xi32> to vector<1x16xi32>
    tpu.vector_store %arg5[%swap3A_128, %swap3A_129], %swap3A_132 {strides = array<i32>} : memref<4x128xi32, #tpu.memory_space<vmem>>, vector<1x16xi32>,
    %get3A_133 = arith.constant 0 : i32
    %get3A_134 = arith.index_cast %get3A_133 : i32 to index
    %get3A_135 = arith.constant 80 : index
    %get3A_136 = tpu.vector_load %arg5[%get3A_134, %get3A_135] {strides = array<i32>} : memref<4x128xi32, #tpu.memory_space<vmem>>, vector<1x16xi32>,
    %get3A_137 = vector.shape_cast %get3A_136 : vector<1x16xi32> to vector<16xi32>
    %ge3A_138 = arith.constant 51200 : i32
    %ge3A_139 = vector.broadcast %ge3A_138 : i32 to vector<16xi32>
    %ge3A_140 = arith.cmpi sge, %get3A_137, %ge3A_139 : vector<16xi32>
    %sub3A_141 = arith.constant 51200 : i32
    %sub3A_142 = vector.broadcast %sub3A_141 : i32 to vector<16xi32>
    %sub3A_143 = arith.subi %get3A_137, %sub3A_142 : vector<16xi32>
    %shift_left3A_144 = arith.constant 1 : i32
    %shift_left3A_145 = vector.broadcast %shift_left3A_144 : i32 to vector<16xi32>
    %shift_left3A_146 = arith.shli %sub3A_143, %shift_left3A_145 : vector<16xi32>
    %or3A_147 = arith.constant 1 : i32
    %or3A_148 = vector.broadcast %or3A_147 : i32 to vector<16xi32>
    %or3A_149 = arith.ori %shift_left3A_146, %or3A_148 : vector<16xi32>
    %shift_left3A_150 = arith.constant 1 : i32
    %shift_left3A_151 = vector.broadcast %shift_left3A_150 : i32 to vector<16xi32>
    %shift_left3A_152 = arith.shli %get3A_137, %shift_left3A_151 : vector<16xi32>
    %select_n3A_153 = arith.select %ge3A_140, %or3A_149, %shift_left3A_152 : vector<16xi1>, vector<16xi32>
    %swap3A_154 = arith.constant 0 : i32
    %swap3A_155 = arith.index_cast %swap3A_154 : i32 to index
    %swap3A_156 = arith.constant 80 : index
    %swap3A_157 = tpu.vector_load %arg5[%swap3A_155, %swap3A_156] {strides = array<i32>} : memref<4x128xi32, #tpu.memory_space<vmem>>, vector<1x16xi32>,
    %swap3A_158 = vector.shape_cast %swap3A_157 : vector<1x16xi32> to vector<16xi32>
    %swap3A_159 = vector.shape_cast %select_n3A_153 : vector<16xi32> to vector<1x16xi32>
    tpu.vector_store %arg5[%swap3A_155, %swap3A_156], %swap3A_159 {strides = array<i32>} : memref<4x128xi32, #tpu.memory_space<vmem>>, vector<1x16xi32>,
    %get3A_160 = arith.constant 0 : i32
    %get3A_161 = arith.index_cast %get3A_160 : i32 to index
    %get3A_162 = arith.constant 96 : index
    %get3A_163 = tpu.vector_load %arg5[%get3A_161, %get3A_162] {strides = array<i32>} : memref<4x128xi32, #tpu.memory_space<vmem>>, vector<1x16xi32>,
    %get3A_164 = vector.shape_cast %get3A_163 : vector<1x16xi32> to vector<16xi32>
    %ge3A_165 = arith.constant 51200 : i32
    %ge3A_166 = vector.broadcast %ge3A_165 : i32 to vector<16xi32>
    %ge3A_167 = arith.cmpi sge, %get3A_164, %ge3A_166 : vector<16xi32>
    %sub3A_168 = arith.constant 51200 : i32
    %sub3A_169 = vector.broadcast %sub3A_168 : i32 to vector<16xi32>
    %sub3A_170 = arith.subi %get3A_164, %sub3A_169 : vector<16xi32>
    %shift_left3A_171 = arith.constant 1 : i32
    %shift_left3A_172 = vector.broadcast %shift_left3A_171 : i32 to vector<16xi32>
    %shift_left3A_173 = arith.shli %sub3A_170, %shift_left3A_172 : vector<16xi32>
    %or3A_174 = arith.constant 1 : i32
    %or3A_175 = vector.broadcast %or3A_174 : i32 to vector<16xi32>
    %or3A_176 = arith.ori %shift_left3A_173, %or3A_175 : vector<16xi32>
    %shift_left3A_177 = arith.constant 1 : i32
    %shift_left3A_178 = vector.broadcast %shift_left3A_177 : i32 to vector<16xi32>
    %shift_left3A_179 = arith.shli %get3A_164, %shift_left3A_178 : vector<16xi32>
    %select_n3A_180 = arith.select %ge3A_167, %or3A_176, %shift_left3A_179 : vector<16xi1>, vector<16xi32>
    %swap3A_181 = arith.constant 0 : i32
    %swap3A_182 = arith.index_cast %swap3A_181 : i32 to index
    %swap3A_183 = arith.constant 96 : index
    %swap3A_184 = tpu.vector_load %arg5[%swap3A_182, %swap3A_183] {strides = array<i32>} : memref<4x128xi32, #tpu.memory_space<vmem>>, vector<1x16xi32>,
    %swap3A_185 = vector.shape_cast %swap3A_184 : vector<1x16xi32> to vector<16xi32>
    %swap3A_186 = vector.shape_cast %select_n3A_180 : vector<16xi32> to vector<1x16xi32>
    tpu.vector_store %arg5[%swap3A_182, %swap3A_183], %swap3A_186 {strides = array<i32>} : memref<4x128xi32, #tpu.memory_space<vmem>>, vector<1x16xi32>,
    %get3A_187 = arith.constant 0 : i32
    %get3A_188 = arith.index_cast %get3A_187 : i32 to index
    %get3A_189 = arith.constant 112 : index
    %get3A_190 = tpu.vector_load %arg5[%get3A_188, %get3A_189] {strides = array<i32>} : memref<4x128xi32, #tpu.memory_space<vmem>>, vector<1x16xi32>,
    %get3A_191 = vector.shape_cast %get3A_190 : vector<1x16xi32> to vector<16xi32>
    %ge3A_192 = arith.constant 51200 : i32
    %ge3A_193 = vector.broadcast %ge3A_192 : i32 to vector<16xi32>
    %ge3A_194 = arith.cmpi sge, %get3A_191, %ge3A_193 : vector<16xi32>
    %sub3A_195 = arith.constant 51200 : i32
    %sub3A_196 = vector.broadcast %sub3A_195 : i32 to vector<16xi32>
    %sub3A_197 = arith.subi %get3A_191, %sub3A_196 : vector<16xi32>
    %shift_left3A_198 = arith.constant 1 : i32
    %shift_left3A_199 = vector.broadcast %shift_left3A_198 : i32 to vector<16xi32>
    %shift_left3A_200 = arith.shli %sub3A_197, %shift_left3A_199 : vector<16xi32>
    %or3A_201 = arith.constant 1 : i32
    %or3A_202 = vector.broadcast %or3A_201 : i32 to vector<16xi32>
    %or3A_203 = arith.ori %shift_left3A_200, %or3A_202 : vector<16xi32>
    %shift_left3A_204 = arith.constant 1 : i32
    %shift_left3A_205 = vector.broadcast %shift_left3A_204 : i32 to vector<16xi32>
    %shift_left3A_206 = arith.shli %get3A_191, %shift_left3A_205 : vector<16xi32>
    %select_n3A_207 = arith.select %ge3A_194, %or3A_203, %shift_left3A_206 : vector<16xi1>, vector<16xi32>
    %swap3A_208 = arith.constant 0 : i32
    %swap3A_209 = arith.index_cast %swap3A_208 : i32 to index
    %swap3A_210 = arith.constant 112 : index
    %swap3A_211 = tpu.vector_load %arg5[%swap3A_209, %swap3A_210] {strides = array<i32>} : memref<4x128xi32, #tpu.memory_space<vmem>>, vector<1x16xi32>,
    %swap3A_212 = vector.shape_cast %swap3A_211 : vector<1x16xi32> to vector<16xi32>
    %swap3A_213 = vector.shape_cast %select_n3A_207 : vector<16xi32> to vector<1x16xi32>
    tpu.vector_store %arg5[%swap3A_209, %swap3A_210], %swap3A_213 {strides = array<i32>} : memref<4x128xi32, #tpu.memory_space<vmem>>, vector<1x16xi32>,
    %get3A_214 = arith.constant 1 : i32
    %get3A_215 = arith.index_cast %get3A_214 : i32 to index
    %get3A_216 = arith.constant 0 : index
    %get3A_217 = tpu.vector_load %arg5[%get3A_215, %get3A_216] {strides = array<i32>} : memref<4x128xi32, #tpu.memory_space<vmem>>, vector<1x16xi32>,
    %get3A_218 = vector.shape_cast %get3A_217 : vector<1x16xi32> to vector<16xi32>
    %ge3A_219 = arith.constant 51200 : i32
    %ge3A_220 = vector.broadcast %ge3A_219 : i32 to vector<16xi32>
    %ge3A_221 = arith.cmpi sge, %get3A_218, %ge3A_220 : vector<16xi32>
    %sub3A_222 = arith.constant 51200 : i32
    %sub3A_223 = vector.broadcast %sub3A_222 : i32 to vector<16xi32>
    %sub3A_224 = arith.subi %get3A_218, %sub3A_223 : vector<16xi32>
    %shift_left3A_225 = arith.constant 1 : i32
    %shift_left3A_226 = vector.broadcast %shift_left3A_225 : i32 to vector<16xi32>
    %shift_left3A_227 = arith.shli %sub3A_224, %shift_left3A_226 : vector<16xi32>
    %or3A_228 = arith.constant 1 : i32
    %or3A_229 = vector.broadcast %or3A_228 : i32 to vector<16xi32>
    %or3A_230 = arith.ori %shift_left3A_227, %or3A_229 : vector<16xi32>
    %shift_left3A_231 = arith.constant 1 : i32
    %shift_left3A_232 = vector.broadcast %shift_left3A_231 : i32 to vector<16xi32>
    %shift_left3A_233 = arith.shli %get3A_218, %shift_left3A_232 : vector<16xi32>
    %select_n3A_234 = arith.select %ge3A_221, %or3A_230, %shift_left3A_233 : vector<16xi1>, vector<16xi32>
    %swap3A_235 = arith.constant 1 : i32
    %swap3A_236 = arith.index_cast %swap3A_235 : i32 to index
    %swap3A_237 = arith.constant 0 : index
    %swap3A_238 = tpu.vector_load %arg5[%swap3A_236, %swap3A_237] {strides = array<i32>} : memref<4x128xi32, #tpu.memory_space<vmem>>, vector<1x16xi32>,
    %swap3A_239 = vector.shape_cast %swap3A_238 : vector<1x16xi32> to vector<16xi32>
    %swap3A_240 = vector.shape_cast %select_n3A_234 : vector<16xi32> to vector<1x16xi32>
    tpu.vector_store %arg5[%swap3A_236, %swap3A_237], %swap3A_240 {strides = array<i32>} : memref<4x128xi32, #tpu.memory_space<vmem>>, vector<1x16xi32>,
    %get3A_241 = arith.constant 1 : i32
    %get3A_242 = arith.index_cast %get3A_241 : i32 to index
    %get3A_243 = arith.constant 16 : index
    %get3A_244 = tpu.vector_load %arg5[%get3A_242, %get3A_243] {strides = array<i32>} : memref<4x128xi32, #tpu.memory_space<vmem>>, vector<1x16xi32>,
    %get3A_245 = vector.shape_cast %get3A_244 : vector<1x16xi32> to vector<16xi32>
    %ge3A_246 = arith.constant 51200 : i32
    %ge3A_247 = vector.broadcast %ge3A_246 : i32 to vector<16xi32>
    %ge3A_248 = arith.cmpi sge, %get3A_245, %ge3A_247 : vector<16xi32>
    %sub3A_249 = arith.constant 51200 : i32
    %sub3A_250 = vector.broadcast %sub3A_249 : i32 to vector<16xi32>
    %sub3A_251 = arith.subi %get3A_245, %sub3A_250 : vector<16xi32>
    %shift_left3A_252 = arith.constant 1 : i32
    %shift_left3A_253 = vector.broadcast %shift_left3A_252 : i32 to vector<16xi32>
    %shift_left3A_254 = arith.shli %sub3A_251, %shift_left3A_253 : vector<16xi32>
    %or3A_255 = arith.constant 1 : i32
    %or3A_256 = vector.broadcast %or3A_255 : i32 to vector<16xi32>
    %or3A_257 = arith.ori %shift_left3A_254, %or3A_256 : vector<16xi32>
    %shift_left3A_258 = arith.constant 1 : i32
    %shift_left3A_259 = vector.broadcast %shift_left3A_258 : i32 to vector<16xi32>
    %shift_left3A_260 = arith.shli %get3A_245, %shift_left3A_259 : vector<16xi32>
    %select_n3A_261 = arith.select %ge3A_248, %or3A_257, %shift_left3A_260 : vector<16xi1>, vector<16xi32>
    %swap3A_262 = arith.constant 1 : i32
    %swap3A_263 = arith.index_cast %swap3A_262 : i32 to index
    %swap3A_264 = arith.constant 16 : index
    %swap3A_265 = tpu.vector_load %arg5[%swap3A_263, %swap3A_264] {strides = array<i32>} : memref<4x128xi32, #tpu.memory_space<vmem>>, vector<1x16xi32>,
    %swap3A_266 = vector.shape_cast %swap3A_265 : vector<1x16xi32> to vector<16xi32>
    %swap3A_267 = vector.shape_cast %select_n3A_261 : vector<16xi32> to vector<1x16xi32>
    tpu.vector_store %arg5[%swap3A_263, %swap3A_264], %swap3A_267 {strides = array<i32>} : memref<4x128xi32, #tpu.memory_space<vmem>>, vector<1x16xi32>,
    %get3A_268 = arith.constant 1 : i32
    %get3A_269 = arith.index_cast %get3A_268 : i32 to index
    %get3A_270 = arith.constant 32 : index
    %get3A_271 = tpu.vector_load %arg5[%get3A_269, %get3A_270] {strides = array<i32>} : memref<4x128xi32, #tpu.memory_space<vmem>>, vector<1x16xi32>,
    %get3A_272 = vector.shape_cast %get3A_271 : vector<1x16xi32> to vector<16xi32>
    %ge3A_273 = arith.constant 51200 : i32
    %ge3A_274 = vector.broadcast %ge3A_273 : i32 to vector<16xi32>
    %ge3A_275 = arith.cmpi sge, %get3A_272, %ge3A_274 : vector<16xi32>
    %sub3A_276 = arith.constant 51200 : i32
    %sub3A_277 = vector.broadcast %sub3A_276 : i32 to vector<16xi32>
    %sub3A_278 = arith.subi %get3A_272, %sub3A_277 : vector<16xi32>
    %shift_left3A_279 = arith.constant 1 : i32
    %shift_left3A_280 = vector.broadcast %shift_left3A_279 : i32 to vector<16xi32>
    %shift_left3A_281 = arith.shli %sub3A_278, %shift_left3A_280 : vector<16xi32>
    %or3A_282 = arith.constant 1 : i32
    %or3A_283 = vector.broadcast %or3A_282 : i32 to vector<16xi32>
    %or3A_284 = arith.ori %shift_left3A_281, %or3A_283 : vector<16xi32>
    %shift_left3A_285 = arith.constant 1 : i32
    %shift_left3A_286 = vector.broadcast %shift_left3A_285 : i32 to vector<16xi32>
    %shift_left3A_287 = arith.shli %get3A_272, %shift_left3A_286 : vector<16xi32>
    %select_n3A_288 = arith.select %ge3A_275, %or3A_284, %shift_left3A_287 : vector<16xi1>, vector<16xi32>
    %swap3A_289 = arith.constant 1 : i32
    %swap3A_290 = arith.index_cast %swap3A_289 : i32 to index
    %swap3A_291 = arith.constant 32 : index
    %swap3A_292 = tpu.vector_load %arg5[%swap3A_290, %swap3A_291] {strides = array<i32>} : memref<4x128xi32, #tpu.memory_space<vmem>>, vector<1x16xi32>,
    %swap3A_293 = vector.shape_cast %swap3A_292 : vector<1x16xi32> to vector<16xi32>
    %swap3A_294 = vector.shape_cast %select_n3A_288 : vector<16xi32> to vector<1x16xi32>
    tpu.vector_store %arg5[%swap3A_290, %swap3A_291], %swap3A_294 {strides = array<i32>} : memref<4x128xi32, #tpu.memory_space<vmem>>, vector<1x16xi32>,
    %get3A_295 = arith.constant 1 : i32
    %get3A_296 = arith.index_cast %get3A_295 : i32 to index
    %get3A_297 = arith.constant 48 : index
    %get3A_298 = tpu.vector_load %arg5[%get3A_296, %get3A_297] {strides = array<i32>} : memref<4x128xi32, #tpu.memory_space<vmem>>, vector<1x16xi32>,
    %get3A_299 = vector.shape_cast %get3A_298 : vector<1x16xi32> to vector<16xi32>
    %ge3A_300 = arith.constant 51200 : i32
    %ge3A_301 = vector.broadcast %ge3A_300 : i32 to vector<16xi32>
    %ge3A_302 = arith.cmpi sge, %get3A_299, %ge3A_301 : vector<16xi32>
    %sub3A_303 = arith.constant 51200 : i32
    %sub3A_304 = vector.broadcast %sub3A_303 : i32 to vector<16xi32>
    %sub3A_305 = arith.subi %get3A_299, %sub3A_304 : vector<16xi32>
    %shift_left3A_306 = arith.constant 1 : i32
    %shift_left3A_307 = vector.broadcast %shift_left3A_306 : i32 to vector<16xi32>
    %shift_left3A_308 = arith.shli %sub3A_305, %shift_left3A_307 : vector<16xi32>
    %or3A_309 = arith.constant 1 : i32
    %or3A_310 = vector.broadcast %or3A_309 : i32 to vector<16xi32>
    %or3A_311 = arith.ori %shift_left3A_308, %or3A_310 : vector<16xi32>
    %shift_left3A_312 = arith.constant 1 : i32
    %shift_left3A_313 = vector.broadcast %shift_left3A_312 : i32 to vector<16xi32>
    %shift_left3A_314 = arith.shli %get3A_299, %shift_left3A_313 : vector<16xi32>
    %select_n3A_315 = arith.select %ge3A_302, %or3A_311, %shift_left3A_314 : vector<16xi1>, vector<16xi32>
    %swap3A_316 = arith.constant 1 : i32
    %swap3A_317 = arith.index_cast %swap3A_316 : i32 to index
    %swap3A_318 = arith.constant 48 : index
    %swap3A_319 = tpu.vector_load %arg5[%swap3A_317, %swap3A_318] {strides = array<i32>} : memref<4x128xi32, #tpu.memory_space<vmem>>, vector<1x16xi32>,
    %swap3A_320 = vector.shape_cast %swap3A_319 : vector<1x16xi32> to vector<16xi32>
    %swap3A_321 = vector.shape_cast %select_n3A_315 : vector<16xi32> to vector<1x16xi32>
    tpu.vector_store %arg5[%swap3A_317, %swap3A_318], %swap3A_321 {strides = array<i32>} : memref<4x128xi32, #tpu.memory_space<vmem>>, vector<1x16xi32>,
    %get3A_322 = arith.constant 1 : i32
    %get3A_323 = arith.index_cast %get3A_322 : i32 to index
    %get3A_324 = arith.constant 64 : index
    %get3A_325 = tpu.vector_load %arg5[%get3A_323, %get3A_324] {strides = array<i32>} : memref<4x128xi32, #tpu.memory_space<vmem>>, vector<1x16xi32>,
    %get3A_326 = vector.shape_cast %get3A_325 : vector<1x16xi32> to vector<16xi32>
    %ge3A_327 = arith.constant 51200 : i32
    %ge3A_328 = vector.broadcast %ge3A_327 : i32 to vector<16xi32>
    %ge3A_329 = arith.cmpi sge, %get3A_326, %ge3A_328 : vector<16xi32>
    %sub3A_330 = arith.constant 51200 : i32
    %sub3A_331 = vector.broadcast %sub3A_330 : i32 to vector<16xi32>
    %sub3A_332 = arith.subi %get3A_326, %sub3A_331 : vector<16xi32>
    %shift_left3A_333 = arith.constant 1 : i32
    %shift_left3A_334 = vector.broadcast %shift_left3A_333 : i32 to vector<16xi32>
    %shift_left3A_335 = arith.shli %sub3A_332, %shift_left3A_334 : vector<16xi32>
    %or3A_336 = arith.constant 1 : i32
    %or3A_337 = vector.broadcast %or3A_336 : i32 to vector<16xi32>
    %or3A_338 = arith.ori %shift_left3A_335, %or3A_337 : vector<16xi32>
    %shift_left3A_339 = arith.constant 1 : i32
    %shift_left3A_340 = vector.broadcast %shift_left3A_339 : i32 to vector<16xi32>
    %shift_left3A_341 = arith.shli %get3A_326, %shift_left3A_340 : vector<16xi32>
    %select_n3A_342 = arith.select %ge3A_329, %or3A_338, %shift_left3A_341 : vector<16xi1>, vector<16xi32>
    %swap3A_343 = arith.constant 1 : i32
    %swap3A_344 = arith.index_cast %swap3A_343 : i32 to index
    %swap3A_345 = arith.constant 64 : index
    %swap3A_346 = tpu.vector_load %arg5[%swap3A_344, %swap3A_345] {strides = array<i32>} : memref<4x128xi32, #tpu.memory_space<vmem>>, vector<1x16xi32>,
    %swap3A_347 = vector.shape_cast %swap3A_346 : vector<1x16xi32> to vector<16xi32>
    %swap3A_348 = vector.shape_cast %select_n3A_342 : vector<16xi32> to vector<1x16xi32>
    tpu.vector_store %arg5[%swap3A_344, %swap3A_345], %swap3A_348 {strides = array<i32>} : memref<4x128xi32, #tpu.memory_space<vmem>>, vector<1x16xi32>,
    %get3A_349 = arith.constant 1 : i32
    %get3A_350 = arith.index_cast %get3A_349 : i32 to index
    %get3A_351 = arith.constant 80 : index
    %get3A_352 = tpu.vector_load %arg5[%get3A_350, %get3A_351] {strides = array<i32>} : memref<4x128xi32, #tpu.memory_space<vmem>>, vector<1x16xi32>,
    %get3A_353 = vector.shape_cast %get3A_352 : vector<1x16xi32> to vector<16xi32>
    %ge3A_354 = arith.constant 51200 : i32
    %ge3A_355 = vector.broadcast %ge3A_354 : i32 to vector<16xi32>
    %ge3A_356 = arith.cmpi sge, %get3A_353, %ge3A_355 : vector<16xi32>
    %sub3A_357 = arith.constant 51200 : i32
    %sub3A_358 = vector.broadcast %sub3A_357 : i32 to vector<16xi32>
    %sub3A_359 = arith.subi %get3A_353, %sub3A_358 : vector<16xi32>
    %shift_left3A_360 = arith.constant 1 : i32
    %shift_left3A_361 = vector.broadcast %shift_left3A_360 : i32 to vector<16xi32>
    %shift_left3A_362 = arith.shli %sub3A_359, %shift_left3A_361 : vector<16xi32>
    %or3A_363 = arith.constant 1 : i32
    %or3A_364 = vector.broadcast %or3A_363 : i32 to vector<16xi32>
    %or3A_365 = arith.ori %shift_left3A_362, %or3A_364 : vector<16xi32>
    %shift_left3A_366 = arith.constant 1 : i32
    %shift_left3A_367 = vector.broadcast %shift_left3A_366 : i32 to vector<16xi32>
    %shift_left3A_368 = arith.shli %get3A_353, %shift_left3A_367 : vector<16xi32>
    %select_n3A_369 = arith.select %ge3A_356, %or3A_365, %shift_left3A_368 : vector<16xi1>, vector<16xi32>
    %swap3A_370 = arith.constant 1 : i32
    %swap3A_371 = arith.index_cast %swap3A_370 : i32 to index
    %swap3A_372 = arith.constant 80 : index
    %swap3A_373 = tpu.vector_load %arg5[%swap3A_371, %swap3A_372] {strides = array<i32>} : memref<4x128xi32, #tpu.memory_space<vmem>>, vector<1x16xi32>,
    %swap3A_374 = vector.shape_cast %swap3A_373 : vector<1x16xi32> to vector<16xi32>
    %swap3A_375 = vector.shape_cast %select_n3A_369 : vector<16xi32> to vector<1x16xi32>
    tpu.vector_store %arg5[%swap3A_371, %swap3A_372], %swap3A_375 {strides = array<i32>} : memref<4x128xi32, #tpu.memory_space<vmem>>, vector<1x16xi32>,
    %get3A_376 = arith.constant 1 : i32
    %get3A_377 = arith.index_cast %get3A_376 : i32 to index
    %get3A_378 = arith.constant 96 : index
    %get3A_379 = tpu.vector_load %arg5[%get3A_377, %get3A_378] {strides = array<i32>} : memref<4x128xi32, #tpu.memory_space<vmem>>, vector<1x16xi32>,
    %get3A_380 = vector.shape_cast %get3A_379 : vector<1x16xi32> to vector<16xi32>
    %ge3A_381 = arith.constant 51200 : i32
    %ge3A_382 = vector.broadcast %ge3A_381 : i32 to vector<16xi32>
    %ge3A_383 = arith.cmpi sge, %get3A_380, %ge3A_382 : vector<16xi32>
    %sub3A_384 = arith.constant 51200 : i32
    %sub3A_385 = vector.broadcast %sub3A_384 : i32 to vector<16xi32>
    %sub3A_386 = arith.subi %get3A_380, %sub3A_385 : vector<16xi32>
    %shift_left3A_387 = arith.constant 1 : i32
    %shift_left3A_388 = vector.broadcast %shift_left3A_387 : i32 to vector<16xi32>
    %shift_left3A_389 = arith.shli %sub3A_386, %shift_left3A_388 : vector<16xi32>
    %or3A_390 = arith.constant 1 : i32
    %or3A_391 = vector.broadcast %or3A_390 : i32 to vector<16xi32>
    %or3A_392 = arith.ori %shift_left3A_389, %or3A_391 : vector<16xi32>
    %shift_left3A_393 = arith.constant 1 : i32
    %shift_left3A_394 = vector.broadcast %shift_left3A_393 : i32 to vector<16xi32>
    %shift_left3A_395 = arith.shli %get3A_380, %shift_left3A_394 : vector<16xi32>
    %select_n3A_396 = arith.select %ge3A_383, %or3A_392, %shift_left3A_395 : vector<16xi1>, vector<16xi32>
    %swap3A_397 = arith.constant 1 : i32
    %swap3A_398 = arith.index_cast %swap3A_397 : i32 to index
    %swap3A_399 = arith.constant 96 : index
    %swap3A_400 = tpu.vector_load %arg5[%swap3A_398, %swap3A_399] {strides = array<i32>} : memref<4x128xi32, #tpu.memory_space<vmem>>, vector<1x16xi32>,
    %swap3A_401 = vector.shape_cast %swap3A_400 : vector<1x16xi32> to vector<16xi32>
    %swap3A_402 = vector.shape_cast %select_n3A_396 : vector<16xi32> to vector<1x16xi32>
    tpu.vector_store %arg5[%swap3A_398, %swap3A_399], %swap3A_402 {strides = array<i32>} : memref<4x128xi32, #tpu.memory_space<vmem>>, vector<1x16xi32>,
    %get3A_403 = arith.constant 1 : i32
    %get3A_404 = arith.index_cast %get3A_403 : i32 to index
    %get3A_405 = arith.constant 112 : index
    %get3A_406 = tpu.vector_load %arg5[%get3A_404, %get3A_405] {strides = array<i32>} : memref<4x128xi32, #tpu.memory_space<vmem>>, vector<1x16xi32>,
    %get3A_407 = vector.shape_cast %get3A_406 : vector<1x16xi32> to vector<16xi32>
    %ge3A_408 = arith.constant 51200 : i32
    %ge3A_409 = vector.broadcast %ge3A_408 : i32 to vector<16xi32>
    %ge3A_410 = arith.cmpi sge, %get3A_407, %ge3A_409 : vector<16xi32>
    %sub3A_411 = arith.constant 51200 : i32
    %sub3A_412 = vector.broadcast %sub3A_411 : i32 to vector<16xi32>
    %sub3A_413 = arith.subi %get3A_407, %sub3A_412 : vector<16xi32>
    %shift_left3A_414 = arith.constant 1 : i32
    %shift_left3A_415 = vector.broadcast %shift_left3A_414 : i32 to vector<16xi32>
    %shift_left3A_416 = arith.shli %sub3A_413, %shift_left3A_415 : vector<16xi32>
    %or3A_417 = arith.constant 1 : i32
    %or3A_418 = vector.broadcast %or3A_417 : i32 to vector<16xi32>
    %or3A_419 = arith.ori %shift_left3A_416, %or3A_418 : vector<16xi32>
    %shift_left3A_420 = arith.constant 1 : i32
    %shift_left3A_421 = vector.broadcast %shift_left3A_420 : i32 to vector<16xi32>
    %shift_left3A_422 = arith.shli %get3A_407, %shift_left3A_421 : vector<16xi32>
    %select_n3A_423 = arith.select %ge3A_410, %or3A_419, %shift_left3A_422 : vector<16xi1>, vector<16xi32>
    %swap3A_424 = arith.constant 1 : i32
    %swap3A_425 = arith.index_cast %swap3A_424 : i32 to index
    %swap3A_426 = arith.constant 112 : index
    %swap3A_427 = tpu.vector_load %arg5[%swap3A_425, %swap3A_426] {strides = array<i32>} : memref<4x128xi32, #tpu.memory_space<vmem>>, vector<1x16xi32>,
    %swap3A_428 = vector.shape_cast %swap3A_427 : vector<1x16xi32> to vector<16xi32>
    %swap3A_429 = vector.shape_cast %select_n3A_423 : vector<16xi32> to vector<1x16xi32>
    tpu.vector_store %arg5[%swap3A_425, %swap3A_426], %swap3A_429 {strides = array<i32>} : memref<4x128xi32, #tpu.memory_space<vmem>>, vector<1x16xi32>,
    %get3A_430 = arith.constant 2 : i32
    %get3A_431 = arith.index_cast %get3A_430 : i32 to index
    %get3A_432 = arith.constant 0 : index
    %get3A_433 = tpu.vector_load %arg5[%get3A_431, %get3A_432] {strides = array<i32>} : memref<4x128xi32, #tpu.memory_space<vmem>>, vector<1x16xi32>,
    %get3A_434 = vector.shape_cast %get3A_433 : vector<1x16xi32> to vector<16xi32>
    %ge3A_435 = arith.constant 51200 : i32
    %ge3A_436 = vector.broadcast %ge3A_435 : i32 to vector<16xi32>
    %ge3A_437 = arith.cmpi sge, %get3A_434, %ge3A_436 : vector<16xi32>
    %sub3A_438 = arith.constant 51200 : i32
    %sub3A_439 = vector.broadcast %sub3A_438 : i32 to vector<16xi32>
    %sub3A_440 = arith.subi %get3A_434, %sub3A_439 : vector<16xi32>
    %shift_left3A_441 = arith.constant 1 : i32
    %shift_left3A_442 = vector.broadcast %shift_left3A_441 : i32 to vector<16xi32>
    %shift_left3A_443 = arith.shli %sub3A_440, %shift_left3A_442 : vector<16xi32>
    %or3A_444 = arith.constant 1 : i32
    %or3A_445 = vector.broadcast %or3A_444 : i32 to vector<16xi32>
    %or3A_446 = arith.ori %shift_left3A_443, %or3A_445 : vector<16xi32>
    %shift_left3A_447 = arith.constant 1 : i32
    %shift_left3A_448 = vector.broadcast %shift_left3A_447 : i32 to vector<16xi32>
    %shift_left3A_449 = arith.shli %get3A_434, %shift_left3A_448 : vector<16xi32>
    %select_n3A_450 = arith.select %ge3A_437, %or3A_446, %shift_left3A_449 : vector<16xi1>, vector<16xi32>
    %swap3A_451 = arith.constant 2 : i32
    %swap3A_452 = arith.index_cast %swap3A_451 : i32 to index
    %swap3A_453 = arith.constant 0 : index
    %swap3A_454 = tpu.vector_load %arg5[%swap3A_452, %swap3A_453] {strides = array<i32>} : memref<4x128xi32, #tpu.memory_space<vmem>>, vector<1x16xi32>,
    %swap3A_455 = vector.shape_cast %swap3A_454 : vector<1x16xi32> to vector<16xi32>
    %swap3A_456 = vector.shape_cast %select_n3A_450 : vector<16xi32> to vector<1x16xi32>
    tpu.vector_store %arg5[%swap3A_452, %swap3A_453], %swap3A_456 {strides = array<i32>} : memref<4x128xi32, #tpu.memory_space<vmem>>, vector<1x16xi32>,
    %get3A_457 = arith.constant 2 : i32
    %get3A_458 = arith.index_cast %get3A_457 : i32 to index
    %get3A_459 = arith.constant 16 : index
    %get3A_460 = tpu.vector_load %arg5[%get3A_458, %get3A_459] {strides = array<i32>} : memref<4x128xi32, #tpu.memory_space<vmem>>, vector<1x16xi32>,
    %get3A_461 = vector.shape_cast %get3A_460 : vector<1x16xi32> to vector<16xi32>
    %ge3A_462 = arith.constant 51200 : i32
    %ge3A_463 = vector.broadcast %ge3A_462 : i32 to vector<16xi32>
    %ge3A_464 = arith.cmpi sge, %get3A_461, %ge3A_463 : vector<16xi32>
    %sub3A_465 = arith.constant 51200 : i32
    %sub3A_466 = vector.broadcast %sub3A_465 : i32 to vector<16xi32>
    %sub3A_467 = arith.subi %get3A_461, %sub3A_466 : vector<16xi32>
    %shift_left3A_468 = arith.constant 1 : i32
    %shift_left3A_469 = vector.broadcast %shift_left3A_468 : i32 to vector<16xi32>
    %shift_left3A_470 = arith.shli %sub3A_467, %shift_left3A_469 : vector<16xi32>
    %or3A_471 = arith.constant 1 : i32
    %or3A_472 = vector.broadcast %or3A_471 : i32 to vector<16xi32>
    %or3A_473 = arith.ori %shift_left3A_470, %or3A_472 : vector<16xi32>
    %shift_left3A_474 = arith.constant 1 : i32
    %shift_left3A_475 = vector.broadcast %shift_left3A_474 : i32 to vector<16xi32>
    %shift_left3A_476 = arith.shli %get3A_461, %shift_left3A_475 : vector<16xi32>
    %select_n3A_477 = arith.select %ge3A_464, %or3A_473, %shift_left3A_476 : vector<16xi1>, vector<16xi32>
    %swap3A_478 = arith.constant 2 : i32
    %swap3A_479 = arith.index_cast %swap3A_478 : i32 to index
    %swap3A_480 = arith.constant 16 : index
    %swap3A_481 = tpu.vector_load %arg5[%swap3A_479, %swap3A_480] {strides = array<i32>} : memref<4x128xi32, #tpu.memory_space<vmem>>, vector<1x16xi32>,
    %swap3A_482 = vector.shape_cast %swap3A_481 : vector<1x16xi32> to vector<16xi32>
    %swap3A_483 = vector.shape_cast %select_n3A_477 : vector<16xi32> to vector<1x16xi32>
    tpu.vector_store %arg5[%swap3A_479, %swap3A_480], %swap3A_483 {strides = array<i32>} : memref<4x128xi32, #tpu.memory_space<vmem>>, vector<1x16xi32>,
    %get3A_484 = arith.constant 2 : i32
    %get3A_485 = arith.index_cast %get3A_484 : i32 to index
    %get3A_486 = arith.constant 32 : index
    %get3A_487 = tpu.vector_load %arg5[%get3A_485, %get3A_486] {strides = array<i32>} : memref<4x128xi32, #tpu.memory_space<vmem>>, vector<1x16xi32>,
    %get3A_488 = vector.shape_cast %get3A_487 : vector<1x16xi32> to vector<16xi32>
    %ge3A_489 = arith.constant 51200 : i32
    %ge3A_490 = vector.broadcast %ge3A_489 : i32 to vector<16xi32>
    %ge3A_491 = arith.cmpi sge, %get3A_488, %ge3A_490 : vector<16xi32>
    %sub3A_492 = arith.constant 51200 : i32
    %sub3A_493 = vector.broadcast %sub3A_492 : i32 to vector<16xi32>
    %sub3A_494 = arith.subi %get3A_488, %sub3A_493 : vector<16xi32>
    %shift_left3A_495 = arith.constant 1 : i32
    %shift_left3A_496 = vector.broadcast %shift_left3A_495 : i32 to vector<16xi32>
    %shift_left3A_497 = arith.shli %sub3A_494, %shift_left3A_496 : vector<16xi32>
    %or3A_498 = arith.constant 1 : i32
    %or3A_499 = vector.broadcast %or3A_498 : i32 to vector<16xi32>
    %or3A_500 = arith.ori %shift_left3A_497, %or3A_499 : vector<16xi32>
    %shift_left3A_501 = arith.constant 1 : i32
    %shift_left3A_502 = vector.broadcast %shift_left3A_501 : i32 to vector<16xi32>
    %shift_left3A_503 = arith.shli %get3A_488, %shift_left3A_502 : vector<16xi32>
    %select_n3A_504 = arith.select %ge3A_491, %or3A_500, %shift_left3A_503 : vector<16xi1>, vector<16xi32>
    %swap3A_505 = arith.constant 2 : i32
    %swap3A_506 = arith.index_cast %swap3A_505 : i32 to index
    %swap3A_507 = arith.constant 32 : index
    %swap3A_508 = tpu.vector_load %arg5[%swap3A_506, %swap3A_507] {strides = array<i32>} : memref<4x128xi32, #tpu.memory_space<vmem>>, vector<1x16xi32>,
    %swap3A_509 = vector.shape_cast %swap3A_508 : vector<1x16xi32> to vector<16xi32>
    %swap3A_510 = vector.shape_cast %select_n3A_504 : vector<16xi32> to vector<1x16xi32>
    tpu.vector_store %arg5[%swap3A_506, %swap3A_507], %swap3A_510 {strides = array<i32>} : memref<4x128xi32, #tpu.memory_space<vmem>>, vector<1x16xi32>,
    %get3A_511 = arith.constant 2 : i32
    %get3A_512 = arith.index_cast %get3A_511 : i32 to index
    %get3A_513 = arith.constant 48 : index
    %get3A_514 = tpu.vector_load %arg5[%get3A_512, %get3A_513] {strides = array<i32>} : memref<4x128xi32, #tpu.memory_space<vmem>>, vector<1x16xi32>,
    %get3A_515 = vector.shape_cast %get3A_514 : vector<1x16xi32> to vector<16xi32>
    %ge3A_516 = arith.constant 51200 : i32
    %ge3A_517 = vector.broadcast %ge3A_516 : i32 to vector<16xi32>
    %ge3A_518 = arith.cmpi sge, %get3A_515, %ge3A_517 : vector<16xi32>
    %sub3A_519 = arith.constant 51200 : i32
    %sub3A_520 = vector.broadcast %sub3A_519 : i32 to vector<16xi32>
    %sub3A_521 = arith.subi %get3A_515, %sub3A_520 : vector<16xi32>
    %shift_left3A_522 = arith.constant 1 : i32
    %shift_left3A_523 = vector.broadcast %shift_left3A_522 : i32 to vector<16xi32>
    %shift_left3A_524 = arith.shli %sub3A_521, %shift_left3A_523 : vector<16xi32>
    %or3A_525 = arith.constant 1 : i32
    %or3A_526 = vector.broadcast %or3A_525 : i32 to vector<16xi32>
    %or3A_527 = arith.ori %shift_left3A_524, %or3A_526 : vector<16xi32>
    %shift_left3A_528 = arith.constant 1 : i32
    %shift_left3A_529 = vector.broadcast %shift_left3A_528 : i32 to vector<16xi32>
    %shift_left3A_530 = arith.shli %get3A_515, %shift_left3A_529 : vector<16xi32>
    %select_n3A_531 = arith.select %ge3A_518, %or3A_527, %shift_left3A_530 : vector<16xi1>, vector<16xi32>
    %swap3A_532 = arith.constant 2 : i32
    %swap3A_533 = arith.index_cast %swap3A_532 : i32 to index
    %swap3A_534 = arith.constant 48 : index
    %swap3A_535 = tpu.vector_load %arg5[%swap3A_533, %swap3A_534] {strides = array<i32>} : memref<4x128xi32, #tpu.memory_space<vmem>>, vector<1x16xi32>,
    %swap3A_536 = vector.shape_cast %swap3A_535 : vector<1x16xi32> to vector<16xi32>
    %swap3A_537 = vector.shape_cast %select_n3A_531 : vector<16xi32> to vector<1x16xi32>
    tpu.vector_store %arg5[%swap3A_533, %swap3A_534], %swap3A_537 {strides = array<i32>} : memref<4x128xi32, #tpu.memory_space<vmem>>, vector<1x16xi32>,
    %get3A_538 = arith.constant 2 : i32
    %get3A_539 = arith.index_cast %get3A_538 : i32 to index
    %get3A_540 = arith.constant 64 : index
    %get3A_541 = tpu.vector_load %arg5[%get3A_539, %get3A_540] {strides = array<i32>} : memref<4x128xi32, #tpu.memory_space<vmem>>, vector<1x16xi32>,
    %get3A_542 = vector.shape_cast %get3A_541 : vector<1x16xi32> to vector<16xi32>
    %ge3A_543 = arith.constant 51200 : i32
    %ge3A_544 = vector.broadcast %ge3A_543 : i32 to vector<16xi32>
    %ge3A_545 = arith.cmpi sge, %get3A_542, %ge3A_544 : vector<16xi32>
    %sub3A_546 = arith.constant 51200 : i32
    %sub3A_547 = vector.broadcast %sub3A_546 : i32 to vector<16xi32>
    %sub3A_548 = arith.subi %get3A_542, %sub3A_547 : vector<16xi32>
    %shift_left3A_549 = arith.constant 1 : i32
    %shift_left3A_550 = vector.broadcast %shift_left3A_549 : i32 to vector<16xi32>
    %shift_left3A_551 = arith.shli %sub3A_548, %shift_left3A_550 : vector<16xi32>
    %or3A_552 = arith.constant 1 : i32
    %or3A_553 = vector.broadcast %or3A_552 : i32 to vector<16xi32>
    %or3A_554 = arith.ori %shift_left3A_551, %or3A_553 : vector<16xi32>
    %shift_left3A_555 = arith.constant 1 : i32
    %shift_left3A_556 = vector.broadcast %shift_left3A_555 : i32 to vector<16xi32>
    %shift_left3A_557 = arith.shli %get3A_542, %shift_left3A_556 : vector<16xi32>
    %select_n3A_558 = arith.select %ge3A_545, %or3A_554, %shift_left3A_557 : vector<16xi1>, vector<16xi32>
    %swap3A_559 = arith.constant 2 : i32
    %swap3A_560 = arith.index_cast %swap3A_559 : i32 to index
    %swap3A_561 = arith.constant 64 : index
    %swap3A_562 = tpu.vector_load %arg5[%swap3A_560, %swap3A_561] {strides = array<i32>} : memref<4x128xi32, #tpu.memory_space<vmem>>, vector<1x16xi32>,
    %swap3A_563 = vector.shape_cast %swap3A_562 : vector<1x16xi32> to vector<16xi32>
    %swap3A_564 = vector.shape_cast %select_n3A_558 : vector<16xi32> to vector<1x16xi32>
    tpu.vector_store %arg5[%swap3A_560, %swap3A_561], %swap3A_564 {strides = array<i32>} : memref<4x128xi32, #tpu.memory_space<vmem>>, vector<1x16xi32>,
    %get3A_565 = arith.constant 2 : i32
    %get3A_566 = arith.index_cast %get3A_565 : i32 to index
    %get3A_567 = arith.constant 80 : index
    %get3A_568 = tpu.vector_load %arg5[%get3A_566, %get3A_567] {strides = array<i32>} : memref<4x128xi32, #tpu.memory_space<vmem>>, vector<1x16xi32>,
    %get3A_569 = vector.shape_cast %get3A_568 : vector<1x16xi32> to vector<16xi32>
    %ge3A_570 = arith.constant 51200 : i32
    %ge3A_571 = vector.broadcast %ge3A_570 : i32 to vector<16xi32>
    %ge3A_572 = arith.cmpi sge, %get3A_569, %ge3A_571 : vector<16xi32>
    %sub3A_573 = arith.constant 51200 : i32
    %sub3A_574 = vector.broadcast %sub3A_573 : i32 to vector<16xi32>
    %sub3A_575 = arith.subi %get3A_569, %sub3A_574 : vector<16xi32>
    %shift_left3A_576 = arith.constant 1 : i32
    %shift_left3A_577 = vector.broadcast %shift_left3A_576 : i32 to vector<16xi32>
    %shift_left3A_578 = arith.shli %sub3A_575, %shift_left3A_577 : vector<16xi32>
    %or3A_579 = arith.constant 1 : i32
    %or3A_580 = vector.broadcast %or3A_579 : i32 to vector<16xi32>
    %or3A_581 = arith.ori %shift_left3A_578, %or3A_580 : vector<16xi32>
    %shift_left3A_582 = arith.constant 1 : i32
    %shift_left3A_583 = vector.broadcast %shift_left3A_582 : i32 to vector<16xi32>
    %shift_left3A_584 = arith.shli %get3A_569, %shift_left3A_583 : vector<16xi32>
    %select_n3A_585 = arith.select %ge3A_572, %or3A_581, %shift_left3A_584 : vector<16xi1>, vector<16xi32>
    %swap3A_586 = arith.constant 2 : i32
    %swap3A_587 = arith.index_cast %swap3A_586 : i32 to index
    %swap3A_588 = arith.constant 80 : index
    %swap3A_589 = tpu.vector_load %arg5[%swap3A_587, %swap3A_588] {strides = array<i32>} : memref<4x128xi32, #tpu.memory_space<vmem>>, vector<1x16xi32>,
    %swap3A_590 = vector.shape_cast %swap3A_589 : vector<1x16xi32> to vector<16xi32>
    %swap3A_591 = vector.shape_cast %select_n3A_585 : vector<16xi32> to vector<1x16xi32>
    tpu.vector_store %arg5[%swap3A_587, %swap3A_588], %swap3A_591 {strides = array<i32>} : memref<4x128xi32, #tpu.memory_space<vmem>>, vector<1x16xi32>,
    %get3A_592 = arith.constant 2 : i32
    %get3A_593 = arith.index_cast %get3A_592 : i32 to index
    %get3A_594 = arith.constant 96 : index
    %get3A_595 = tpu.vector_load %arg5[%get3A_593, %get3A_594] {strides = array<i32>} : memref<4x128xi32, #tpu.memory_space<vmem>>, vector<1x16xi32>,
    %get3A_596 = vector.shape_cast %get3A_595 : vector<1x16xi32> to vector<16xi32>
    %ge3A_597 = arith.constant 51200 : i32
    %ge3A_598 = vector.broadcast %ge3A_597 : i32 to vector<16xi32>
    %ge3A_599 = arith.cmpi sge, %get3A_596, %ge3A_598 : vector<16xi32>
    %sub3A_600 = arith.constant 51200 : i32
    %sub3A_601 = vector.broadcast %sub3A_600 : i32 to vector<16xi32>
    %sub3A_602 = arith.subi %get3A_596, %sub3A_601 : vector<16xi32>
    %shift_left3A_603 = arith.constant 1 : i32
    %shift_left3A_604 = vector.broadcast %shift_left3A_603 : i32 to vector<16xi32>
    %shift_left3A_605 = arith.shli %sub3A_602, %shift_left3A_604 : vector<16xi32>
    %or3A_606 = arith.constant 1 : i32
    %or3A_607 = vector.broadcast %or3A_606 : i32 to vector<16xi32>
    %or3A_608 = arith.ori %shift_left3A_605, %or3A_607 : vector<16xi32>
    %shift_left3A_609 = arith.constant 1 : i32
    %shift_left3A_610 = vector.broadcast %shift_left3A_609 : i32 to vector<16xi32>
    %shift_left3A_611 = arith.shli %get3A_596, %shift_left3A_610 : vector<16xi32>
    %select_n3A_612 = arith.select %ge3A_599, %or3A_608, %shift_left3A_611 : vector<16xi1>, vector<16xi32>
    %swap3A_613 = arith.constant 2 : i32
    %swap3A_614 = arith.index_cast %swap3A_613 : i32 to index
    %swap3A_615 = arith.constant 96 : index
    %swap3A_616 = tpu.vector_load %arg5[%swap3A_614, %swap3A_615] {strides = array<i32>} : memref<4x128xi32, #tpu.memory_space<vmem>>, vector<1x16xi32>,
    %swap3A_617 = vector.shape_cast %swap3A_616 : vector<1x16xi32> to vector<16xi32>
    %swap3A_618 = vector.shape_cast %select_n3A_612 : vector<16xi32> to vector<1x16xi32>
    tpu.vector_store %arg5[%swap3A_614, %swap3A_615], %swap3A_618 {strides = array<i32>} : memref<4x128xi32, #tpu.memory_space<vmem>>, vector<1x16xi32>,
    %get3A_619 = arith.constant 2 : i32
    %get3A_620 = arith.index_cast %get3A_619 : i32 to index
    %get3A_621 = arith.constant 112 : index
    %get3A_622 = tpu.vector_load %arg5[%get3A_620, %get3A_621] {strides = array<i32>} : memref<4x128xi32, #tpu.memory_space<vmem>>, vector<1x16xi32>,
    %get3A_623 = vector.shape_cast %get3A_622 : vector<1x16xi32> to vector<16xi32>
    %ge3A_624 = arith.constant 51200 : i32
    %ge3A_625 = vector.broadcast %ge3A_624 : i32 to vector<16xi32>
    %ge3A_626 = arith.cmpi sge, %get3A_623, %ge3A_625 : vector<16xi32>
    %sub3A_627 = arith.constant 51200 : i32
    %sub3A_628 = vector.broadcast %sub3A_627 : i32 to vector<16xi32>
    %sub3A_629 = arith.subi %get3A_623, %sub3A_628 : vector<16xi32>
    %shift_left3A_630 = arith.constant 1 : i32
    %shift_left3A_631 = vector.broadcast %shift_left3A_630 : i32 to vector<16xi32>
    %shift_left3A_632 = arith.shli %sub3A_629, %shift_left3A_631 : vector<16xi32>
    %or3A_633 = arith.constant 1 : i32
    %or3A_634 = vector.broadcast %or3A_633 : i32 to vector<16xi32>
    %or3A_635 = arith.ori %shift_left3A_632, %or3A_634 : vector<16xi32>
    %shift_left3A_636 = arith.constant 1 : i32
    %shift_left3A_637 = vector.broadcast %shift_left3A_636 : i32 to vector<16xi32>
    %shift_left3A_638 = arith.shli %get3A_623, %shift_left3A_637 : vector<16xi32>
    %select_n3A_639 = arith.select %ge3A_626, %or3A_635, %shift_left3A_638 : vector<16xi1>, vector<16xi32>
    %swap3A_640 = arith.constant 2 : i32
    %swap3A_641 = arith.index_cast %swap3A_640 : i32 to index
    %swap3A_642 = arith.constant 112 : index
    %swap3A_643 = tpu.vector_load %arg5[%swap3A_641, %swap3A_642] {strides = array<i32>} : memref<4x128xi32, #tpu.memory_space<vmem>>, vector<1x16xi32>,
    %swap3A_644 = vector.shape_cast %swap3A_643 : vector<1x16xi32> to vector<16xi32>
    %swap3A_645 = vector.shape_cast %select_n3A_639 : vector<16xi32> to vector<1x16xi32>
    tpu.vector_store %arg5[%swap3A_641, %swap3A_642], %swap3A_645 {strides = array<i32>} : memref<4x128xi32, #tpu.memory_space<vmem>>, vector<1x16xi32>,
    %get3A_646 = arith.constant 3 : i32
    %get3A_647 = arith.index_cast %get3A_646 : i32 to index
    %get3A_648 = arith.constant 0 : index
    %get3A_649 = tpu.vector_load %arg5[%get3A_647, %get3A_648] {strides = array<i32>} : memref<4x128xi32, #tpu.memory_space<vmem>>, vector<1x16xi32>,
    %get3A_650 = vector.shape_cast %get3A_649 : vector<1x16xi32> to vector<16xi32>
    %ge3A_651 = arith.constant 51200 : i32
    %ge3A_652 = vector.broadcast %ge3A_651 : i32 to vector<16xi32>
    %ge3A_653 = arith.cmpi sge, %get3A_650, %ge3A_652 : vector<16xi32>
    %sub3A_654 = arith.constant 51200 : i32
    %sub3A_655 = vector.broadcast %sub3A_654 : i32 to vector<16xi32>
    %sub3A_656 = arith.subi %get3A_650, %sub3A_655 : vector<16xi32>
    %shift_left3A_657 = arith.constant 1 : i32
    %shift_left3A_658 = vector.broadcast %shift_left3A_657 : i32 to vector<16xi32>
    %shift_left3A_659 = arith.shli %sub3A_656, %shift_left3A_658 : vector<16xi32>
    %or3A_660 = arith.constant 1 : i32
    %or3A_661 = vector.broadcast %or3A_660 : i32 to vector<16xi32>
    %or3A_662 = arith.ori %shift_left3A_659, %or3A_661 : vector<16xi32>
    %shift_left3A_663 = arith.constant 1 : i32
    %shift_left3A_664 = vector.broadcast %shift_left3A_663 : i32 to vector<16xi32>
    %shift_left3A_665 = arith.shli %get3A_650, %shift_left3A_664 : vector<16xi32>
    %select_n3A_666 = arith.select %ge3A_653, %or3A_662, %shift_left3A_665 : vector<16xi1>, vector<16xi32>
    %swap3A_667 = arith.constant 3 : i32
    %swap3A_668 = arith.index_cast %swap3A_667 : i32 to index
    %swap3A_669 = arith.constant 0 : index
    %swap3A_670 = tpu.vector_load %arg5[%swap3A_668, %swap3A_669] {strides = array<i32>} : memref<4x128xi32, #tpu.memory_space<vmem>>, vector<1x16xi32>,
    %swap3A_671 = vector.shape_cast %swap3A_670 : vector<1x16xi32> to vector<16xi32>
    %swap3A_672 = vector.shape_cast %select_n3A_666 : vector<16xi32> to vector<1x16xi32>
    tpu.vector_store %arg5[%swap3A_668, %swap3A_669], %swap3A_672 {strides = array<i32>} : memref<4x128xi32, #tpu.memory_space<vmem>>, vector<1x16xi32>,
    %get3A_673 = arith.constant 3 : i32
    %get3A_674 = arith.index_cast %get3A_673 : i32 to index
    %get3A_675 = arith.constant 16 : index
    %get3A_676 = tpu.vector_load %arg5[%get3A_674, %get3A_675] {strides = array<i32>} : memref<4x128xi32, #tpu.memory_space<vmem>>, vector<1x16xi32>,
    %get3A_677 = vector.shape_cast %get3A_676 : vector<1x16xi32> to vector<16xi32>
    %ge3A_678 = arith.constant 51200 : i32
    %ge3A_679 = vector.broadcast %ge3A_678 : i32 to vector<16xi32>
    %ge3A_680 = arith.cmpi sge, %get3A_677, %ge3A_679 : vector<16xi32>
    %sub3A_681 = arith.constant 51200 : i32
    %sub3A_682 = vector.broadcast %sub3A_681 : i32 to vector<16xi32>
    %sub3A_683 = arith.subi %get3A_677, %sub3A_682 : vector<16xi32>
    %shift_left3A_684 = arith.constant 1 : i32
    %shift_left3A_685 = vector.broadcast %shift_left3A_684 : i32 to vector<16xi32>
    %shift_left3A_686 = arith.shli %sub3A_683, %shift_left3A_685 : vector<16xi32>
    %or3A_687 = arith.constant 1 : i32
    %or3A_688 = vector.broadcast %or3A_687 : i32 to vector<16xi32>
    %or3A_689 = arith.ori %shift_left3A_686, %or3A_688 : vector<16xi32>
    %shift_left3A_690 = arith.constant 1 : i32
    %shift_left3A_691 = vector.broadcast %shift_left3A_690 : i32 to vector<16xi32>
    %shift_left3A_692 = arith.shli %get3A_677, %shift_left3A_691 : vector<16xi32>
    %select_n3A_693 = arith.select %ge3A_680, %or3A_689, %shift_left3A_692 : vector<16xi1>, vector<16xi32>
    %swap3A_694 = arith.constant 3 : i32
    %swap3A_695 = arith.index_cast %swap3A_694 : i32 to index
    %swap3A_696 = arith.constant 16 : index
    %swap3A_697 = tpu.vector_load %arg5[%swap3A_695, %swap3A_696] {strides = array<i32>} : memref<4x128xi32, #tpu.memory_space<vmem>>, vector<1x16xi32>,
    %swap3A_698 = vector.shape_cast %swap3A_697 : vector<1x16xi32> to vector<16xi32>
    %swap3A_699 = vector.shape_cast %select_n3A_693 : vector<16xi32> to vector<1x16xi32>
    tpu.vector_store %arg5[%swap3A_695, %swap3A_696], %swap3A_699 {strides = array<i32>} : memref<4x128xi32, #tpu.memory_space<vmem>>, vector<1x16xi32>,
    %get3A_700 = arith.constant 3 : i32
    %get3A_701 = arith.index_cast %get3A_700 : i32 to index
    %get3A_702 = arith.constant 32 : index
    %get3A_703 = tpu.vector_load %arg5[%get3A_701, %get3A_702] {strides = array<i32>} : memref<4x128xi32, #tpu.memory_space<vmem>>, vector<1x16xi32>,
    %get3A_704 = vector.shape_cast %get3A_703 : vector<1x16xi32> to vector<16xi32>
    %ge3A_705 = arith.constant 51200 : i32
    %ge3A_706 = vector.broadcast %ge3A_705 : i32 to vector<16xi32>
    %ge3A_707 = arith.cmpi sge, %get3A_704, %ge3A_706 : vector<16xi32>
    %sub3A_708 = arith.constant 51200 : i32
    %sub3A_709 = vector.broadcast %sub3A_708 : i32 to vector<16xi32>
    %sub3A_710 = arith.subi %get3A_704, %sub3A_709 : vector<16xi32>
    %shift_left3A_711 = arith.constant 1 : i32
    %shift_left3A_712 = vector.broadcast %shift_left3A_711 : i32 to vector<16xi32>
    %shift_left3A_713 = arith.shli %sub3A_710, %shift_left3A_712 : vector<16xi32>
    %or3A_714 = arith.constant 1 : i32
    %or3A_715 = vector.broadcast %or3A_714 : i32 to vector<16xi32>
    %or3A_716 = arith.ori %shift_left3A_713, %or3A_715 : vector<16xi32>
    %shift_left3A_717 = arith.constant 1 : i32
    %shift_left3A_718 = vector.broadcast %shift_left3A_717 : i32 to vector<16xi32>
    %shift_left3A_719 = arith.shli %get3A_704, %shift_left3A_718 : vector<16xi32>
    %select_n3A_720 = arith.select %ge3A_707, %or3A_716, %shift_left3A_719 : vector<16xi1>, vector<16xi32>
    %swap3A_721 = arith.constant 3 : i32
    %swap3A_722 = arith.index_cast %swap3A_721 : i32 to index
    %swap3A_723 = arith.constant 32 : index
    %swap3A_724 = tpu.vector_load %arg5[%swap3A_722, %swap3A_723] {strides = array<i32>} : memref<4x128xi32, #tpu.memory_space<vmem>>, vector<1x16xi32>,
    %swap3A_725 = vector.shape_cast %swap3A_724 : vector<1x16xi32> to vector<16xi32>
    %swap3A_726 = vector.shape_cast %select_n3A_720 : vector<16xi32> to vector<1x16xi32>
    tpu.vector_store %arg5[%swap3A_722, %swap3A_723], %swap3A_726 {strides = array<i32>} : memref<4x128xi32, #tpu.memory_space<vmem>>, vector<1x16xi32>,
    %get3A_727 = arith.constant 3 : i32
    %get3A_728 = arith.index_cast %get3A_727 : i32 to index
    %get3A_729 = arith.constant 48 : index
    %get3A_730 = tpu.vector_load %arg5[%get3A_728, %get3A_729] {strides = array<i32>} : memref<4x128xi32, #tpu.memory_space<vmem>>, vector<1x16xi32>,
    %get3A_731 = vector.shape_cast %get3A_730 : vector<1x16xi32> to vector<16xi32>
    %ge3A_732 = arith.constant 51200 : i32
    %ge3A_733 = vector.broadcast %ge3A_732 : i32 to vector<16xi32>
    %ge3A_734 = arith.cmpi sge, %get3A_731, %ge3A_733 : vector<16xi32>
    %sub3A_735 = arith.constant 51200 : i32
    %sub3A_736 = vector.broadcast %sub3A_735 : i32 to vector<16xi32>
    %sub3A_737 = arith.subi %get3A_731, %sub3A_736 : vector<16xi32>
    %shift_left3A_738 = arith.constant 1 : i32
    %shift_left3A_739 = vector.broadcast %shift_left3A_738 : i32 to vector<16xi32>
    %shift_left3A_740 = arith.shli %sub3A_737, %shift_left3A_739 : vector<16xi32>
    %or3A_741 = arith.constant 1 : i32
    %or3A_742 = vector.broadcast %or3A_741 : i32 to vector<16xi32>
    %or3A_743 = arith.ori %shift_left3A_740, %or3A_742 : vector<16xi32>
    %shift_left3A_744 = arith.constant 1 : i32
    %shift_left3A_745 = vector.broadcast %shift_left3A_744 : i32 to vector<16xi32>
    %shift_left3A_746 = arith.shli %get3A_731, %shift_left3A_745 : vector<16xi32>
    %select_n3A_747 = arith.select %ge3A_734, %or3A_743, %shift_left3A_746 : vector<16xi1>, vector<16xi32>
    %swap3A_748 = arith.constant 3 : i32
    %swap3A_749 = arith.index_cast %swap3A_748 : i32 to index
    %swap3A_750 = arith.constant 48 : index
    %swap3A_751 = tpu.vector_load %arg5[%swap3A_749, %swap3A_750] {strides = array<i32>} : memref<4x128xi32, #tpu.memory_space<vmem>>, vector<1x16xi32>,
    %swap3A_752 = vector.shape_cast %swap3A_751 : vector<1x16xi32> to vector<16xi32>
    %swap3A_753 = vector.shape_cast %select_n3A_747 : vector<16xi32> to vector<1x16xi32>
    tpu.vector_store %arg5[%swap3A_749, %swap3A_750], %swap3A_753 {strides = array<i32>} : memref<4x128xi32, #tpu.memory_space<vmem>>, vector<1x16xi32>,
    %get3A_754 = arith.constant 3 : i32
    %get3A_755 = arith.index_cast %get3A_754 : i32 to index
    %get3A_756 = arith.constant 64 : index
    %get3A_757 = tpu.vector_load %arg5[%get3A_755, %get3A_756] {strides = array<i32>} : memref<4x128xi32, #tpu.memory_space<vmem>>, vector<1x16xi32>,
    %get3A_758 = vector.shape_cast %get3A_757 : vector<1x16xi32> to vector<16xi32>
    %ge3A_759 = arith.constant 51200 : i32
    %ge3A_760 = vector.broadcast %ge3A_759 : i32 to vector<16xi32>
    %ge3A_761 = arith.cmpi sge, %get3A_758, %ge3A_760 : vector<16xi32>
    %sub3A_762 = arith.constant 51200 : i32
    %sub3A_763 = vector.broadcast %sub3A_762 : i32 to vector<16xi32>
    %sub3A_764 = arith.subi %get3A_758, %sub3A_763 : vector<16xi32>
    %shift_left3A_765 = arith.constant 1 : i32
    %shift_left3A_766 = vector.broadcast %shift_left3A_765 : i32 to vector<16xi32>
    %shift_left3A_767 = arith.shli %sub3A_764, %shift_left3A_766 : vector<16xi32>
    %or3A_768 = arith.constant 1 : i32
    %or3A_769 = vector.broadcast %or3A_768 : i32 to vector<16xi32>
    %or3A_770 = arith.ori %shift_left3A_767, %or3A_769 : vector<16xi32>
    %shift_left3A_771 = arith.constant 1 : i32
    %shift_left3A_772 = vector.broadcast %shift_left3A_771 : i32 to vector<16xi32>
    %shift_left3A_773 = arith.shli %get3A_758, %shift_left3A_772 : vector<16xi32>
    %select_n3A_774 = arith.select %ge3A_761, %or3A_770, %shift_left3A_773 : vector<16xi1>, vector<16xi32>
    %swap3A_775 = arith.constant 3 : i32
    %swap3A_776 = arith.index_cast %swap3A_775 : i32 to index
    %swap3A_777 = arith.constant 64 : index
    %swap3A_778 = tpu.vector_load %arg5[%swap3A_776, %swap3A_777] {strides = array<i32>} : memref<4x128xi32, #tpu.memory_space<vmem>>, vector<1x16xi32>,
    %swap3A_779 = vector.shape_cast %swap3A_778 : vector<1x16xi32> to vector<16xi32>
    %swap3A_780 = vector.shape_cast %select_n3A_774 : vector<16xi32> to vector<1x16xi32>
    tpu.vector_store %arg5[%swap3A_776, %swap3A_777], %swap3A_780 {strides = array<i32>} : memref<4x128xi32, #tpu.memory_space<vmem>>, vector<1x16xi32>,
    %get3A_781 = arith.constant 3 : i32
    %get3A_782 = arith.index_cast %get3A_781 : i32 to index
    %get3A_783 = arith.constant 80 : index
    %get3A_784 = tpu.vector_load %arg5[%get3A_782, %get3A_783] {strides = array<i32>} : memref<4x128xi32, #tpu.memory_space<vmem>>, vector<1x16xi32>,
    %get3A_785 = vector.shape_cast %get3A_784 : vector<1x16xi32> to vector<16xi32>
    %ge3A_786 = arith.constant 51200 : i32
    %ge3A_787 = vector.broadcast %ge3A_786 : i32 to vector<16xi32>
    %ge3A_788 = arith.cmpi sge, %get3A_785, %ge3A_787 : vector<16xi32>
    %sub3A_789 = arith.constant 51200 : i32
    %sub3A_790 = vector.broadcast %sub3A_789 : i32 to vector<16xi32>
    %sub3A_791 = arith.subi %get3A_785, %sub3A_790 : vector<16xi32>
    %shift_left3A_792 = arith.constant 1 : i32
    %shift_left3A_793 = vector.broadcast %shift_left3A_792 : i32 to vector<16xi32>
    %shift_left3A_794 = arith.shli %sub3A_791, %shift_left3A_793 : vector<16xi32>
    %or3A_795 = arith.constant 1 : i32
    %or3A_796 = vector.broadcast %or3A_795 : i32 to vector<16xi32>
    %or3A_797 = arith.ori %shift_left3A_794, %or3A_796 : vector<16xi32>
    %shift_left3A_798 = arith.constant 1 : i32
    %shift_left3A_799 = vector.broadcast %shift_left3A_798 : i32 to vector<16xi32>
    %shift_left3A_800 = arith.shli %get3A_785, %shift_left3A_799 : vector<16xi32>
    %select_n3A_801 = arith.select %ge3A_788, %or3A_797, %shift_left3A_800 : vector<16xi1>, vector<16xi32>
    %swap3A_802 = arith.constant 3 : i32
    %swap3A_803 = arith.index_cast %swap3A_802 : i32 to index
    %swap3A_804 = arith.constant 80 : index
    %swap3A_805 = tpu.vector_load %arg5[%swap3A_803, %swap3A_804] {strides = array<i32>} : memref<4x128xi32, #tpu.memory_space<vmem>>, vector<1x16xi32>,
    %swap3A_806 = vector.shape_cast %swap3A_805 : vector<1x16xi32> to vector<16xi32>
    %swap3A_807 = vector.shape_cast %select_n3A_801 : vector<16xi32> to vector<1x16xi32>
    tpu.vector_store %arg5[%swap3A_803, %swap3A_804], %swap3A_807 {strides = array<i32>} : memref<4x128xi32, #tpu.memory_space<vmem>>, vector<1x16xi32>,
    %get3A_808 = arith.constant 3 : i32
    %get3A_809 = arith.index_cast %get3A_808 : i32 to index
    %get3A_810 = arith.constant 96 : index
    %get3A_811 = tpu.vector_load %arg5[%get3A_809, %get3A_810] {strides = array<i32>} : memref<4x128xi32, #tpu.memory_space<vmem>>, vector<1x16xi32>,
    %get3A_812 = vector.shape_cast %get3A_811 : vector<1x16xi32> to vector<16xi32>
    %ge3A_813 = arith.constant 51200 : i32
    %ge3A_814 = vector.broadcast %ge3A_813 : i32 to vector<16xi32>
    %ge3A_815 = arith.cmpi sge, %get3A_812, %ge3A_814 : vector<16xi32>
    %sub3A_816 = arith.constant 51200 : i32
    %sub3A_817 = vector.broadcast %sub3A_816 : i32 to vector<16xi32>
    %sub3A_818 = arith.subi %get3A_812, %sub3A_817 : vector<16xi32>
    %shift_left3A_819 = arith.constant 1 : i32
    %shift_left3A_820 = vector.broadcast %shift_left3A_819 : i32 to vector<16xi32>
    %shift_left3A_821 = arith.shli %sub3A_818, %shift_left3A_820 : vector<16xi32>
    %or3A_822 = arith.constant 1 : i32
    %or3A_823 = vector.broadcast %or3A_822 : i32 to vector<16xi32>
    %or3A_824 = arith.ori %shift_left3A_821, %or3A_823 : vector<16xi32>
    %shift_left3A_825 = arith.constant 1 : i32
    %shift_left3A_826 = vector.broadcast %shift_left3A_825 : i32 to vector<16xi32>
    %shift_left3A_827 = arith.shli %get3A_812, %shift_left3A_826 : vector<16xi32>
    %select_n3A_828 = arith.select %ge3A_815, %or3A_824, %shift_left3A_827 : vector<16xi1>, vector<16xi32>
    %swap3A_829 = arith.constant 3 : i32
    %swap3A_830 = arith.index_cast %swap3A_829 : i32 to index
    %swap3A_831 = arith.constant 96 : index
    %swap3A_832 = tpu.vector_load %arg5[%swap3A_830, %swap3A_831] {strides = array<i32>} : memref<4x128xi32, #tpu.memory_space<vmem>>, vector<1x16xi32>,
    %swap3A_833 = vector.shape_cast %swap3A_832 : vector<1x16xi32> to vector<16xi32>
    %swap3A_834 = vector.shape_cast %select_n3A_828 : vector<16xi32> to vector<1x16xi32>
    tpu.vector_store %arg5[%swap3A_830, %swap3A_831], %swap3A_834 {strides = array<i32>} : memref<4x128xi32, #tpu.memory_space<vmem>>, vector<1x16xi32>,
    %get3A_835 = arith.constant 3 : i32
    %get3A_836 = arith.index_cast %get3A_835 : i32 to index
    %get3A_837 = arith.constant 112 : index
    %get3A_838 = tpu.vector_load %arg5[%get3A_836, %get3A_837] {strides = array<i32>} : memref<4x128xi32, #tpu.memory_space<vmem>>, vector<1x16xi32>,
    %get3A_839 = vector.shape_cast %get3A_838 : vector<1x16xi32> to vector<16xi32>
    %ge3A_840 = arith.constant 51200 : i32
    %ge3A_841 = vector.broadcast %ge3A_840 : i32 to vector<16xi32>
    %ge3A_842 = arith.cmpi sge, %get3A_839, %ge3A_841 : vector<16xi32>
    %sub3A_843 = arith.constant 51200 : i32
    %sub3A_844 = vector.broadcast %sub3A_843 : i32 to vector<16xi32>
    %sub3A_845 = arith.subi %get3A_839, %sub3A_844 : vector<16xi32>
    %shift_left3A_846 = arith.constant 1 : i32
    %shift_left3A_847 = vector.broadcast %shift_left3A_846 : i32 to vector<16xi32>
    %shift_left3A_848 = arith.shli %sub3A_845, %shift_left3A_847 : vector<16xi32>
    %or3A_849 = arith.constant 1 : i32
    %or3A_850 = vector.broadcast %or3A_849 : i32 to vector<16xi32>
    %or3A_851 = arith.ori %shift_left3A_848, %or3A_850 : vector<16xi32>
    %shift_left3A_852 = arith.constant 1 : i32
    %shift_left3A_853 = vector.broadcast %shift_left3A_852 : i32 to vector<16xi32>
    %shift_left3A_854 = arith.shli %get3A_839, %shift_left3A_853 : vector<16xi32>
    %select_n3A_855 = arith.select %ge3A_842, %or3A_851, %shift_left3A_854 : vector<16xi1>, vector<16xi32>
    %swap3A_856 = arith.constant 3 : i32
    %swap3A_857 = arith.index_cast %swap3A_856 : i32 to index
    %swap3A_858 = arith.constant 112 : index
    %swap3A_859 = tpu.vector_load %arg5[%swap3A_857, %swap3A_858] {strides = array<i32>} : memref<4x128xi32, #tpu.memory_space<vmem>>, vector<1x16xi32>,
    %swap3A_860 = vector.shape_cast %swap3A_859 : vector<1x16xi32> to vector<16xi32>
    %swap3A_861 = vector.shape_cast %select_n3A_855 : vector<16xi32> to vector<1x16xi32>
    tpu.vector_store %arg5[%swap3A_857, %swap3A_858], %swap3A_861 {strides = array<i32>} : memref<4x128xi32, #tpu.memory_space<vmem>>, vector<1x16xi32>,
    %dma_start3A = arith.constant 0 : i32
    %dma_start3A_862 = arith.constant 0 : i32
    %dma_start3A_863 = tpu.memref_slice %arg5[%dma_start3A, %dma_start3A_862] : memref<4x128xi32, #tpu.memory_space<vmem>> -> memref<1x128xi32, #tpu.memory_space<vmem>>
    %dma_start3A_864 = tpu.memref_squeeze %dma_start3A_863 : memref<1x128xi32, #tpu.memory_space<vmem>> -> memref<128xi32, #tpu.memory_space<vmem>>
    %dma_start3A_865 = arith.constant 0 : i32
    %dma_start3A_866 = arith.constant 0 : i32
    %dma_start3A_867 = tpu.memref_slice %arg3[%dma_start3A_865, %dma_start3A_866] : memref<102400x64xi32, #tpu.memory_space<hbm>> -> memref<102400x64xi32, #tpu.memory_space<hbm>>
    tpu.enqueue_indirect_dma source(%dma_start3A_867 : memref<102400x64xi32, #tpu.memory_space<hbm>>) target(%arg6 : memref<128x64xi32, #tpu.memory_space<vmem>>) offsets(%dma_start3A_864 : memref<128xi32, #tpu.memory_space<vmem>>) semaphore(%arg8 : memref<!tpu.dma_semaphore, #tpu.memory_space<semaphore_mem>>)
    %dma_wait3A = arith.constant 0 : i32
    %dma_wait3A_868 = arith.constant 0 : i32
    %dma_wait3A_869 = tpu.memref_slice %arg5[%dma_wait3A, %dma_wait3A_868] : memref<4x128xi32, #tpu.memory_space<vmem>> -> memref<1x128xi32, #tpu.memory_space<vmem>>
    %dma_wait3A_870 = tpu.memref_squeeze %dma_wait3A_869 : memref<1x128xi32, #tpu.memory_space<vmem>> -> memref<128xi32, #tpu.memory_space<vmem>>
    %dma_wait3A_871 = arith.constant 0 : i32
    %dma_wait3A_872 = arith.constant 0 : i32
    %dma_wait3A_873 = tpu.memref_slice %arg3[%dma_wait3A_871, %dma_wait3A_872] : memref<102400x64xi32, #tpu.memory_space<hbm>> -> memref<102400x64xi32, #tpu.memory_space<hbm>>
    tpu.wait_indirect_dma semaphore(%arg8 : memref<!tpu.dma_semaphore, #tpu.memory_space<semaphore_mem>>) src(%dma_wait3A_873 : memref<102400x64xi32, #tpu.memory_space<hbm>>) dst(%arg6 : memref<128x64xi32, #tpu.memory_space<vmem>>)
    %dma_start3A_874 = arith.constant 1 : i32
    %dma_start3A_875 = arith.constant 0 : i32
    %dma_start3A_876 = tpu.memref_slice %arg5[%dma_start3A_874, %dma_start3A_875] : memref<4x128xi32, #tpu.memory_space<vmem>> -> memref<1x128xi32, #tpu.memory_space<vmem>>
    %dma_start3A_877 = tpu.memref_squeeze %dma_start3A_876 : memref<1x128xi32, #tpu.memory_space<vmem>> -> memref<128xi32, #tpu.memory_space<vmem>>
    %dma_start3A_878 = arith.constant 0 : i32
    %dma_start3A_879 = arith.constant 0 : i32
    %dma_start3A_880 = tpu.memref_slice %arg3[%dma_start3A_878, %dma_start3A_879] : memref<102400x64xi32, #tpu.memory_space<hbm>> -> memref<102400x64xi32, #tpu.memory_space<hbm>>
    tpu.enqueue_indirect_dma source(%dma_start3A_880 : memref<102400x64xi32, #tpu.memory_space<hbm>>) target(%arg7 : memref<128x64xi32, #tpu.memory_space<vmem>>) offsets(%dma_start3A_877 : memref<128xi32, #tpu.memory_space<vmem>>) semaphore(%arg9 : memref<!tpu.dma_semaphore, #tpu.memory_space<semaphore_mem>>)
    %add3A_881 = arith.constant 0 : i32
    %add3A_882 = arith.addi %mul3A_2, %add3A_881 : i32
    %dma_start3A_883 = arith.constant 0 : i32
    %dma_start3A_884 = tpu.memref_slice %arg4[%add3A_882, %dma_start3A_883] : memref<16384x64xi32, #tpu.memory_space<hbm>> -> memref<128x64xi32, #tpu.memory_space<hbm>>
    %dma_start3A_885 = arith.constant 0 : i32
    %dma_start3A_886 = tpu.memref_slice %arg4[%add3A_882, %dma_start3A_885] : memref<16384x64xi32, #tpu.memory_space<hbm>> -> memref<128x64xi32, #tpu.memory_space<hbm>>
    tpu.enqueue_dma source(%arg6 : memref<128x64xi32, #tpu.memory_space<vmem>>) target(%dma_start3A_886 : memref<128x64xi32, #tpu.memory_space<hbm>>) target_semaphore(%arg10 : memref<!tpu.dma_semaphore, #tpu.memory_space<semaphore_mem>>)
    %dma_wait3A_887 = arith.constant 1 : i32
    %dma_wait3A_888 = arith.constant 0 : i32
    %dma_wait3A_889 = tpu.memref_slice %arg5[%dma_wait3A_887, %dma_wait3A_888] : memref<4x128xi32, #tpu.memory_space<vmem>> -> memref<1x128xi32, #tpu.memory_space<vmem>>
    %dma_wait3A_890 = tpu.memref_squeeze %dma_wait3A_889 : memref<1x128xi32, #tpu.memory_space<vmem>> -> memref<128xi32, #tpu.memory_space<vmem>>
    %dma_wait3A_891 = arith.constant 0 : i32
    %dma_wait3A_892 = arith.constant 0 : i32
    %dma_wait3A_893 = tpu.memref_slice %arg3[%dma_wait3A_891, %dma_wait3A_892] : memref<102400x64xi32, #tpu.memory_space<hbm>> -> memref<102400x64xi32, #tpu.memory_space<hbm>>
    tpu.wait_indirect_dma semaphore(%arg9 : memref<!tpu.dma_semaphore, #tpu.memory_space<semaphore_mem>>) src(%dma_wait3A_893 : memref<102400x64xi32, #tpu.memory_space<hbm>>) dst(%arg7 : memref<128x64xi32, #tpu.memory_space<vmem>>)
    %dma_wait3A_894 = arith.constant 0 : i32
    %dma_wait3A_895 = tpu.memref_slice %arg4[%add3A_882, %dma_wait3A_894] : memref<16384x64xi32, #tpu.memory_space<hbm>> -> memref<128x64xi32, #tpu.memory_space<hbm>>
    %dma_wait3A_896 = arith.constant 0 : i32
    %dma_wait3A_897 = tpu.memref_slice %arg4[%add3A_882, %dma_wait3A_896] : memref<16384x64xi32, #tpu.memory_space<hbm>> -> memref<128x64xi32, #tpu.memory_space<hbm>>
    tpu.wait_dma2 semaphore(%arg10 : memref<!tpu.dma_semaphore, #tpu.memory_space<semaphore_mem>>) src(%arg6 : memref<128x64xi32, #tpu.memory_space<vmem>>) dst(%dma_wait3A_897 : memref<128x64xi32, #tpu.memory_space<hbm>>)
    %dma_start3A_898 = arith.constant 2 : i32
    %dma_start3A_899 = arith.constant 0 : i32
    %dma_start3A_900 = tpu.memref_slice %arg5[%dma_start3A_898, %dma_start3A_899] : memref<4x128xi32, #tpu.memory_space<vmem>> -> memref<1x128xi32, #tpu.memory_space<vmem>>
    %dma_start3A_901 = tpu.memref_squeeze %dma_start3A_900 : memref<1x128xi32, #tpu.memory_space<vmem>> -> memref<128xi32, #tpu.memory_space<vmem>>
    %dma_start3A_902 = arith.constant 0 : i32
    %dma_start3A_903 = arith.constant 0 : i32
    %dma_start3A_904 = tpu.memref_slice %arg3[%dma_start3A_902, %dma_start3A_903] : memref<102400x64xi32, #tpu.memory_space<hbm>> -> memref<102400x64xi32, #tpu.memory_space<hbm>>
    tpu.enqueue_indirect_dma source(%dma_start3A_904 : memref<102400x64xi32, #tpu.memory_space<hbm>>) target(%arg6 : memref<128x64xi32, #tpu.memory_space<vmem>>) offsets(%dma_start3A_901 : memref<128xi32, #tpu.memory_space<vmem>>) semaphore(%arg8 : memref<!tpu.dma_semaphore, #tpu.memory_space<semaphore_mem>>)
    %add3A_905 = arith.constant 128 : i32
    %add3A_906 = arith.addi %mul3A_2, %add3A_905 : i32
    %dma_start3A_907 = arith.constant 0 : i32
    %dma_start3A_908 = tpu.memref_slice %arg4[%add3A_906, %dma_start3A_907] : memref<16384x64xi32, #tpu.memory_space<hbm>> -> memref<128x64xi32, #tpu.memory_space<hbm>>
    %dma_start3A_909 = arith.constant 0 : i32
    %dma_start3A_910 = tpu.memref_slice %arg4[%add3A_906, %dma_start3A_909] : memref<16384x64xi32, #tpu.memory_space<hbm>> -> memref<128x64xi32, #tpu.memory_space<hbm>>
    tpu.enqueue_dma source(%arg7 : memref<128x64xi32, #tpu.memory_space<vmem>>) target(%dma_start3A_910 : memref<128x64xi32, #tpu.memory_space<hbm>>) target_semaphore(%arg10 : memref<!tpu.dma_semaphore, #tpu.memory_space<semaphore_mem>>)
    %dma_wait3A_911 = arith.constant 2 : i32
    %dma_wait3A_912 = arith.constant 0 : i32
    %dma_wait3A_913 = tpu.memref_slice %arg5[%dma_wait3A_911, %dma_wait3A_912] : memref<4x128xi32, #tpu.memory_space<vmem>> -> memref<1x128xi32, #tpu.memory_space<vmem>>
    %dma_wait3A_914 = tpu.memref_squeeze %dma_wait3A_913 : memref<1x128xi32, #tpu.memory_space<vmem>> -> memref<128xi32, #tpu.memory_space<vmem>>
    %dma_wait3A_915 = arith.constant 0 : i32
    %dma_wait3A_916 = arith.constant 0 : i32
    %dma_wait3A_917 = tpu.memref_slice %arg3[%dma_wait3A_915, %dma_wait3A_916] : memref<102400x64xi32, #tpu.memory_space<hbm>> -> memref<102400x64xi32, #tpu.memory_space<hbm>>
    tpu.wait_indirect_dma semaphore(%arg8 : memref<!tpu.dma_semaphore, #tpu.memory_space<semaphore_mem>>) src(%dma_wait3A_917 : memref<102400x64xi32, #tpu.memory_space<hbm>>) dst(%arg6 : memref<128x64xi32, #tpu.memory_space<vmem>>)
    %dma_wait3A_918 = arith.constant 0 : i32
    %dma_wait3A_919 = tpu.memref_slice %arg4[%add3A_906, %dma_wait3A_918] : memref<16384x64xi32, #tpu.memory_space<hbm>> -> memref<128x64xi32, #tpu.memory_space<hbm>>
    %dma_wait3A_920 = arith.constant 0 : i32
    %dma_wait3A_921 = tpu.memref_slice %arg4[%add3A_906, %dma_wait3A_920] : memref<16384x64xi32, #tpu.memory_space<hbm>> -> memref<128x64xi32, #tpu.memory_space<hbm>>
    tpu.wait_dma2 semaphore(%arg10 : memref<!tpu.dma_semaphore, #tpu.memory_space<semaphore_mem>>) src(%arg7 : memref<128x64xi32, #tpu.memory_space<vmem>>) dst(%dma_wait3A_921 : memref<128x64xi32, #tpu.memory_space<hbm>>)
    %dma_start3A_922 = arith.constant 3 : i32
    %dma_start3A_923 = arith.constant 0 : i32
    %dma_start3A_924 = tpu.memref_slice %arg5[%dma_start3A_922, %dma_start3A_923] : memref<4x128xi32, #tpu.memory_space<vmem>> -> memref<1x128xi32, #tpu.memory_space<vmem>>
    %dma_start3A_925 = tpu.memref_squeeze %dma_start3A_924 : memref<1x128xi32, #tpu.memory_space<vmem>> -> memref<128xi32, #tpu.memory_space<vmem>>
    %dma_start3A_926 = arith.constant 0 : i32
    %dma_start3A_927 = arith.constant 0 : i32
    %dma_start3A_928 = tpu.memref_slice %arg3[%dma_start3A_926, %dma_start3A_927] : memref<102400x64xi32, #tpu.memory_space<hbm>> -> memref<102400x64xi32, #tpu.memory_space<hbm>>
    tpu.enqueue_indirect_dma source(%dma_start3A_928 : memref<102400x64xi32, #tpu.memory_space<hbm>>) target(%arg7 : memref<128x64xi32, #tpu.memory_space<vmem>>) offsets(%dma_start3A_925 : memref<128xi32, #tpu.memory_space<vmem>>) semaphore(%arg9 : memref<!tpu.dma_semaphore, #tpu.memory_space<semaphore_mem>>)
    %add3A_929 = arith.constant 256 : i32
    %add3A_930 = arith.addi %mul3A_2, %add3A_929 : i32
    %dma_start3A_931 = arith.constant 0 : i32
    %dma_start3A_932 = tpu.memref_slice %arg4[%add3A_930, %dma_start3A_931] : memref<16384x64xi32, #tpu.memory_space<hbm>> -> memref<128x64xi32, #tpu.memory_space<hbm>>
    %dma_start3A_933 = arith.constant 0 : i32
    %dma_start3A_934 = tpu.memref_slice %arg4[%add3A_930, %dma_start3A_933] : memref<16384x64xi32, #tpu.memory_space<hbm>> -> memref<128x64xi32, #tpu.memory_space<hbm>>
    tpu.enqueue_dma source(%arg6 : memref<128x64xi32, #tpu.memory_space<vmem>>) target(%dma_start3A_934 : memref<128x64xi32, #tpu.memory_space<hbm>>) target_semaphore(%arg10 : memref<!tpu.dma_semaphore, #tpu.memory_space<semaphore_mem>>)
    %dma_wait3A_935 = arith.constant 3 : i32
    %dma_wait3A_936 = arith.constant 0 : i32
    %dma_wait3A_937 = tpu.memref_slice %arg5[%dma_wait3A_935, %dma_wait3A_936] : memref<4x128xi32, #tpu.memory_space<vmem>> -> memref<1x128xi32, #tpu.memory_space<vmem>>
    %dma_wait3A_938 = tpu.memref_squeeze %dma_wait3A_937 : memref<1x128xi32, #tpu.memory_space<vmem>> -> memref<128xi32, #tpu.memory_space<vmem>>
    %dma_wait3A_939 = arith.constant 0 : i32
    %dma_wait3A_940 = arith.constant 0 : i32
    %dma_wait3A_941 = tpu.memref_slice %arg3[%dma_wait3A_939, %dma_wait3A_940] : memref<102400x64xi32, #tpu.memory_space<hbm>> -> memref<102400x64xi32, #tpu.memory_space<hbm>>
    tpu.wait_indirect_dma semaphore(%arg9 : memref<!tpu.dma_semaphore, #tpu.memory_space<semaphore_mem>>) src(%dma_wait3A_941 : memref<102400x64xi32, #tpu.memory_space<hbm>>) dst(%arg7 : memref<128x64xi32, #tpu.memory_space<vmem>>)
    %add3A_942 = arith.constant 384 : i32
    %add3A_943 = arith.addi %mul3A_2, %add3A_942 : i32
    %dma_start3A_944 = arith.constant 0 : i32
    %dma_start3A_945 = tpu.memref_slice %arg4[%add3A_943, %dma_start3A_944] : memref<16384x64xi32, #tpu.memory_space<hbm>> -> memref<128x64xi32, #tpu.memory_space<hbm>>
    %dma_start3A_946 = arith.constant 0 : i32
    %dma_start3A_947 = tpu.memref_slice %arg4[%add3A_943, %dma_start3A_946] : memref<16384x64xi32, #tpu.memory_space<hbm>> -> memref<128x64xi32, #tpu.memory_space<hbm>>
    tpu.enqueue_dma source(%arg7 : memref<128x64xi32, #tpu.memory_space<vmem>>) target(%dma_start3A_947 : memref<128x64xi32, #tpu.memory_space<hbm>>) target_semaphore(%arg10 : memref<!tpu.dma_semaphore, #tpu.memory_space<semaphore_mem>>)
    %dma_wait3A_948 = arith.constant 0 : i32
    %dma_wait3A_949 = tpu.memref_slice %arg4[%add3A_930, %dma_wait3A_948] : memref<16384x64xi32, #tpu.memory_space<hbm>> -> memref<128x64xi32, #tpu.memory_space<hbm>>
    %dma_wait3A_950 = arith.constant 0 : i32
    %dma_wait3A_951 = tpu.memref_slice %arg4[%add3A_930, %dma_wait3A_950] : memref<16384x64xi32, #tpu.memory_space<hbm>> -> memref<128x64xi32, #tpu.memory_space<hbm>>
    tpu.wait_dma2 semaphore(%arg10 : memref<!tpu.dma_semaphore, #tpu.memory_space<semaphore_mem>>) src(%arg6 : memref<128x64xi32, #tpu.memory_space<vmem>>) dst(%dma_wait3A_951 : memref<128x64xi32, #tpu.memory_space<hbm>>)
    %dma_wait3A_952 = arith.constant 0 : i32
    %dma_wait3A_953 = tpu.memref_slice %arg4[%add3A_943, %dma_wait3A_952] : memref<16384x64xi32, #tpu.memory_space<hbm>> -> memref<128x64xi32, #tpu.memory_space<hbm>>
    %dma_wait3A_954 = arith.constant 0 : i32
    %dma_wait3A_955 = tpu.memref_slice %arg4[%add3A_943, %dma_wait3A_954] : memref<16384x64xi32, #tpu.memory_space<hbm>> -> memref<128x64xi32, #tpu.memory_space<hbm>>
    tpu.wait_dma2 semaphore(%arg10 : memref<!tpu.dma_semaphore, #tpu.memory_space<semaphore_mem>>) src(%arg7 : memref<128x64xi32, #tpu.memory_space<vmem>>) dst(%dma_wait3A_955 : memref<128x64xi32, #tpu.memory_space<hbm>>)
    return
  }
}

#map = affine_map<(d0, d1) -> (0, 0)>
module attributes {stable_mosaic.version = 14 : i64} {
  func.func @_sc_gather_kernel(%arg0: i32, %arg1: i32, %arg2: memref<128x128xi32, #tpu.memory_space<hbm>>, %arg3: memref<102400x64xi32, #tpu.memory_space<hbm>>, %arg4: memref<16384x64xi32, #tpu.memory_space<hbm>>, %arg5: memref<4x128xi32, #tpu.memory_space<vmem>>, %arg6: memref<128x64xi32, #tpu.memory_space<vmem>>, %arg7: memref<128x64xi32, #tpu.memory_space<vmem>>, %arg8: memref<!tpu.dma_semaphore, #tpu.memory_space<semaphore_mem>>, %arg9: memref<!tpu.dma_semaphore, #tpu.memory_space<semaphore_mem>>, %arg10: memref<!tpu.dma_semaphore, #tpu.memory_space<semaphore_mem>>) attributes {dimension_semantics = [#tpu.dimension_semantics<core_parallel>, #tpu.dimension_semantics<subcore_parallel>], iteration_bounds = array<i64: 2, 16>, scalar_prefetch = 0 : i64, scratch_operands = 6 : i64, tpu.core_type = #tpu.core_type<sc_vector_subcore>, window_params = [{transform_indices = #map}, {transform_indices = #map}, {transform_indices = #map}]} {
    %mul3A = arith.constant 2 : i32
    %mul3A_0 = arith.muli %arg1, %mul3A : i32
    %add3A = arith.addi %mul3A_0, %arg0 : i32
    %mul3A_1 = arith.constant 512 : i32
    %mul3A_2 = arith.muli %add3A, %mul3A_1 : i32
    %mul3A_3 = arith.constant 4 : i32
    %mul3A_4 = arith.muli %add3A, %mul3A_3 : i32
    "tpu.region"() ({
      %run_scoped3A = tpu.sem_alloc : memref<!tpu.dma_semaphore, #tpu.memory_space<semaphore_mem>>
      %dma_start3A_956 = arith.constant 0 : i32
      %dma_start3A_957 = tpu.memref_slice %arg2[%mul3A_4, %dma_start3A_956] : memref<128x128xi32, #tpu.memory_space<hbm>> -> memref<4x128xi32, #tpu.memory_space<hbm>>
      %dma_start3A_958 = arith.constant 0 : i32
      %dma_start3A_959 = tpu.memref_slice %arg2[%mul3A_4, %dma_start3A_958] : memref<128x128xi32, #tpu.memory_space<hbm>> -> memref<4x128xi32, #tpu.memory_space<hbm>>
      tpu.enqueue_dma source(%dma_start3A_959 : memref<4x128xi32, #tpu.memory_space<hbm>>) target(%arg5 : memref<4x128xi32, #tpu.memory_space<vmem>>) target_semaphore(%run_scoped3A : memref<!tpu.dma_semaphore, #tpu.memory_space<semaphore_mem>>)
      %dma_wait3A_960 = arith.constant 0 : i32
      %dma_wait3A_961 = tpu.memref_slice %arg2[%mul3A_4, %dma_wait3A_960] : memref<128x128xi32, #tpu.memory_space<hbm>> -> memref<4x128xi32, #tpu.memory_space<hbm>>
      %dma_wait3A_962 = arith.constant 0 : i32
      %dma_wait3A_963 = tpu.memref_slice %arg2[%mul3A_4, %dma_wait3A_962] : memref<128x128xi32, #tpu.memory_space<hbm>> -> memref<4x128xi32, #tpu.memory_space<hbm>>
      tpu.wait_dma2 semaphore(%run_scoped3A : memref<!tpu.dma_semaphore, #tpu.memory_space<semaphore_mem>>) src(%dma_wait3A_963 : memref<4x128xi32, #tpu.memory_space<hbm>>) dst(%arg5 : memref<4x128xi32, #tpu.memory_space<vmem>>)
      tpu.yield
    }) : () -> ()
    %get3A = arith.constant 0 : i32
    %get3A_5 = arith.index_cast %get3A : i32 to index
    %get3A_6 = arith.constant 0 : index
    %get3A_7 = tpu.vector_load %arg5[%get3A_5, %get3A_6] {strides = array<i32>} : memref<4x128xi32, #tpu.memory_space<vmem>>, vector<1x16xi32>,
    %get3A_8 = vector.shape_cast %get3A_7 : vector<1x16xi32> to vector<16xi32>
    %ge3A = arith.constant 51200 : i32
    %ge3A_9 = vector.broadcast %ge3A : i32 to vector<16xi32>
    %ge3A_10 = arith.cmpi sge, %get3A_8, %ge3A_9 : vector<16xi32>
    %sub3A = arith.constant 51200 : i32
    %sub3A_11 = vector.broadcast %sub3A : i32 to vector<16xi32>
    %sub3A_12 = arith.subi %get3A_8, %sub3A_11 : vector<16xi32>
    %shift_left3A = arith.constant 1 : i32
    %shift_left3A_13 = vector.broadcast %shift_left3A : i32 to vector<16xi32>
    %shift_left3A_14 = arith.shli %sub3A_12, %shift_left3A_13 : vector<16xi32>
    %or3A = arith.constant 1 : i32
    %or3A_15 = vector.broadcast %or3A : i32 to vector<16xi32>
    %or3A_16 = arith.ori %shift_left3A_14, %or3A_15 : vector<16xi32>
    %shift_left3A_17 = arith.constant 1 : i32
    %shift_left3A_18 = vector.broadcast %shift_left3A_17 : i32 to vector<16xi32>
    %shift_left3A_19 = arith.shli %get3A_8, %shift_left3A_18 : vector<16xi32>
    %select_n3A = arith.select %ge3A_10, %or3A_16, %shift_left3A_19 : vector<16xi1>, vector<16xi32>
    %swap3A = arith.constant 0 : i32
    %swap3A_20 = arith.index_cast %swap3A : i32 to index
    %swap3A_21 = arith.constant 0 : index
    %swap3A_22 = tpu.vector_load %arg5[%swap3A_20, %swap3A_21] {strides = array<i32>} : memref<4x128xi32, #tpu.memory_space<vmem>>, vector<1x16xi32>,
    %swap3A_23 = vector.shape_cast %swap3A_22 : vector<1x16xi32> to vector<16xi32>
    %swap3A_24 = vector.shape_cast %select_n3A : vector<16xi32> to vector<1x16xi32>
    tpu.vector_store %arg5[%swap3A_20, %swap3A_21], %swap3A_24 {strides = array<i32>} : memref<4x128xi32, #tpu.memory_space<vmem>>, vector<1x16xi32>,
    %get3A_25 = arith.constant 0 : i32
    %get3A_26 = arith.index_cast %get3A_25 : i32 to index
    %get3A_27 = arith.constant 16 : index
    %get3A_28 = tpu.vector_load %arg5[%get3A_26, %get3A_27] {strides = array<i32>} : memref<4x128xi32, #tpu.memory_space<vmem>>, vector<1x16xi32>,
    %get3A_29 = vector.shape_cast %get3A_28 : vector<1x16xi32> to vector<16xi32>
    %ge3A_30 = arith.constant 51200 : i32
    %ge3A_31 = vector.broadcast %ge3A_30 : i32 to vector<16xi32>
    %ge3A_32 = arith.cmpi sge, %get3A_29, %ge3A_31 : vector<16xi32>
    %sub3A_33 = arith.constant 51200 : i32
    %sub3A_34 = vector.broadcast %sub3A_33 : i32 to vector<16xi32>
    %sub3A_35 = arith.subi %get3A_29, %sub3A_34 : vector<16xi32>
    %shift_left3A_36 = arith.constant 1 : i32
    %shift_left3A_37 = vector.broadcast %shift_left3A_36 : i32 to vector<16xi32>
    %shift_left3A_38 = arith.shli %sub3A_35, %shift_left3A_37 : vector<16xi32>
    %or3A_39 = arith.constant 1 : i32
    %or3A_40 = vector.broadcast %or3A_39 : i32 to vector<16xi32>
    %or3A_41 = arith.ori %shift_left3A_38, %or3A_40 : vector<16xi32>
    %shift_left3A_42 = arith.constant 1 : i32
    %shift_left3A_43 = vector.broadcast %shift_left3A_42 : i32 to vector<16xi32>
    %shift_left3A_44 = arith.shli %get3A_29, %shift_left3A_43 : vector<16xi32>
    %select_n3A_45 = arith.select %ge3A_32, %or3A_41, %shift_left3A_44 : vector<16xi1>, vector<16xi32>
    %swap3A_46 = arith.constant 0 : i32
    %swap3A_47 = arith.index_cast %swap3A_46 : i32 to index
    %swap3A_48 = arith.constant 16 : index
    %swap3A_49 = tpu.vector_load %arg5[%swap3A_47, %swap3A_48] {strides = array<i32>} : memref<4x128xi32, #tpu.memory_space<vmem>>, vector<1x16xi32>,
    %swap3A_50 = vector.shape_cast %swap3A_49 : vector<1x16xi32> to vector<16xi32>
    %swap3A_51 = vector.shape_cast %select_n3A_45 : vector<16xi32> to vector<1x16xi32>
    tpu.vector_store %arg5[%swap3A_47, %swap3A_48], %swap3A_51 {strides = array<i32>} : memref<4x128xi32, #tpu.memory_space<vmem>>, vector<1x16xi32>,
    %get3A_52 = arith.constant 0 : i32
    %get3A_53 = arith.index_cast %get3A_52 : i32 to index
    %get3A_54 = arith.constant 32 : index
    %get3A_55 = tpu.vector_load %arg5[%get3A_53, %get3A_54] {strides = array<i32>} : memref<4x128xi32, #tpu.memory_space<vmem>>, vector<1x16xi32>,
    %get3A_56 = vector.shape_cast %get3A_55 : vector<1x16xi32> to vector<16xi32>
    %ge3A_57 = arith.constant 51200 : i32
    %ge3A_58 = vector.broadcast %ge3A_57 : i32 to vector<16xi32>
    %ge3A_59 = arith.cmpi sge, %get3A_56, %ge3A_58 : vector<16xi32>
    %sub3A_60 = arith.constant 51200 : i32
    %sub3A_61 = vector.broadcast %sub3A_60 : i32 to vector<16xi32>
    %sub3A_62 = arith.subi %get3A_56, %sub3A_61 : vector<16xi32>
    %shift_left3A_63 = arith.constant 1 : i32
    %shift_left3A_64 = vector.broadcast %shift_left3A_63 : i32 to vector<16xi32>
    %shift_left3A_65 = arith.shli %sub3A_62, %shift_left3A_64 : vector<16xi32>
    %or3A_66 = arith.constant 1 : i32
    %or3A_67 = vector.broadcast %or3A_66 : i32 to vector<16xi32>
    %or3A_68 = arith.ori %shift_left3A_65, %or3A_67 : vector<16xi32>
    %shift_left3A_69 = arith.constant 1 : i32
    %shift_left3A_70 = vector.broadcast %shift_left3A_69 : i32 to vector<16xi32>
    %shift_left3A_71 = arith.shli %get3A_56, %shift_left3A_70 : vector<16xi32>
    %select_n3A_72 = arith.select %ge3A_59, %or3A_68, %shift_left3A_71 : vector<16xi1>, vector<16xi32>
    %swap3A_73 = arith.constant 0 : i32
    %swap3A_74 = arith.index_cast %swap3A_73 : i32 to index
    %swap3A_75 = arith.constant 32 : index
    %swap3A_76 = tpu.vector_load %arg5[%swap3A_74, %swap3A_75] {strides = array<i32>} : memref<4x128xi32, #tpu.memory_space<vmem>>, vector<1x16xi32>,
    %swap3A_77 = vector.shape_cast %swap3A_76 : vector<1x16xi32> to vector<16xi32>
    %swap3A_78 = vector.shape_cast %select_n3A_72 : vector<16xi32> to vector<1x16xi32>
    tpu.vector_store %arg5[%swap3A_74, %swap3A_75], %swap3A_78 {strides = array<i32>} : memref<4x128xi32, #tpu.memory_space<vmem>>, vector<1x16xi32>,
    %get3A_79 = arith.constant 0 : i32
    %get3A_80 = arith.index_cast %get3A_79 : i32 to index
    %get3A_81 = arith.constant 48 : index
    %get3A_82 = tpu.vector_load %arg5[%get3A_80, %get3A_81] {strides = array<i32>} : memref<4x128xi32, #tpu.memory_space<vmem>>, vector<1x16xi32>,
    %get3A_83 = vector.shape_cast %get3A_82 : vector<1x16xi32> to vector<16xi32>
    %ge3A_84 = arith.constant 51200 : i32
    %ge3A_85 = vector.broadcast %ge3A_84 : i32 to vector<16xi32>
    %ge3A_86 = arith.cmpi sge, %get3A_83, %ge3A_85 : vector<16xi32>
    %sub3A_87 = arith.constant 51200 : i32
    %sub3A_88 = vector.broadcast %sub3A_87 : i32 to vector<16xi32>
    %sub3A_89 = arith.subi %get3A_83, %sub3A_88 : vector<16xi32>
    %shift_left3A_90 = arith.constant 1 : i32
    %shift_left3A_91 = vector.broadcast %shift_left3A_90 : i32 to vector<16xi32>
    %shift_left3A_92 = arith.shli %sub3A_89, %shift_left3A_91 : vector<16xi32>
    %or3A_93 = arith.constant 1 : i32
    %or3A_94 = vector.broadcast %or3A_93 : i32 to vector<16xi32>
    %or3A_95 = arith.ori %shift_left3A_92, %or3A_94 : vector<16xi32>
    %shift_left3A_96 = arith.constant 1 : i32
    %shift_left3A_97 = vector.broadcast %shift_left3A_96 : i32 to vector<16xi32>
    %shift_left3A_98 = arith.shli %get3A_83, %shift_left3A_97 : vector<16xi32>
    %select_n3A_99 = arith.select %ge3A_86, %or3A_95, %shift_left3A_98 : vector<16xi1>, vector<16xi32>
    %swap3A_100 = arith.constant 0 : i32
    %swap3A_101 = arith.index_cast %swap3A_100 : i32 to index
    %swap3A_102 = arith.constant 48 : index
    %swap3A_103 = tpu.vector_load %arg5[%swap3A_101, %swap3A_102] {strides = array<i32>} : memref<4x128xi32, #tpu.memory_space<vmem>>, vector<1x16xi32>,
    %swap3A_104 = vector.shape_cast %swap3A_103 : vector<1x16xi32> to vector<16xi32>
    %swap3A_105 = vector.shape_cast %select_n3A_99 : vector<16xi32> to vector<1x16xi32>
    tpu.vector_store %arg5[%swap3A_101, %swap3A_102], %swap3A_105 {strides = array<i32>} : memref<4x128xi32, #tpu.memory_space<vmem>>, vector<1x16xi32>,
    %get3A_106 = arith.constant 0 : i32
    %get3A_107 = arith.index_cast %get3A_106 : i32 to index
    %get3A_108 = arith.constant 64 : index
    %get3A_109 = tpu.vector_load %arg5[%get3A_107, %get3A_108] {strides = array<i32>} : memref<4x128xi32, #tpu.memory_space<vmem>>, vector<1x16xi32>,
    %get3A_110 = vector.shape_cast %get3A_109 : vector<1x16xi32> to vector<16xi32>
    %ge3A_111 = arith.constant 51200 : i32
    %ge3A_112 = vector.broadcast %ge3A_111 : i32 to vector<16xi32>
    %ge3A_113 = arith.cmpi sge, %get3A_110, %ge3A_112 : vector<16xi32>
    %sub3A_114 = arith.constant 51200 : i32
    %sub3A_115 = vector.broadcast %sub3A_114 : i32 to vector<16xi32>
    %sub3A_116 = arith.subi %get3A_110, %sub3A_115 : vector<16xi32>
    %shift_left3A_117 = arith.constant 1 : i32
    %shift_left3A_118 = vector.broadcast %shift_left3A_117 : i32 to vector<16xi32>
    %shift_left3A_119 = arith.shli %sub3A_116, %shift_left3A_118 : vector<16xi32>
    %or3A_120 = arith.constant 1 : i32
    %or3A_121 = vector.broadcast %or3A_120 : i32 to vector<16xi32>
    %or3A_122 = arith.ori %shift_left3A_119, %or3A_121 : vector<16xi32>
    %shift_left3A_123 = arith.constant 1 : i32
    %shift_left3A_124 = vector.broadcast %shift_left3A_123 : i32 to vector<16xi32>
    %shift_left3A_125 = arith.shli %get3A_110, %shift_left3A_124 : vector<16xi32>
    %select_n3A_126 = arith.select %ge3A_113, %or3A_122, %shift_left3A_125 : vector<16xi1>, vector<16xi32>
    %swap3A_127 = arith.constant 0 : i32
    %swap3A_128 = arith.index_cast %swap3A_127 : i32 to index
    %swap3A_129 = arith.constant 64 : index
    %swap3A_130 = tpu.vector_load %arg5[%swap3A_128, %swap3A_129] {strides = array<i32>} : memref<4x128xi32, #tpu.memory_space<vmem>>, vector<1x16xi32>,
    %swap3A_131 = vector.shape_cast %swap3A_130 : vector<1x16xi32> to vector<16xi32>
    %swap3A_132 = vector.shape_cast %select_n3A_126 : vector<16xi32> to vector<1x16xi32>
    tpu.vector_store %arg5[%swap3A_128, %swap3A_129], %swap3A_132 {strides = array<i32>} : memref<4x128xi32, #tpu.memory_space<vmem>>, vector<1x16xi32>,
    %get3A_133 = arith.constant 0 : i32
    %get3A_134 = arith.index_cast %get3A_133 : i32 to index
    %get3A_135 = arith.constant 80 : index
    %get3A_136 = tpu.vector_load %arg5[%get3A_134, %get3A_135] {strides = array<i32>} : memref<4x128xi32, #tpu.memory_space<vmem>>, vector<1x16xi32>,
    %get3A_137 = vector.shape_cast %get3A_136 : vector<1x16xi32> to vector<16xi32>
    %ge3A_138 = arith.constant 51200 : i32
    %ge3A_139 = vector.broadcast %ge3A_138 : i32 to vector<16xi32>
    %ge3A_140 = arith.cmpi sge, %get3A_137, %ge3A_139 : vector<16xi32>
    %sub3A_141 = arith.constant 51200 : i32
    %sub3A_142 = vector.broadcast %sub3A_141 : i32 to vector<16xi32>
    %sub3A_143 = arith.subi %get3A_137, %sub3A_142 : vector<16xi32>
    %shift_left3A_144 = arith.constant 1 : i32
    %shift_left3A_145 = vector.broadcast %shift_left3A_144 : i32 to vector<16xi32>
    %shift_left3A_146 = arith.shli %sub3A_143, %shift_left3A_145 : vector<16xi32>
    %or3A_147 = arith.constant 1 : i32
    %or3A_148 = vector.broadcast %or3A_147 : i32 to vector<16xi32>
    %or3A_149 = arith.ori %shift_left3A_146, %or3A_148 : vector<16xi32>
    %shift_left3A_150 = arith.constant 1 : i32
    %shift_left3A_151 = vector.broadcast %shift_left3A_150 : i32 to vector<16xi32>
    %shift_left3A_152 = arith.shli %get3A_137, %shift_left3A_151 : vector<16xi32>
    %select_n3A_153 = arith.select %ge3A_140, %or3A_149, %shift_left3A_152 : vector<16xi1>, vector<16xi32>
    %swap3A_154 = arith.constant 0 : i32
    %swap3A_155 = arith.index_cast %swap3A_154 : i32 to index
    %swap3A_156 = arith.constant 80 : index
    %swap3A_157 = tpu.vector_load %arg5[%swap3A_155, %swap3A_156] {strides = array<i32>} : memref<4x128xi32, #tpu.memory_space<vmem>>, vector<1x16xi32>,
    %swap3A_158 = vector.shape_cast %swap3A_157 : vector<1x16xi32> to vector<16xi32>
    %swap3A_159 = vector.shape_cast %select_n3A_153 : vector<16xi32> to vector<1x16xi32>
    tpu.vector_store %arg5[%swap3A_155, %swap3A_156], %swap3A_159 {strides = array<i32>} : memref<4x128xi32, #tpu.memory_space<vmem>>, vector<1x16xi32>,
    %get3A_160 = arith.constant 0 : i32
    %get3A_161 = arith.index_cast %get3A_160 : i32 to index
    %get3A_162 = arith.constant 96 : index
    %get3A_163 = tpu.vector_load %arg5[%get3A_161, %get3A_162] {strides = array<i32>} : memref<4x128xi32, #tpu.memory_space<vmem>>, vector<1x16xi32>,
    %get3A_164 = vector.shape_cast %get3A_163 : vector<1x16xi32> to vector<16xi32>
    %ge3A_165 = arith.constant 51200 : i32
    %ge3A_166 = vector.broadcast %ge3A_165 : i32 to vector<16xi32>
    %ge3A_167 = arith.cmpi sge, %get3A_164, %ge3A_166 : vector<16xi32>
    %sub3A_168 = arith.constant 51200 : i32
    %sub3A_169 = vector.broadcast %sub3A_168 : i32 to vector<16xi32>
    %sub3A_170 = arith.subi %get3A_164, %sub3A_169 : vector<16xi32>
    %shift_left3A_171 = arith.constant 1 : i32
    %shift_left3A_172 = vector.broadcast %shift_left3A_171 : i32 to vector<16xi32>
    %shift_left3A_173 = arith.shli %sub3A_170, %shift_left3A_172 : vector<16xi32>
    %or3A_174 = arith.constant 1 : i32
    %or3A_175 = vector.broadcast %or3A_174 : i32 to vector<16xi32>
    %or3A_176 = arith.ori %shift_left3A_173, %or3A_175 : vector<16xi32>
    %shift_left3A_177 = arith.constant 1 : i32
    %shift_left3A_178 = vector.broadcast %shift_left3A_177 : i32 to vector<16xi32>
    %shift_left3A_179 = arith.shli %get3A_164, %shift_left3A_178 : vector<16xi32>
    %select_n3A_180 = arith.select %ge3A_167, %or3A_176, %shift_left3A_179 : vector<16xi1>, vector<16xi32>
    %swap3A_181 = arith.constant 0 : i32
    %swap3A_182 = arith.index_cast %swap3A_181 : i32 to index
    %swap3A_183 = arith.constant 96 : index
    %swap3A_184 = tpu.vector_load %arg5[%swap3A_182, %swap3A_183] {strides = array<i32>} : memref<4x128xi32, #tpu.memory_space<vmem>>, vector<1x16xi32>,
    %swap3A_185 = vector.shape_cast %swap3A_184 : vector<1x16xi32> to vector<16xi32>
    %swap3A_186 = vector.shape_cast %select_n3A_180 : vector<16xi32> to vector<1x16xi32>
    tpu.vector_store %arg5[%swap3A_182, %swap3A_183], %swap3A_186 {strides = array<i32>} : memref<4x128xi32, #tpu.memory_space<vmem>>, vector<1x16xi32>,
    %get3A_187 = arith.constant 0 : i32
    %get3A_188 = arith.index_cast %get3A_187 : i32 to index
    %get3A_189 = arith.constant 112 : index
    %get3A_190 = tpu.vector_load %arg5[%get3A_188, %get3A_189] {strides = array<i32>} : memref<4x128xi32, #tpu.memory_space<vmem>>, vector<1x16xi32>,
    %get3A_191 = vector.shape_cast %get3A_190 : vector<1x16xi32> to vector<16xi32>
    %ge3A_192 = arith.constant 51200 : i32
    %ge3A_193 = vector.broadcast %ge3A_192 : i32 to vector<16xi32>
    %ge3A_194 = arith.cmpi sge, %get3A_191, %ge3A_193 : vector<16xi32>
    %sub3A_195 = arith.constant 51200 : i32
    %sub3A_196 = vector.broadcast %sub3A_195 : i32 to vector<16xi32>
    %sub3A_197 = arith.subi %get3A_191, %sub3A_196 : vector<16xi32>
    %shift_left3A_198 = arith.constant 1 : i32
    %shift_left3A_199 = vector.broadcast %shift_left3A_198 : i32 to vector<16xi32>
    %shift_left3A_200 = arith.shli %sub3A_197, %shift_left3A_199 : vector<16xi32>
    %or3A_201 = arith.constant 1 : i32
    %or3A_202 = vector.broadcast %or3A_201 : i32 to vector<16xi32>
    %or3A_203 = arith.ori %shift_left3A_200, %or3A_202 : vector<16xi32>
    %shift_left3A_204 = arith.constant 1 : i32
    %shift_left3A_205 = vector.broadcast %shift_left3A_204 : i32 to vector<16xi32>
    %shift_left3A_206 = arith.shli %get3A_191, %shift_left3A_205 : vector<16xi32>
    %select_n3A_207 = arith.select %ge3A_194, %or3A_203, %shift_left3A_206 : vector<16xi1>, vector<16xi32>
    %swap3A_208 = arith.constant 0 : i32
    %swap3A_209 = arith.index_cast %swap3A_208 : i32 to index
    %swap3A_210 = arith.constant 112 : index
    %swap3A_211 = tpu.vector_load %arg5[%swap3A_209, %swap3A_210] {strides = array<i32>} : memref<4x128xi32, #tpu.memory_space<vmem>>, vector<1x16xi32>,
    %swap3A_212 = vector.shape_cast %swap3A_211 : vector<1x16xi32> to vector<16xi32>
    %swap3A_213 = vector.shape_cast %select_n3A_207 : vector<16xi32> to vector<1x16xi32>
    tpu.vector_store %arg5[%swap3A_209, %swap3A_210], %swap3A_213 {strides = array<i32>} : memref<4x128xi32, #tpu.memory_space<vmem>>, vector<1x16xi32>,
    %get3A_214 = arith.constant 1 : i32
    %get3A_215 = arith.index_cast %get3A_214 : i32 to index
    %get3A_216 = arith.constant 0 : index
    %get3A_217 = tpu.vector_load %arg5[%get3A_215, %get3A_216] {strides = array<i32>} : memref<4x128xi32, #tpu.memory_space<vmem>>, vector<1x16xi32>,
    %get3A_218 = vector.shape_cast %get3A_217 : vector<1x16xi32> to vector<16xi32>
    %ge3A_219 = arith.constant 51200 : i32
    %ge3A_220 = vector.broadcast %ge3A_219 : i32 to vector<16xi32>
    %ge3A_221 = arith.cmpi sge, %get3A_218, %ge3A_220 : vector<16xi32>
    %sub3A_222 = arith.constant 51200 : i32
    %sub3A_223 = vector.broadcast %sub3A_222 : i32 to vector<16xi32>
    %sub3A_224 = arith.subi %get3A_218, %sub3A_223 : vector<16xi32>
    %shift_left3A_225 = arith.constant 1 : i32
    %shift_left3A_226 = vector.broadcast %shift_left3A_225 : i32 to vector<16xi32>
    %shift_left3A_227 = arith.shli %sub3A_224, %shift_left3A_226 : vector<16xi32>
    %or3A_228 = arith.constant 1 : i32
    %or3A_229 = vector.broadcast %or3A_228 : i32 to vector<16xi32>
    %or3A_230 = arith.ori %shift_left3A_227, %or3A_229 : vector<16xi32>
    %shift_left3A_231 = arith.constant 1 : i32
    %shift_left3A_232 = vector.broadcast %shift_left3A_231 : i32 to vector<16xi32>
    %shift_left3A_233 = arith.shli %get3A_218, %shift_left3A_232 : vector<16xi32>
    %select_n3A_234 = arith.select %ge3A_221, %or3A_230, %shift_left3A_233 : vector<16xi1>, vector<16xi32>
    %swap3A_235 = arith.constant 1 : i32
    %swap3A_236 = arith.index_cast %swap3A_235 : i32 to index
    %swap3A_237 = arith.constant 0 : index
    %swap3A_238 = tpu.vector_load %arg5[%swap3A_236, %swap3A_237] {strides = array<i32>} : memref<4x128xi32, #tpu.memory_space<vmem>>, vector<1x16xi32>,
    %swap3A_239 = vector.shape_cast %swap3A_238 : vector<1x16xi32> to vector<16xi32>
    %swap3A_240 = vector.shape_cast %select_n3A_234 : vector<16xi32> to vector<1x16xi32>
    tpu.vector_store %arg5[%swap3A_236, %swap3A_237], %swap3A_240 {strides = array<i32>} : memref<4x128xi32, #tpu.memory_space<vmem>>, vector<1x16xi32>,
    %get3A_241 = arith.constant 1 : i32
    %get3A_242 = arith.index_cast %get3A_241 : i32 to index
    %get3A_243 = arith.constant 16 : index
    %get3A_244 = tpu.vector_load %arg5[%get3A_242, %get3A_243] {strides = array<i32>} : memref<4x128xi32, #tpu.memory_space<vmem>>, vector<1x16xi32>,
    %get3A_245 = vector.shape_cast %get3A_244 : vector<1x16xi32> to vector<16xi32>
    %ge3A_246 = arith.constant 51200 : i32
    %ge3A_247 = vector.broadcast %ge3A_246 : i32 to vector<16xi32>
    %ge3A_248 = arith.cmpi sge, %get3A_245, %ge3A_247 : vector<16xi32>
    %sub3A_249 = arith.constant 51200 : i32
    %sub3A_250 = vector.broadcast %sub3A_249 : i32 to vector<16xi32>
    %sub3A_251 = arith.subi %get3A_245, %sub3A_250 : vector<16xi32>
    %shift_left3A_252 = arith.constant 1 : i32
    %shift_left3A_253 = vector.broadcast %shift_left3A_252 : i32 to vector<16xi32>
    %shift_left3A_254 = arith.shli %sub3A_251, %shift_left3A_253 : vector<16xi32>
    %or3A_255 = arith.constant 1 : i32
    %or3A_256 = vector.broadcast %or3A_255 : i32 to vector<16xi32>
    %or3A_257 = arith.ori %shift_left3A_254, %or3A_256 : vector<16xi32>
    %shift_left3A_258 = arith.constant 1 : i32
    %shift_left3A_259 = vector.broadcast %shift_left3A_258 : i32 to vector<16xi32>
    %shift_left3A_260 = arith.shli %get3A_245, %shift_left3A_259 : vector<16xi32>
    %select_n3A_261 = arith.select %ge3A_248, %or3A_257, %shift_left3A_260 : vector<16xi1>, vector<16xi32>
    %swap3A_262 = arith.constant 1 : i32
    %swap3A_263 = arith.index_cast %swap3A_262 : i32 to index
    %swap3A_264 = arith.constant 16 : index
    %swap3A_265 = tpu.vector_load %arg5[%swap3A_263, %swap3A_264] {strides = array<i32>} : memref<4x128xi32, #tpu.memory_space<vmem>>, vector<1x16xi32>,
    %swap3A_266 = vector.shape_cast %swap3A_265 : vector<1x16xi32> to vector<16xi32>
    %swap3A_267 = vector.shape_cast %select_n3A_261 : vector<16xi32> to vector<1x16xi32>
    tpu.vector_store %arg5[%swap3A_263, %swap3A_264], %swap3A_267 {strides = array<i32>} : memref<4x128xi32, #tpu.memory_space<vmem>>, vector<1x16xi32>,
    %get3A_268 = arith.constant 1 : i32
    %get3A_269 = arith.index_cast %get3A_268 : i32 to index
    %get3A_270 = arith.constant 32 : index
    %get3A_271 = tpu.vector_load %arg5[%get3A_269, %get3A_270] {strides = array<i32>} : memref<4x128xi32, #tpu.memory_space<vmem>>, vector<1x16xi32>,
    %get3A_272 = vector.shape_cast %get3A_271 : vector<1x16xi32> to vector<16xi32>
    %ge3A_273 = arith.constant 51200 : i32
    %ge3A_274 = vector.broadcast %ge3A_273 : i32 to vector<16xi32>
    %ge3A_275 = arith.cmpi sge, %get3A_272, %ge3A_274 : vector<16xi32>
    %sub3A_276 = arith.constant 51200 : i32
    %sub3A_277 = vector.broadcast %sub3A_276 : i32 to vector<16xi32>
    %sub3A_278 = arith.subi %get3A_272, %sub3A_277 : vector<16xi32>
    %shift_left3A_279 = arith.constant 1 : i32
    %shift_left3A_280 = vector.broadcast %shift_left3A_279 : i32 to vector<16xi32>
    %shift_left3A_281 = arith.shli %sub3A_278, %shift_left3A_280 : vector<16xi32>
    %or3A_282 = arith.constant 1 : i32
    %or3A_283 = vector.broadcast %or3A_282 : i32 to vector<16xi32>
    %or3A_284 = arith.ori %shift_left3A_281, %or3A_283 : vector<16xi32>
    %shift_left3A_285 = arith.constant 1 : i32
    %shift_left3A_286 = vector.broadcast %shift_left3A_285 : i32 to vector<16xi32>
    %shift_left3A_287 = arith.shli %get3A_272, %shift_left3A_286 : vector<16xi32>
    %select_n3A_288 = arith.select %ge3A_275, %or3A_284, %shift_left3A_287 : vector<16xi1>, vector<16xi32>
    %swap3A_289 = arith.constant 1 : i32
    %swap3A_290 = arith.index_cast %swap3A_289 : i32 to index
    %swap3A_291 = arith.constant 32 : index
    %swap3A_292 = tpu.vector_load %arg5[%swap3A_290, %swap3A_291] {strides = array<i32>} : memref<4x128xi32, #tpu.memory_space<vmem>>, vector<1x16xi32>,
    %swap3A_293 = vector.shape_cast %swap3A_292 : vector<1x16xi32> to vector<16xi32>
    %swap3A_294 = vector.shape_cast %select_n3A_288 : vector<16xi32> to vector<1x16xi32>
    tpu.vector_store %arg5[%swap3A_290, %swap3A_291], %swap3A_294 {strides = array<i32>} : memref<4x128xi32, #tpu.memory_space<vmem>>, vector<1x16xi32>,
    %get3A_295 = arith.constant 1 : i32
    %get3A_296 = arith.index_cast %get3A_295 : i32 to index
    %get3A_297 = arith.constant 48 : index
    %get3A_298 = tpu.vector_load %arg5[%get3A_296, %get3A_297] {strides = array<i32>} : memref<4x128xi32, #tpu.memory_space<vmem>>, vector<1x16xi32>,
    %get3A_299 = vector.shape_cast %get3A_298 : vector<1x16xi32> to vector<16xi32>
    %ge3A_300 = arith.constant 51200 : i32
    %ge3A_301 = vector.broadcast %ge3A_300 : i32 to vector<16xi32>
    %ge3A_302 = arith.cmpi sge, %get3A_299, %ge3A_301 : vector<16xi32>
    %sub3A_303 = arith.constant 51200 : i32
    %sub3A_304 = vector.broadcast %sub3A_303 : i32 to vector<16xi32>
    %sub3A_305 = arith.subi %get3A_299, %sub3A_304 : vector<16xi32>
    %shift_left3A_306 = arith.constant 1 : i32
    %shift_left3A_307 = vector.broadcast %shift_left3A_306 : i32 to vector<16xi32>
    %shift_left3A_308 = arith.shli %sub3A_305, %shift_left3A_307 : vector<16xi32>
    %or3A_309 = arith.constant 1 : i32
    %or3A_310 = vector.broadcast %or3A_309 : i32 to vector<16xi32>
    %or3A_311 = arith.ori %shift_left3A_308, %or3A_310 : vector<16xi32>
    %shift_left3A_312 = arith.constant 1 : i32
    %shift_left3A_313 = vector.broadcast %shift_left3A_312 : i32 to vector<16xi32>
    %shift_left3A_314 = arith.shli %get3A_299, %shift_left3A_313 : vector<16xi32>
    %select_n3A_315 = arith.select %ge3A_302, %or3A_311, %shift_left3A_314 : vector<16xi1>, vector<16xi32>
    %swap3A_316 = arith.constant 1 : i32
    %swap3A_317 = arith.index_cast %swap3A_316 : i32 to index
    %swap3A_318 = arith.constant 48 : index
    %swap3A_319 = tpu.vector_load %arg5[%swap3A_317, %swap3A_318] {strides = array<i32>} : memref<4x128xi32, #tpu.memory_space<vmem>>, vector<1x16xi32>,
    %swap3A_320 = vector.shape_cast %swap3A_319 : vector<1x16xi32> to vector<16xi32>
    %swap3A_321 = vector.shape_cast %select_n3A_315 : vector<16xi32> to vector<1x16xi32>
    tpu.vector_store %arg5[%swap3A_317, %swap3A_318], %swap3A_321 {strides = array<i32>} : memref<4x128xi32, #tpu.memory_space<vmem>>, vector<1x16xi32>,
    %get3A_322 = arith.constant 1 : i32
    %get3A_323 = arith.index_cast %get3A_322 : i32 to index
    %get3A_324 = arith.constant 64 : index
    %get3A_325 = tpu.vector_load %arg5[%get3A_323, %get3A_324] {strides = array<i32>} : memref<4x128xi32, #tpu.memory_space<vmem>>, vector<1x16xi32>,
    %get3A_326 = vector.shape_cast %get3A_325 : vector<1x16xi32> to vector<16xi32>
    %ge3A_327 = arith.constant 51200 : i32
    %ge3A_328 = vector.broadcast %ge3A_327 : i32 to vector<16xi32>
    %ge3A_329 = arith.cmpi sge, %get3A_326, %ge3A_328 : vector<16xi32>
    %sub3A_330 = arith.constant 51200 : i32
    %sub3A_331 = vector.broadcast %sub3A_330 : i32 to vector<16xi32>
    %sub3A_332 = arith.subi %get3A_326, %sub3A_331 : vector<16xi32>
    %shift_left3A_333 = arith.constant 1 : i32
    %shift_left3A_334 = vector.broadcast %shift_left3A_333 : i32 to vector<16xi32>
    %shift_left3A_335 = arith.shli %sub3A_332, %shift_left3A_334 : vector<16xi32>
    %or3A_336 = arith.constant 1 : i32
    %or3A_337 = vector.broadcast %or3A_336 : i32 to vector<16xi32>
    %or3A_338 = arith.ori %shift_left3A_335, %or3A_337 : vector<16xi32>
    %shift_left3A_339 = arith.constant 1 : i32
    %shift_left3A_340 = vector.broadcast %shift_left3A_339 : i32 to vector<16xi32>
    %shift_left3A_341 = arith.shli %get3A_326, %shift_left3A_340 : vector<16xi32>
    %select_n3A_342 = arith.select %ge3A_329, %or3A_338, %shift_left3A_341 : vector<16xi1>, vector<16xi32>
    %swap3A_343 = arith.constant 1 : i32
    %swap3A_344 = arith.index_cast %swap3A_343 : i32 to index
    %swap3A_345 = arith.constant 64 : index
    %swap3A_346 = tpu.vector_load %arg5[%swap3A_344, %swap3A_345] {strides = array<i32>} : memref<4x128xi32, #tpu.memory_space<vmem>>, vector<1x16xi32>,
    %swap3A_347 = vector.shape_cast %swap3A_346 : vector<1x16xi32> to vector<16xi32>
    %swap3A_348 = vector.shape_cast %select_n3A_342 : vector<16xi32> to vector<1x16xi32>
    tpu.vector_store %arg5[%swap3A_344, %swap3A_345], %swap3A_348 {strides = array<i32>} : memref<4x128xi32, #tpu.memory_space<vmem>>, vector<1x16xi32>,
    %get3A_349 = arith.constant 1 : i32
    %get3A_350 = arith.index_cast %get3A_349 : i32 to index
    %get3A_351 = arith.constant 80 : index
    %get3A_352 = tpu.vector_load %arg5[%get3A_350, %get3A_351] {strides = array<i32>} : memref<4x128xi32, #tpu.memory_space<vmem>>, vector<1x16xi32>,
    %get3A_353 = vector.shape_cast %get3A_352 : vector<1x16xi32> to vector<16xi32>
    %ge3A_354 = arith.constant 51200 : i32
    %ge3A_355 = vector.broadcast %ge3A_354 : i32 to vector<16xi32>
    %ge3A_356 = arith.cmpi sge, %get3A_353, %ge3A_355 : vector<16xi32>
    %sub3A_357 = arith.constant 51200 : i32
    %sub3A_358 = vector.broadcast %sub3A_357 : i32 to vector<16xi32>
    %sub3A_359 = arith.subi %get3A_353, %sub3A_358 : vector<16xi32>
    %shift_left3A_360 = arith.constant 1 : i32
    %shift_left3A_361 = vector.broadcast %shift_left3A_360 : i32 to vector<16xi32>
    %shift_left3A_362 = arith.shli %sub3A_359, %shift_left3A_361 : vector<16xi32>
    %or3A_363 = arith.constant 1 : i32
    %or3A_364 = vector.broadcast %or3A_363 : i32 to vector<16xi32>
    %or3A_365 = arith.ori %shift_left3A_362, %or3A_364 : vector<16xi32>
    %shift_left3A_366 = arith.constant 1 : i32
    %shift_left3A_367 = vector.broadcast %shift_left3A_366 : i32 to vector<16xi32>
    %shift_left3A_368 = arith.shli %get3A_353, %shift_left3A_367 : vector<16xi32>
    %select_n3A_369 = arith.select %ge3A_356, %or3A_365, %shift_left3A_368 : vector<16xi1>, vector<16xi32>
    %swap3A_370 = arith.constant 1 : i32
    %swap3A_371 = arith.index_cast %swap3A_370 : i32 to index
    %swap3A_372 = arith.constant 80 : index
    %swap3A_373 = tpu.vector_load %arg5[%swap3A_371, %swap3A_372] {strides = array<i32>} : memref<4x128xi32, #tpu.memory_space<vmem>>, vector<1x16xi32>,
    %swap3A_374 = vector.shape_cast %swap3A_373 : vector<1x16xi32> to vector<16xi32>
    %swap3A_375 = vector.shape_cast %select_n3A_369 : vector<16xi32> to vector<1x16xi32>
    tpu.vector_store %arg5[%swap3A_371, %swap3A_372], %swap3A_375 {strides = array<i32>} : memref<4x128xi32, #tpu.memory_space<vmem>>, vector<1x16xi32>,
    %get3A_376 = arith.constant 1 : i32
    %get3A_377 = arith.index_cast %get3A_376 : i32 to index
    %get3A_378 = arith.constant 96 : index
    %get3A_379 = tpu.vector_load %arg5[%get3A_377, %get3A_378] {strides = array<i32>} : memref<4x128xi32, #tpu.memory_space<vmem>>, vector<1x16xi32>,
    %get3A_380 = vector.shape_cast %get3A_379 : vector<1x16xi32> to vector<16xi32>
    %ge3A_381 = arith.constant 51200 : i32
    %ge3A_382 = vector.broadcast %ge3A_381 : i32 to vector<16xi32>
    %ge3A_383 = arith.cmpi sge, %get3A_380, %ge3A_382 : vector<16xi32>
    %sub3A_384 = arith.constant 51200 : i32
    %sub3A_385 = vector.broadcast %sub3A_384 : i32 to vector<16xi32>
    %sub3A_386 = arith.subi %get3A_380, %sub3A_385 : vector<16xi32>
    %shift_left3A_387 = arith.constant 1 : i32
    %shift_left3A_388 = vector.broadcast %shift_left3A_387 : i32 to vector<16xi32>
    %shift_left3A_389 = arith.shli %sub3A_386, %shift_left3A_388 : vector<16xi32>
    %or3A_390 = arith.constant 1 : i32
    %or3A_391 = vector.broadcast %or3A_390 : i32 to vector<16xi32>
    %or3A_392 = arith.ori %shift_left3A_389, %or3A_391 : vector<16xi32>
    %shift_left3A_393 = arith.constant 1 : i32
    %shift_left3A_394 = vector.broadcast %shift_left3A_393 : i32 to vector<16xi32>
    %shift_left3A_395 = arith.shli %get3A_380, %shift_left3A_394 : vector<16xi32>
    %select_n3A_396 = arith.select %ge3A_383, %or3A_392, %shift_left3A_395 : vector<16xi1>, vector<16xi32>
    %swap3A_397 = arith.constant 1 : i32
    %swap3A_398 = arith.index_cast %swap3A_397 : i32 to index
    %swap3A_399 = arith.constant 96 : index
    %swap3A_400 = tpu.vector_load %arg5[%swap3A_398, %swap3A_399] {strides = array<i32>} : memref<4x128xi32, #tpu.memory_space<vmem>>, vector<1x16xi32>,
    %swap3A_401 = vector.shape_cast %swap3A_400 : vector<1x16xi32> to vector<16xi32>
    %swap3A_402 = vector.shape_cast %select_n3A_396 : vector<16xi32> to vector<1x16xi32>
    tpu.vector_store %arg5[%swap3A_398, %swap3A_399], %swap3A_402 {strides = array<i32>} : memref<4x128xi32, #tpu.memory_space<vmem>>, vector<1x16xi32>,
    %get3A_403 = arith.constant 1 : i32
    %get3A_404 = arith.index_cast %get3A_403 : i32 to index
    %get3A_405 = arith.constant 112 : index
    %get3A_406 = tpu.vector_load %arg5[%get3A_404, %get3A_405] {strides = array<i32>} : memref<4x128xi32, #tpu.memory_space<vmem>>, vector<1x16xi32>,
    %get3A_407 = vector.shape_cast %get3A_406 : vector<1x16xi32> to vector<16xi32>
    %ge3A_408 = arith.constant 51200 : i32
    %ge3A_409 = vector.broadcast %ge3A_408 : i32 to vector<16xi32>
    %ge3A_410 = arith.cmpi sge, %get3A_407, %ge3A_409 : vector<16xi32>
    %sub3A_411 = arith.constant 51200 : i32
    %sub3A_412 = vector.broadcast %sub3A_411 : i32 to vector<16xi32>
    %sub3A_413 = arith.subi %get3A_407, %sub3A_412 : vector<16xi32>
    %shift_left3A_414 = arith.constant 1 : i32
    %shift_left3A_415 = vector.broadcast %shift_left3A_414 : i32 to vector<16xi32>
    %shift_left3A_416 = arith.shli %sub3A_413, %shift_left3A_415 : vector<16xi32>
    %or3A_417 = arith.constant 1 : i32
    %or3A_418 = vector.broadcast %or3A_417 : i32 to vector<16xi32>
    %or3A_419 = arith.ori %shift_left3A_416, %or3A_418 : vector<16xi32>
    %shift_left3A_420 = arith.constant 1 : i32
    %shift_left3A_421 = vector.broadcast %shift_left3A_420 : i32 to vector<16xi32>
    %shift_left3A_422 = arith.shli %get3A_407, %shift_left3A_421 : vector<16xi32>
    %select_n3A_423 = arith.select %ge3A_410, %or3A_419, %shift_left3A_422 : vector<16xi1>, vector<16xi32>
    %swap3A_424 = arith.constant 1 : i32
    %swap3A_425 = arith.index_cast %swap3A_424 : i32 to index
    %swap3A_426 = arith.constant 112 : index
    %swap3A_427 = tpu.vector_load %arg5[%swap3A_425, %swap3A_426] {strides = array<i32>} : memref<4x128xi32, #tpu.memory_space<vmem>>, vector<1x16xi32>,
    %swap3A_428 = vector.shape_cast %swap3A_427 : vector<1x16xi32> to vector<16xi32>
    %swap3A_429 = vector.shape_cast %select_n3A_423 : vector<16xi32> to vector<1x16xi32>
    tpu.vector_store %arg5[%swap3A_425, %swap3A_426], %swap3A_429 {strides = array<i32>} : memref<4x128xi32, #tpu.memory_space<vmem>>, vector<1x16xi32>,
    %get3A_430 = arith.constant 2 : i32
    %get3A_431 = arith.index_cast %get3A_430 : i32 to index
    %get3A_432 = arith.constant 0 : index
    %get3A_433 = tpu.vector_load %arg5[%get3A_431, %get3A_432] {strides = array<i32>} : memref<4x128xi32, #tpu.memory_space<vmem>>, vector<1x16xi32>,
    %get3A_434 = vector.shape_cast %get3A_433 : vector<1x16xi32> to vector<16xi32>
    %ge3A_435 = arith.constant 51200 : i32
    %ge3A_436 = vector.broadcast %ge3A_435 : i32 to vector<16xi32>
    %ge3A_437 = arith.cmpi sge, %get3A_434, %ge3A_436 : vector<16xi32>
    %sub3A_438 = arith.constant 51200 : i32
    %sub3A_439 = vector.broadcast %sub3A_438 : i32 to vector<16xi32>
    %sub3A_440 = arith.subi %get3A_434, %sub3A_439 : vector<16xi32>
    %shift_left3A_441 = arith.constant 1 : i32
    %shift_left3A_442 = vector.broadcast %shift_left3A_441 : i32 to vector<16xi32>
    %shift_left3A_443 = arith.shli %sub3A_440, %shift_left3A_442 : vector<16xi32>
    %or3A_444 = arith.constant 1 : i32
    %or3A_445 = vector.broadcast %or3A_444 : i32 to vector<16xi32>
    %or3A_446 = arith.ori %shift_left3A_443, %or3A_445 : vector<16xi32>
    %shift_left3A_447 = arith.constant 1 : i32
    %shift_left3A_448 = vector.broadcast %shift_left3A_447 : i32 to vector<16xi32>
    %shift_left3A_449 = arith.shli %get3A_434, %shift_left3A_448 : vector<16xi32>
    %select_n3A_450 = arith.select %ge3A_437, %or3A_446, %shift_left3A_449 : vector<16xi1>, vector<16xi32>
    %swap3A_451 = arith.constant 2 : i32
    %swap3A_452 = arith.index_cast %swap3A_451 : i32 to index
    %swap3A_453 = arith.constant 0 : index
    %swap3A_454 = tpu.vector_load %arg5[%swap3A_452, %swap3A_453] {strides = array<i32>} : memref<4x128xi32, #tpu.memory_space<vmem>>, vector<1x16xi32>,
    %swap3A_455 = vector.shape_cast %swap3A_454 : vector<1x16xi32> to vector<16xi32>
    %swap3A_456 = vector.shape_cast %select_n3A_450 : vector<16xi32> to vector<1x16xi32>
    tpu.vector_store %arg5[%swap3A_452, %swap3A_453], %swap3A_456 {strides = array<i32>} : memref<4x128xi32, #tpu.memory_space<vmem>>, vector<1x16xi32>,
    %get3A_457 = arith.constant 2 : i32
    %get3A_458 = arith.index_cast %get3A_457 : i32 to index
    %get3A_459 = arith.constant 16 : index
    %get3A_460 = tpu.vector_load %arg5[%get3A_458, %get3A_459] {strides = array<i32>} : memref<4x128xi32, #tpu.memory_space<vmem>>, vector<1x16xi32>,
    %get3A_461 = vector.shape_cast %get3A_460 : vector<1x16xi32> to vector<16xi32>
    %ge3A_462 = arith.constant 51200 : i32
    %ge3A_463 = vector.broadcast %ge3A_462 : i32 to vector<16xi32>
    %ge3A_464 = arith.cmpi sge, %get3A_461, %ge3A_463 : vector<16xi32>
    %sub3A_465 = arith.constant 51200 : i32
    %sub3A_466 = vector.broadcast %sub3A_465 : i32 to vector<16xi32>
    %sub3A_467 = arith.subi %get3A_461, %sub3A_466 : vector<16xi32>
    %shift_left3A_468 = arith.constant 1 : i32
    %shift_left3A_469 = vector.broadcast %shift_left3A_468 : i32 to vector<16xi32>
    %shift_left3A_470 = arith.shli %sub3A_467, %shift_left3A_469 : vector<16xi32>
    %or3A_471 = arith.constant 1 : i32
    %or3A_472 = vector.broadcast %or3A_471 : i32 to vector<16xi32>
    %or3A_473 = arith.ori %shift_left3A_470, %or3A_472 : vector<16xi32>
    %shift_left3A_474 = arith.constant 1 : i32
    %shift_left3A_475 = vector.broadcast %shift_left3A_474 : i32 to vector<16xi32>
    %shift_left3A_476 = arith.shli %get3A_461, %shift_left3A_475 : vector<16xi32>
    %select_n3A_477 = arith.select %ge3A_464, %or3A_473, %shift_left3A_476 : vector<16xi1>, vector<16xi32>
    %swap3A_478 = arith.constant 2 : i32
    %swap3A_479 = arith.index_cast %swap3A_478 : i32 to index
    %swap3A_480 = arith.constant 16 : index
    %swap3A_481 = tpu.vector_load %arg5[%swap3A_479, %swap3A_480] {strides = array<i32>} : memref<4x128xi32, #tpu.memory_space<vmem>>, vector<1x16xi32>,
    %swap3A_482 = vector.shape_cast %swap3A_481 : vector<1x16xi32> to vector<16xi32>
    %swap3A_483 = vector.shape_cast %select_n3A_477 : vector<16xi32> to vector<1x16xi32>
    tpu.vector_store %arg5[%swap3A_479, %swap3A_480], %swap3A_483 {strides = array<i32>} : memref<4x128xi32, #tpu.memory_space<vmem>>, vector<1x16xi32>,
    %get3A_484 = arith.constant 2 : i32
    %get3A_485 = arith.index_cast %get3A_484 : i32 to index
    %get3A_486 = arith.constant 32 : index
    %get3A_487 = tpu.vector_load %arg5[%get3A_485, %get3A_486] {strides = array<i32>} : memref<4x128xi32, #tpu.memory_space<vmem>>, vector<1x16xi32>,
    %get3A_488 = vector.shape_cast %get3A_487 : vector<1x16xi32> to vector<16xi32>
    %ge3A_489 = arith.constant 51200 : i32
    %ge3A_490 = vector.broadcast %ge3A_489 : i32 to vector<16xi32>
    %ge3A_491 = arith.cmpi sge, %get3A_488, %ge3A_490 : vector<16xi32>
    %sub3A_492 = arith.constant 51200 : i32
    %sub3A_493 = vector.broadcast %sub3A_492 : i32 to vector<16xi32>
    %sub3A_494 = arith.subi %get3A_488, %sub3A_493 : vector<16xi32>
    %shift_left3A_495 = arith.constant 1 : i32
    %shift_left3A_496 = vector.broadcast %shift_left3A_495 : i32 to vector<16xi32>
    %shift_left3A_497 = arith.shli %sub3A_494, %shift_left3A_496 : vector<16xi32>
    %or3A_498 = arith.constant 1 : i32
    %or3A_499 = vector.broadcast %or3A_498 : i32 to vector<16xi32>
    %or3A_500 = arith.ori %shift_left3A_497, %or3A_499 : vector<16xi32>
    %shift_left3A_501 = arith.constant 1 : i32
    %shift_left3A_502 = vector.broadcast %shift_left3A_501 : i32 to vector<16xi32>
    %shift_left3A_503 = arith.shli %get3A_488, %shift_left3A_502 : vector<16xi32>
    %select_n3A_504 = arith.select %ge3A_491, %or3A_500, %shift_left3A_503 : vector<16xi1>, vector<16xi32>
    %swap3A_505 = arith.constant 2 : i32
    %swap3A_506 = arith.index_cast %swap3A_505 : i32 to index
    %swap3A_507 = arith.constant 32 : index
    %swap3A_508 = tpu.vector_load %arg5[%swap3A_506, %swap3A_507] {strides = array<i32>} : memref<4x128xi32, #tpu.memory_space<vmem>>, vector<1x16xi32>,
    %swap3A_509 = vector.shape_cast %swap3A_508 : vector<1x16xi32> to vector<16xi32>
    %swap3A_510 = vector.shape_cast %select_n3A_504 : vector<16xi32> to vector<1x16xi32>
    tpu.vector_store %arg5[%swap3A_506, %swap3A_507], %swap3A_510 {strides = array<i32>} : memref<4x128xi32, #tpu.memory_space<vmem>>, vector<1x16xi32>,
    %get3A_511 = arith.constant 2 : i32
    %get3A_512 = arith.index_cast %get3A_511 : i32 to index
    %get3A_513 = arith.constant 48 : index
    %get3A_514 = tpu.vector_load %arg5[%get3A_512, %get3A_513] {strides = array<i32>} : memref<4x128xi32, #tpu.memory_space<vmem>>, vector<1x16xi32>,
    %get3A_515 = vector.shape_cast %get3A_514 : vector<1x16xi32> to vector<16xi32>
    %ge3A_516 = arith.constant 51200 : i32
    %ge3A_517 = vector.broadcast %ge3A_516 : i32 to vector<16xi32>
    %ge3A_518 = arith.cmpi sge, %get3A_515, %ge3A_517 : vector<16xi32>
    %sub3A_519 = arith.constant 51200 : i32
    %sub3A_520 = vector.broadcast %sub3A_519 : i32 to vector<16xi32>
    %sub3A_521 = arith.subi %get3A_515, %sub3A_520 : vector<16xi32>
    %shift_left3A_522 = arith.constant 1 : i32
    %shift_left3A_523 = vector.broadcast %shift_left3A_522 : i32 to vector<16xi32>
    %shift_left3A_524 = arith.shli %sub3A_521, %shift_left3A_523 : vector<16xi32>
    %or3A_525 = arith.constant 1 : i32
    %or3A_526 = vector.broadcast %or3A_525 : i32 to vector<16xi32>
    %or3A_527 = arith.ori %shift_left3A_524, %or3A_526 : vector<16xi32>
    %shift_left3A_528 = arith.constant 1 : i32
    %shift_left3A_529 = vector.broadcast %shift_left3A_528 : i32 to vector<16xi32>
    %shift_left3A_530 = arith.shli %get3A_515, %shift_left3A_529 : vector<16xi32>
    %select_n3A_531 = arith.select %ge3A_518, %or3A_527, %shift_left3A_530 : vector<16xi1>, vector<16xi32>
    %swap3A_532 = arith.constant 2 : i32
    %swap3A_533 = arith.index_cast %swap3A_532 : i32 to index
    %swap3A_534 = arith.constant 48 : index
    %swap3A_535 = tpu.vector_load %arg5[%swap3A_533, %swap3A_534] {strides = array<i32>} : memref<4x128xi32, #tpu.memory_space<vmem>>, vector<1x16xi32>,
    %swap3A_536 = vector.shape_cast %swap3A_535 : vector<1x16xi32> to vector<16xi32>
    %swap3A_537 = vector.shape_cast %select_n3A_531 : vector<16xi32> to vector<1x16xi32>
    tpu.vector_store %arg5[%swap3A_533, %swap3A_534], %swap3A_537 {strides = array<i32>} : memref<4x128xi32, #tpu.memory_space<vmem>>, vector<1x16xi32>,
    %get3A_538 = arith.constant 2 : i32
    %get3A_539 = arith.index_cast %get3A_538 : i32 to index
    %get3A_540 = arith.constant 64 : index
    %get3A_541 = tpu.vector_load %arg5[%get3A_539, %get3A_540] {strides = array<i32>} : memref<4x128xi32, #tpu.memory_space<vmem>>, vector<1x16xi32>,
    %get3A_542 = vector.shape_cast %get3A_541 : vector<1x16xi32> to vector<16xi32>
    %ge3A_543 = arith.constant 51200 : i32
    %ge3A_544 = vector.broadcast %ge3A_543 : i32 to vector<16xi32>
    %ge3A_545 = arith.cmpi sge, %get3A_542, %ge3A_544 : vector<16xi32>
    %sub3A_546 = arith.constant 51200 : i32
    %sub3A_547 = vector.broadcast %sub3A_546 : i32 to vector<16xi32>
    %sub3A_548 = arith.subi %get3A_542, %sub3A_547 : vector<16xi32>
    %shift_left3A_549 = arith.constant 1 : i32
    %shift_left3A_550 = vector.broadcast %shift_left3A_549 : i32 to vector<16xi32>
    %shift_left3A_551 = arith.shli %sub3A_548, %shift_left3A_550 : vector<16xi32>
    %or3A_552 = arith.constant 1 : i32
    %or3A_553 = vector.broadcast %or3A_552 : i32 to vector<16xi32>
    %or3A_554 = arith.ori %shift_left3A_551, %or3A_553 : vector<16xi32>
    %shift_left3A_555 = arith.constant 1 : i32
    %shift_left3A_556 = vector.broadcast %shift_left3A_555 : i32 to vector<16xi32>
    %shift_left3A_557 = arith.shli %get3A_542, %shift_left3A_556 : vector<16xi32>
    %select_n3A_558 = arith.select %ge3A_545, %or3A_554, %shift_left3A_557 : vector<16xi1>, vector<16xi32>
    %swap3A_559 = arith.constant 2 : i32
    %swap3A_560 = arith.index_cast %swap3A_559 : i32 to index
    %swap3A_561 = arith.constant 64 : index
    %swap3A_562 = tpu.vector_load %arg5[%swap3A_560, %swap3A_561] {strides = array<i32>} : memref<4x128xi32, #tpu.memory_space<vmem>>, vector<1x16xi32>,
    %swap3A_563 = vector.shape_cast %swap3A_562 : vector<1x16xi32> to vector<16xi32>
    %swap3A_564 = vector.shape_cast %select_n3A_558 : vector<16xi32> to vector<1x16xi32>
    tpu.vector_store %arg5[%swap3A_560, %swap3A_561], %swap3A_564 {strides = array<i32>} : memref<4x128xi32, #tpu.memory_space<vmem>>, vector<1x16xi32>,
    %get3A_565 = arith.constant 2 : i32
    %get3A_566 = arith.index_cast %get3A_565 : i32 to index
    %get3A_567 = arith.constant 80 : index
    %get3A_568 = tpu.vector_load %arg5[%get3A_566, %get3A_567] {strides = array<i32>} : memref<4x128xi32, #tpu.memory_space<vmem>>, vector<1x16xi32>,
    %get3A_569 = vector.shape_cast %get3A_568 : vector<1x16xi32> to vector<16xi32>
    %ge3A_570 = arith.constant 51200 : i32
    %ge3A_571 = vector.broadcast %ge3A_570 : i32 to vector<16xi32>
    %ge3A_572 = arith.cmpi sge, %get3A_569, %ge3A_571 : vector<16xi32>
    %sub3A_573 = arith.constant 51200 : i32
    %sub3A_574 = vector.broadcast %sub3A_573 : i32 to vector<16xi32>
    %sub3A_575 = arith.subi %get3A_569, %sub3A_574 : vector<16xi32>
    %shift_left3A_576 = arith.constant 1 : i32
    %shift_left3A_577 = vector.broadcast %shift_left3A_576 : i32 to vector<16xi32>
    %shift_left3A_578 = arith.shli %sub3A_575, %shift_left3A_577 : vector<16xi32>
    %or3A_579 = arith.constant 1 : i32
    %or3A_580 = vector.broadcast %or3A_579 : i32 to vector<16xi32>
    %or3A_581 = arith.ori %shift_left3A_578, %or3A_580 : vector<16xi32>
    %shift_left3A_582 = arith.constant 1 : i32
    %shift_left3A_583 = vector.broadcast %shift_left3A_582 : i32 to vector<16xi32>
    %shift_left3A_584 = arith.shli %get3A_569, %shift_left3A_583 : vector<16xi32>
    %select_n3A_585 = arith.select %ge3A_572, %or3A_581, %shift_left3A_584 : vector<16xi1>, vector<16xi32>
    %swap3A_586 = arith.constant 2 : i32
    %swap3A_587 = arith.index_cast %swap3A_586 : i32 to index
    %swap3A_588 = arith.constant 80 : index
    %swap3A_589 = tpu.vector_load %arg5[%swap3A_587, %swap3A_588] {strides = array<i32>} : memref<4x128xi32, #tpu.memory_space<vmem>>, vector<1x16xi32>,
    %swap3A_590 = vector.shape_cast %swap3A_589 : vector<1x16xi32> to vector<16xi32>
    %swap3A_591 = vector.shape_cast %select_n3A_585 : vector<16xi32> to vector<1x16xi32>
    tpu.vector_store %arg5[%swap3A_587, %swap3A_588], %swap3A_591 {strides = array<i32>} : memref<4x128xi32, #tpu.memory_space<vmem>>, vector<1x16xi32>,
    %get3A_592 = arith.constant 2 : i32
    %get3A_593 = arith.index_cast %get3A_592 : i32 to index
    %get3A_594 = arith.constant 96 : index
    %get3A_595 = tpu.vector_load %arg5[%get3A_593, %get3A_594] {strides = array<i32>} : memref<4x128xi32, #tpu.memory_space<vmem>>, vector<1x16xi32>,
    %get3A_596 = vector.shape_cast %get3A_595 : vector<1x16xi32> to vector<16xi32>
    %ge3A_597 = arith.constant 51200 : i32
    %ge3A_598 = vector.broadcast %ge3A_597 : i32 to vector<16xi32>
    %ge3A_599 = arith.cmpi sge, %get3A_596, %ge3A_598 : vector<16xi32>
    %sub3A_600 = arith.constant 51200 : i32
    %sub3A_601 = vector.broadcast %sub3A_600 : i32 to vector<16xi32>
    %sub3A_602 = arith.subi %get3A_596, %sub3A_601 : vector<16xi32>
    %shift_left3A_603 = arith.constant 1 : i32
    %shift_left3A_604 = vector.broadcast %shift_left3A_603 : i32 to vector<16xi32>
    %shift_left3A_605 = arith.shli %sub3A_602, %shift_left3A_604 : vector<16xi32>
    %or3A_606 = arith.constant 1 : i32
    %or3A_607 = vector.broadcast %or3A_606 : i32 to vector<16xi32>
    %or3A_608 = arith.ori %shift_left3A_605, %or3A_607 : vector<16xi32>
    %shift_left3A_609 = arith.constant 1 : i32
    %shift_left3A_610 = vector.broadcast %shift_left3A_609 : i32 to vector<16xi32>
    %shift_left3A_611 = arith.shli %get3A_596, %shift_left3A_610 : vector<16xi32>
    %select_n3A_612 = arith.select %ge3A_599, %or3A_608, %shift_left3A_611 : vector<16xi1>, vector<16xi32>
    %swap3A_613 = arith.constant 2 : i32
    %swap3A_614 = arith.index_cast %swap3A_613 : i32 to index
    %swap3A_615 = arith.constant 96 : index
    %swap3A_616 = tpu.vector_load %arg5[%swap3A_614, %swap3A_615] {strides = array<i32>} : memref<4x128xi32, #tpu.memory_space<vmem>>, vector<1x16xi32>,
    %swap3A_617 = vector.shape_cast %swap3A_616 : vector<1x16xi32> to vector<16xi32>
    %swap3A_618 = vector.shape_cast %select_n3A_612 : vector<16xi32> to vector<1x16xi32>
    tpu.vector_store %arg5[%swap3A_614, %swap3A_615], %swap3A_618 {strides = array<i32>} : memref<4x128xi32, #tpu.memory_space<vmem>>, vector<1x16xi32>,
    %get3A_619 = arith.constant 2 : i32
    %get3A_620 = arith.index_cast %get3A_619 : i32 to index
    %get3A_621 = arith.constant 112 : index
    %get3A_622 = tpu.vector_load %arg5[%get3A_620, %get3A_621] {strides = array<i32>} : memref<4x128xi32, #tpu.memory_space<vmem>>, vector<1x16xi32>,
    %get3A_623 = vector.shape_cast %get3A_622 : vector<1x16xi32> to vector<16xi32>
    %ge3A_624 = arith.constant 51200 : i32
    %ge3A_625 = vector.broadcast %ge3A_624 : i32 to vector<16xi32>
    %ge3A_626 = arith.cmpi sge, %get3A_623, %ge3A_625 : vector<16xi32>
    %sub3A_627 = arith.constant 51200 : i32
    %sub3A_628 = vector.broadcast %sub3A_627 : i32 to vector<16xi32>
    %sub3A_629 = arith.subi %get3A_623, %sub3A_628 : vector<16xi32>
    %shift_left3A_630 = arith.constant 1 : i32
    %shift_left3A_631 = vector.broadcast %shift_left3A_630 : i32 to vector<16xi32>
    %shift_left3A_632 = arith.shli %sub3A_629, %shift_left3A_631 : vector<16xi32>
    %or3A_633 = arith.constant 1 : i32
    %or3A_634 = vector.broadcast %or3A_633 : i32 to vector<16xi32>
    %or3A_635 = arith.ori %shift_left3A_632, %or3A_634 : vector<16xi32>
    %shift_left3A_636 = arith.constant 1 : i32
    %shift_left3A_637 = vector.broadcast %shift_left3A_636 : i32 to vector<16xi32>
    %shift_left3A_638 = arith.shli %get3A_623, %shift_left3A_637 : vector<16xi32>
    %select_n3A_639 = arith.select %ge3A_626, %or3A_635, %shift_left3A_638 : vector<16xi1>, vector<16xi32>
    %swap3A_640 = arith.constant 2 : i32
    %swap3A_641 = arith.index_cast %swap3A_640 : i32 to index
    %swap3A_642 = arith.constant 112 : index
    %swap3A_643 = tpu.vector_load %arg5[%swap3A_641, %swap3A_642] {strides = array<i32>} : memref<4x128xi32, #tpu.memory_space<vmem>>, vector<1x16xi32>,
    %swap3A_644 = vector.shape_cast %swap3A_643 : vector<1x16xi32> to vector<16xi32>
    %swap3A_645 = vector.shape_cast %select_n3A_639 : vector<16xi32> to vector<1x16xi32>
    tpu.vector_store %arg5[%swap3A_641, %swap3A_642], %swap3A_645 {strides = array<i32>} : memref<4x128xi32, #tpu.memory_space<vmem>>, vector<1x16xi32>,
    %get3A_646 = arith.constant 3 : i32
    %get3A_647 = arith.index_cast %get3A_646 : i32 to index
    %get3A_648 = arith.constant 0 : index
    %get3A_649 = tpu.vector_load %arg5[%get3A_647, %get3A_648] {strides = array<i32>} : memref<4x128xi32, #tpu.memory_space<vmem>>, vector<1x16xi32>,
    %get3A_650 = vector.shape_cast %get3A_649 : vector<1x16xi32> to vector<16xi32>
    %ge3A_651 = arith.constant 51200 : i32
    %ge3A_652 = vector.broadcast %ge3A_651 : i32 to vector<16xi32>
    %ge3A_653 = arith.cmpi sge, %get3A_650, %ge3A_652 : vector<16xi32>
    %sub3A_654 = arith.constant 51200 : i32
    %sub3A_655 = vector.broadcast %sub3A_654 : i32 to vector<16xi32>
    %sub3A_656 = arith.subi %get3A_650, %sub3A_655 : vector<16xi32>
    %shift_left3A_657 = arith.constant 1 : i32
    %shift_left3A_658 = vector.broadcast %shift_left3A_657 : i32 to vector<16xi32>
    %shift_left3A_659 = arith.shli %sub3A_656, %shift_left3A_658 : vector<16xi32>
    %or3A_660 = arith.constant 1 : i32
    %or3A_661 = vector.broadcast %or3A_660 : i32 to vector<16xi32>
    %or3A_662 = arith.ori %shift_left3A_659, %or3A_661 : vector<16xi32>
    %shift_left3A_663 = arith.constant 1 : i32
    %shift_left3A_664 = vector.broadcast %shift_left3A_663 : i32 to vector<16xi32>
    %shift_left3A_665 = arith.shli %get3A_650, %shift_left3A_664 : vector<16xi32>
    %select_n3A_666 = arith.select %ge3A_653, %or3A_662, %shift_left3A_665 : vector<16xi1>, vector<16xi32>
    %swap3A_667 = arith.constant 3 : i32
    %swap3A_668 = arith.index_cast %swap3A_667 : i32 to index
    %swap3A_669 = arith.constant 0 : index
    %swap3A_670 = tpu.vector_load %arg5[%swap3A_668, %swap3A_669] {strides = array<i32>} : memref<4x128xi32, #tpu.memory_space<vmem>>, vector<1x16xi32>,
    %swap3A_671 = vector.shape_cast %swap3A_670 : vector<1x16xi32> to vector<16xi32>
    %swap3A_672 = vector.shape_cast %select_n3A_666 : vector<16xi32> to vector<1x16xi32>
    tpu.vector_store %arg5[%swap3A_668, %swap3A_669], %swap3A_672 {strides = array<i32>} : memref<4x128xi32, #tpu.memory_space<vmem>>, vector<1x16xi32>,
    %get3A_673 = arith.constant 3 : i32
    %get3A_674 = arith.index_cast %get3A_673 : i32 to index
    %get3A_675 = arith.constant 16 : index
    %get3A_676 = tpu.vector_load %arg5[%get3A_674, %get3A_675] {strides = array<i32>} : memref<4x128xi32, #tpu.memory_space<vmem>>, vector<1x16xi32>,
    %get3A_677 = vector.shape_cast %get3A_676 : vector<1x16xi32> to vector<16xi32>
    %ge3A_678 = arith.constant 51200 : i32
    %ge3A_679 = vector.broadcast %ge3A_678 : i32 to vector<16xi32>
    %ge3A_680 = arith.cmpi sge, %get3A_677, %ge3A_679 : vector<16xi32>
    %sub3A_681 = arith.constant 51200 : i32
    %sub3A_682 = vector.broadcast %sub3A_681 : i32 to vector<16xi32>
    %sub3A_683 = arith.subi %get3A_677, %sub3A_682 : vector<16xi32>
    %shift_left3A_684 = arith.constant 1 : i32
    %shift_left3A_685 = vector.broadcast %shift_left3A_684 : i32 to vector<16xi32>
    %shift_left3A_686 = arith.shli %sub3A_683, %shift_left3A_685 : vector<16xi32>
    %or3A_687 = arith.constant 1 : i32
    %or3A_688 = vector.broadcast %or3A_687 : i32 to vector<16xi32>
    %or3A_689 = arith.ori %shift_left3A_686, %or3A_688 : vector<16xi32>
    %shift_left3A_690 = arith.constant 1 : i32
    %shift_left3A_691 = vector.broadcast %shift_left3A_690 : i32 to vector<16xi32>
    %shift_left3A_692 = arith.shli %get3A_677, %shift_left3A_691 : vector<16xi32>
    %select_n3A_693 = arith.select %ge3A_680, %or3A_689, %shift_left3A_692 : vector<16xi1>, vector<16xi32>
    %swap3A_694 = arith.constant 3 : i32
    %swap3A_695 = arith.index_cast %swap3A_694 : i32 to index
    %swap3A_696 = arith.constant 16 : index
    %swap3A_697 = tpu.vector_load %arg5[%swap3A_695, %swap3A_696] {strides = array<i32>} : memref<4x128xi32, #tpu.memory_space<vmem>>, vector<1x16xi32>,
    %swap3A_698 = vector.shape_cast %swap3A_697 : vector<1x16xi32> to vector<16xi32>
    %swap3A_699 = vector.shape_cast %select_n3A_693 : vector<16xi32> to vector<1x16xi32>
    tpu.vector_store %arg5[%swap3A_695, %swap3A_696], %swap3A_699 {strides = array<i32>} : memref<4x128xi32, #tpu.memory_space<vmem>>, vector<1x16xi32>,
    %get3A_700 = arith.constant 3 : i32
    %get3A_701 = arith.index_cast %get3A_700 : i32 to index
    %get3A_702 = arith.constant 32 : index
    %get3A_703 = tpu.vector_load %arg5[%get3A_701, %get3A_702] {strides = array<i32>} : memref<4x128xi32, #tpu.memory_space<vmem>>, vector<1x16xi32>,
    %get3A_704 = vector.shape_cast %get3A_703 : vector<1x16xi32> to vector<16xi32>
    %ge3A_705 = arith.constant 51200 : i32
    %ge3A_706 = vector.broadcast %ge3A_705 : i32 to vector<16xi32>
    %ge3A_707 = arith.cmpi sge, %get3A_704, %ge3A_706 : vector<16xi32>
    %sub3A_708 = arith.constant 51200 : i32
    %sub3A_709 = vector.broadcast %sub3A_708 : i32 to vector<16xi32>
    %sub3A_710 = arith.subi %get3A_704, %sub3A_709 : vector<16xi32>
    %shift_left3A_711 = arith.constant 1 : i32
    %shift_left3A_712 = vector.broadcast %shift_left3A_711 : i32 to vector<16xi32>
    %shift_left3A_713 = arith.shli %sub3A_710, %shift_left3A_712 : vector<16xi32>
    %or3A_714 = arith.constant 1 : i32
    %or3A_715 = vector.broadcast %or3A_714 : i32 to vector<16xi32>
    %or3A_716 = arith.ori %shift_left3A_713, %or3A_715 : vector<16xi32>
    %shift_left3A_717 = arith.constant 1 : i32
    %shift_left3A_718 = vector.broadcast %shift_left3A_717 : i32 to vector<16xi32>
    %shift_left3A_719 = arith.shli %get3A_704, %shift_left3A_718 : vector<16xi32>
    %select_n3A_720 = arith.select %ge3A_707, %or3A_716, %shift_left3A_719 : vector<16xi1>, vector<16xi32>
    %swap3A_721 = arith.constant 3 : i32
    %swap3A_722 = arith.index_cast %swap3A_721 : i32 to index
    %swap3A_723 = arith.constant 32 : index
    %swap3A_724 = tpu.vector_load %arg5[%swap3A_722, %swap3A_723] {strides = array<i32>} : memref<4x128xi32, #tpu.memory_space<vmem>>, vector<1x16xi32>,
    %swap3A_725 = vector.shape_cast %swap3A_724 : vector<1x16xi32> to vector<16xi32>
    %swap3A_726 = vector.shape_cast %select_n3A_720 : vector<16xi32> to vector<1x16xi32>
    tpu.vector_store %arg5[%swap3A_722, %swap3A_723], %swap3A_726 {strides = array<i32>} : memref<4x128xi32, #tpu.memory_space<vmem>>, vector<1x16xi32>,
    %get3A_727 = arith.constant 3 : i32
    %get3A_728 = arith.index_cast %get3A_727 : i32 to index
    %get3A_729 = arith.constant 48 : index
    %get3A_730 = tpu.vector_load %arg5[%get3A_728, %get3A_729] {strides = array<i32>} : memref<4x128xi32, #tpu.memory_space<vmem>>, vector<1x16xi32>,
    %get3A_731 = vector.shape_cast %get3A_730 : vector<1x16xi32> to vector<16xi32>
    %ge3A_732 = arith.constant 51200 : i32
    %ge3A_733 = vector.broadcast %ge3A_732 : i32 to vector<16xi32>
    %ge3A_734 = arith.cmpi sge, %get3A_731, %ge3A_733 : vector<16xi32>
    %sub3A_735 = arith.constant 51200 : i32
    %sub3A_736 = vector.broadcast %sub3A_735 : i32 to vector<16xi32>
    %sub3A_737 = arith.subi %get3A_731, %sub3A_736 : vector<16xi32>
    %shift_left3A_738 = arith.constant 1 : i32
    %shift_left3A_739 = vector.broadcast %shift_left3A_738 : i32 to vector<16xi32>
    %shift_left3A_740 = arith.shli %sub3A_737, %shift_left3A_739 : vector<16xi32>
    %or3A_741 = arith.constant 1 : i32
    %or3A_742 = vector.broadcast %or3A_741 : i32 to vector<16xi32>
    %or3A_743 = arith.ori %shift_left3A_740, %or3A_742 : vector<16xi32>
    %shift_left3A_744 = arith.constant 1 : i32
    %shift_left3A_745 = vector.broadcast %shift_left3A_744 : i32 to vector<16xi32>
    %shift_left3A_746 = arith.shli %get3A_731, %shift_left3A_745 : vector<16xi32>
    %select_n3A_747 = arith.select %ge3A_734, %or3A_743, %shift_left3A_746 : vector<16xi1>, vector<16xi32>
    %swap3A_748 = arith.constant 3 : i32
    %swap3A_749 = arith.index_cast %swap3A_748 : i32 to index
    %swap3A_750 = arith.constant 48 : index
    %swap3A_751 = tpu.vector_load %arg5[%swap3A_749, %swap3A_750] {strides = array<i32>} : memref<4x128xi32, #tpu.memory_space<vmem>>, vector<1x16xi32>,
    %swap3A_752 = vector.shape_cast %swap3A_751 : vector<1x16xi32> to vector<16xi32>
    %swap3A_753 = vector.shape_cast %select_n3A_747 : vector<16xi32> to vector<1x16xi32>
    tpu.vector_store %arg5[%swap3A_749, %swap3A_750], %swap3A_753 {strides = array<i32>} : memref<4x128xi32, #tpu.memory_space<vmem>>, vector<1x16xi32>,
    %get3A_754 = arith.constant 3 : i32
    %get3A_755 = arith.index_cast %get3A_754 : i32 to index
    %get3A_756 = arith.constant 64 : index
    %get3A_757 = tpu.vector_load %arg5[%get3A_755, %get3A_756] {strides = array<i32>} : memref<4x128xi32, #tpu.memory_space<vmem>>, vector<1x16xi32>,
    %get3A_758 = vector.shape_cast %get3A_757 : vector<1x16xi32> to vector<16xi32>
    %ge3A_759 = arith.constant 51200 : i32
    %ge3A_760 = vector.broadcast %ge3A_759 : i32 to vector<16xi32>
    %ge3A_761 = arith.cmpi sge, %get3A_758, %ge3A_760 : vector<16xi32>
    %sub3A_762 = arith.constant 51200 : i32
    %sub3A_763 = vector.broadcast %sub3A_762 : i32 to vector<16xi32>
    %sub3A_764 = arith.subi %get3A_758, %sub3A_763 : vector<16xi32>
    %shift_left3A_765 = arith.constant 1 : i32
    %shift_left3A_766 = vector.broadcast %shift_left3A_765 : i32 to vector<16xi32>
    %shift_left3A_767 = arith.shli %sub3A_764, %shift_left3A_766 : vector<16xi32>
    %or3A_768 = arith.constant 1 : i32
    %or3A_769 = vector.broadcast %or3A_768 : i32 to vector<16xi32>
    %or3A_770 = arith.ori %shift_left3A_767, %or3A_769 : vector<16xi32>
    %shift_left3A_771 = arith.constant 1 : i32
    %shift_left3A_772 = vector.broadcast %shift_left3A_771 : i32 to vector<16xi32>
    %shift_left3A_773 = arith.shli %get3A_758, %shift_left3A_772 : vector<16xi32>
    %select_n3A_774 = arith.select %ge3A_761, %or3A_770, %shift_left3A_773 : vector<16xi1>, vector<16xi32>
    %swap3A_775 = arith.constant 3 : i32
    %swap3A_776 = arith.index_cast %swap3A_775 : i32 to index
    %swap3A_777 = arith.constant 64 : index
    %swap3A_778 = tpu.vector_load %arg5[%swap3A_776, %swap3A_777] {strides = array<i32>} : memref<4x128xi32, #tpu.memory_space<vmem>>, vector<1x16xi32>,
    %swap3A_779 = vector.shape_cast %swap3A_778 : vector<1x16xi32> to vector<16xi32>
    %swap3A_780 = vector.shape_cast %select_n3A_774 : vector<16xi32> to vector<1x16xi32>
    tpu.vector_store %arg5[%swap3A_776, %swap3A_777], %swap3A_780 {strides = array<i32>} : memref<4x128xi32, #tpu.memory_space<vmem>>, vector<1x16xi32>,
    %get3A_781 = arith.constant 3 : i32
    %get3A_782 = arith.index_cast %get3A_781 : i32 to index
    %get3A_783 = arith.constant 80 : index
    %get3A_784 = tpu.vector_load %arg5[%get3A_782, %get3A_783] {strides = array<i32>} : memref<4x128xi32, #tpu.memory_space<vmem>>, vector<1x16xi32>,
    %get3A_785 = vector.shape_cast %get3A_784 : vector<1x16xi32> to vector<16xi32>
    %ge3A_786 = arith.constant 51200 : i32
    %ge3A_787 = vector.broadcast %ge3A_786 : i32 to vector<16xi32>
    %ge3A_788 = arith.cmpi sge, %get3A_785, %ge3A_787 : vector<16xi32>
    %sub3A_789 = arith.constant 51200 : i32
    %sub3A_790 = vector.broadcast %sub3A_789 : i32 to vector<16xi32>
    %sub3A_791 = arith.subi %get3A_785, %sub3A_790 : vector<16xi32>
    %shift_left3A_792 = arith.constant 1 : i32
    %shift_left3A_793 = vector.broadcast %shift_left3A_792 : i32 to vector<16xi32>
    %shift_left3A_794 = arith.shli %sub3A_791, %shift_left3A_793 : vector<16xi32>
    %or3A_795 = arith.constant 1 : i32
    %or3A_796 = vector.broadcast %or3A_795 : i32 to vector<16xi32>
    %or3A_797 = arith.ori %shift_left3A_794, %or3A_796 : vector<16xi32>
    %shift_left3A_798 = arith.constant 1 : i32
    %shift_left3A_799 = vector.broadcast %shift_left3A_798 : i32 to vector<16xi32>
    %shift_left3A_800 = arith.shli %get3A_785, %shift_left3A_799 : vector<16xi32>
    %select_n3A_801 = arith.select %ge3A_788, %or3A_797, %shift_left3A_800 : vector<16xi1>, vector<16xi32>
    %swap3A_802 = arith.constant 3 : i32
    %swap3A_803 = arith.index_cast %swap3A_802 : i32 to index
    %swap3A_804 = arith.constant 80 : index
    %swap3A_805 = tpu.vector_load %arg5[%swap3A_803, %swap3A_804] {strides = array<i32>} : memref<4x128xi32, #tpu.memory_space<vmem>>, vector<1x16xi32>,
    %swap3A_806 = vector.shape_cast %swap3A_805 : vector<1x16xi32> to vector<16xi32>
    %swap3A_807 = vector.shape_cast %select_n3A_801 : vector<16xi32> to vector<1x16xi32>
    tpu.vector_store %arg5[%swap3A_803, %swap3A_804], %swap3A_807 {strides = array<i32>} : memref<4x128xi32, #tpu.memory_space<vmem>>, vector<1x16xi32>,
    %get3A_808 = arith.constant 3 : i32
    %get3A_809 = arith.index_cast %get3A_808 : i32 to index
    %get3A_810 = arith.constant 96 : index
    %get3A_811 = tpu.vector_load %arg5[%get3A_809, %get3A_810] {strides = array<i32>} : memref<4x128xi32, #tpu.memory_space<vmem>>, vector<1x16xi32>,
    %get3A_812 = vector.shape_cast %get3A_811 : vector<1x16xi32> to vector<16xi32>
    %ge3A_813 = arith.constant 51200 : i32
    %ge3A_814 = vector.broadcast %ge3A_813 : i32 to vector<16xi32>
    %ge3A_815 = arith.cmpi sge, %get3A_812, %ge3A_814 : vector<16xi32>
    %sub3A_816 = arith.constant 51200 : i32
    %sub3A_817 = vector.broadcast %sub3A_816 : i32 to vector<16xi32>
    %sub3A_818 = arith.subi %get3A_812, %sub3A_817 : vector<16xi32>
    %shift_left3A_819 = arith.constant 1 : i32
    %shift_left3A_820 = vector.broadcast %shift_left3A_819 : i32 to vector<16xi32>
    %shift_left3A_821 = arith.shli %sub3A_818, %shift_left3A_820 : vector<16xi32>
    %or3A_822 = arith.constant 1 : i32
    %or3A_823 = vector.broadcast %or3A_822 : i32 to vector<16xi32>
    %or3A_824 = arith.ori %shift_left3A_821, %or3A_823 : vector<16xi32>
    %shift_left3A_825 = arith.constant 1 : i32
    %shift_left3A_826 = vector.broadcast %shift_left3A_825 : i32 to vector<16xi32>
    %shift_left3A_827 = arith.shli %get3A_812, %shift_left3A_826 : vector<16xi32>
    %select_n3A_828 = arith.select %ge3A_815, %or3A_824, %shift_left3A_827 : vector<16xi1>, vector<16xi32>
    %swap3A_829 = arith.constant 3 : i32
    %swap3A_830 = arith.index_cast %swap3A_829 : i32 to index
    %swap3A_831 = arith.constant 96 : index
    %swap3A_832 = tpu.vector_load %arg5[%swap3A_830, %swap3A_831] {strides = array<i32>} : memref<4x128xi32, #tpu.memory_space<vmem>>, vector<1x16xi32>,
    %swap3A_833 = vector.shape_cast %swap3A_832 : vector<1x16xi32> to vector<16xi32>
    %swap3A_834 = vector.shape_cast %select_n3A_828 : vector<16xi32> to vector<1x16xi32>
    tpu.vector_store %arg5[%swap3A_830, %swap3A_831], %swap3A_834 {strides = array<i32>} : memref<4x128xi32, #tpu.memory_space<vmem>>, vector<1x16xi32>,
    %get3A_835 = arith.constant 3 : i32
    %get3A_836 = arith.index_cast %get3A_835 : i32 to index
    %get3A_837 = arith.constant 112 : index
    %get3A_838 = tpu.vector_load %arg5[%get3A_836, %get3A_837] {strides = array<i32>} : memref<4x128xi32, #tpu.memory_space<vmem>>, vector<1x16xi32>,
    %get3A_839 = vector.shape_cast %get3A_838 : vector<1x16xi32> to vector<16xi32>
    %ge3A_840 = arith.constant 51200 : i32
    %ge3A_841 = vector.broadcast %ge3A_840 : i32 to vector<16xi32>
    %ge3A_842 = arith.cmpi sge, %get3A_839, %ge3A_841 : vector<16xi32>
    %sub3A_843 = arith.constant 51200 : i32
    %sub3A_844 = vector.broadcast %sub3A_843 : i32 to vector<16xi32>
    %sub3A_845 = arith.subi %get3A_839, %sub3A_844 : vector<16xi32>
    %shift_left3A_846 = arith.constant 1 : i32
    %shift_left3A_847 = vector.broadcast %shift_left3A_846 : i32 to vector<16xi32>
    %shift_left3A_848 = arith.shli %sub3A_845, %shift_left3A_847 : vector<16xi32>
    %or3A_849 = arith.constant 1 : i32
    %or3A_850 = vector.broadcast %or3A_849 : i32 to vector<16xi32>
    %or3A_851 = arith.ori %shift_left3A_848, %or3A_850 : vector<16xi32>
    %shift_left3A_852 = arith.constant 1 : i32
    %shift_left3A_853 = vector.broadcast %shift_left3A_852 : i32 to vector<16xi32>
    %shift_left3A_854 = arith.shli %get3A_839, %shift_left3A_853 : vector<16xi32>
    %select_n3A_855 = arith.select %ge3A_842, %or3A_851, %shift_left3A_854 : vector<16xi1>, vector<16xi32>
    %swap3A_856 = arith.constant 3 : i32
    %swap3A_857 = arith.index_cast %swap3A_856 : i32 to index
    %swap3A_858 = arith.constant 112 : index
    %swap3A_859 = tpu.vector_load %arg5[%swap3A_857, %swap3A_858] {strides = array<i32>} : memref<4x128xi32, #tpu.memory_space<vmem>>, vector<1x16xi32>,
    %swap3A_860 = vector.shape_cast %swap3A_859 : vector<1x16xi32> to vector<16xi32>
    %swap3A_861 = vector.shape_cast %select_n3A_855 : vector<16xi32> to vector<1x16xi32>
    tpu.vector_store %arg5[%swap3A_857, %swap3A_858], %swap3A_861 {strides = array<i32>} : memref<4x128xi32, #tpu.memory_space<vmem>>, vector<1x16xi32>,
    %dma_start3A = arith.constant 0 : i32
    %dma_start3A_862 = arith.constant 0 : i32
    %dma_start3A_863 = tpu.memref_slice %arg5[%dma_start3A, %dma_start3A_862] : memref<4x128xi32, #tpu.memory_space<vmem>> -> memref<1x128xi32, #tpu.memory_space<vmem>>
    %dma_start3A_864 = tpu.memref_squeeze %dma_start3A_863 : memref<1x128xi32, #tpu.memory_space<vmem>> -> memref<128xi32, #tpu.memory_space<vmem>>
    %dma_start3A_865 = arith.constant 0 : i32
    %dma_start3A_866 = arith.constant 0 : i32
    %dma_start3A_867 = tpu.memref_slice %arg3[%dma_start3A_865, %dma_start3A_866] : memref<102400x64xi32, #tpu.memory_space<hbm>> -> memref<102400x64xi32, #tpu.memory_space<hbm>>
    tpu.enqueue_indirect_dma source(%dma_start3A_867 : memref<102400x64xi32, #tpu.memory_space<hbm>>) target(%arg6 : memref<128x64xi32, #tpu.memory_space<vmem>>) offsets(%dma_start3A_864 : memref<128xi32, #tpu.memory_space<vmem>>) semaphore(%arg8 : memref<!tpu.dma_semaphore, #tpu.memory_space<semaphore_mem>>)
    %dma_wait3A = arith.constant 0 : i32
    %dma_wait3A_868 = arith.constant 0 : i32
    %dma_wait3A_869 = tpu.memref_slice %arg5[%dma_wait3A, %dma_wait3A_868] : memref<4x128xi32, #tpu.memory_space<vmem>> -> memref<1x128xi32, #tpu.memory_space<vmem>>
    %dma_wait3A_870 = tpu.memref_squeeze %dma_wait3A_869 : memref<1x128xi32, #tpu.memory_space<vmem>> -> memref<128xi32, #tpu.memory_space<vmem>>
    %dma_wait3A_871 = arith.constant 0 : i32
    %dma_wait3A_872 = arith.constant 0 : i32
    %dma_wait3A_873 = tpu.memref_slice %arg3[%dma_wait3A_871, %dma_wait3A_872] : memref<102400x64xi32, #tpu.memory_space<hbm>> -> memref<102400x64xi32, #tpu.memory_space<hbm>>
    tpu.wait_indirect_dma semaphore(%arg8 : memref<!tpu.dma_semaphore, #tpu.memory_space<semaphore_mem>>) src(%dma_wait3A_873 : memref<102400x64xi32, #tpu.memory_space<hbm>>) dst(%arg6 : memref<128x64xi32, #tpu.memory_space<vmem>>)
    %dma_start3A_874 = arith.constant 1 : i32
    %dma_start3A_875 = arith.constant 0 : i32
    %dma_start3A_876 = tpu.memref_slice %arg5[%dma_start3A_874, %dma_start3A_875] : memref<4x128xi32, #tpu.memory_space<vmem>> -> memref<1x128xi32, #tpu.memory_space<vmem>>
    %dma_start3A_877 = tpu.memref_squeeze %dma_start3A_876 : memref<1x128xi32, #tpu.memory_space<vmem>> -> memref<128xi32, #tpu.memory_space<vmem>>
    %dma_start3A_878 = arith.constant 0 : i32
    %dma_start3A_879 = arith.constant 0 : i32
    %dma_start3A_880 = tpu.memref_slice %arg3[%dma_start3A_878, %dma_start3A_879] : memref<102400x64xi32, #tpu.memory_space<hbm>> -> memref<102400x64xi32, #tpu.memory_space<hbm>>
    tpu.enqueue_indirect_dma source(%dma_start3A_880 : memref<102400x64xi32, #tpu.memory_space<hbm>>) target(%arg7 : memref<128x64xi32, #tpu.memory_space<vmem>>) offsets(%dma_start3A_877 : memref<128xi32, #tpu.memory_space<vmem>>) semaphore(%arg9 : memref<!tpu.dma_semaphore, #tpu.memory_space<semaphore_mem>>)
    %add3A_881 = arith.constant 0 : i32
    %add3A_882 = arith.addi %mul3A_2, %add3A_881 : i32
    %dma_start3A_883 = arith.constant 0 : i32
    %dma_start3A_884 = tpu.memref_slice %arg4[%add3A_882, %dma_start3A_883] : memref<16384x64xi32, #tpu.memory_space<hbm>> -> memref<128x64xi32, #tpu.memory_space<hbm>>
    %dma_start3A_885 = arith.constant 0 : i32
    %dma_start3A_886 = tpu.memref_slice %arg4[%add3A_882, %dma_start3A_885] : memref<16384x64xi32, #tpu.memory_space<hbm>> -> memref<128x64xi32, #tpu.memory_space<hbm>>
    tpu.enqueue_dma source(%arg6 : memref<128x64xi32, #tpu.memory_space<vmem>>) target(%dma_start3A_886 : memref<128x64xi32, #tpu.memory_space<hbm>>) target_semaphore(%arg10 : memref<!tpu.dma_semaphore, #tpu.memory_space<semaphore_mem>>)
    %dma_wait3A_887 = arith.constant 1 : i32
    %dma_wait3A_888 = arith.constant 0 : i32
    %dma_wait3A_889 = tpu.memref_slice %arg5[%dma_wait3A_887, %dma_wait3A_888] : memref<4x128xi32, #tpu.memory_space<vmem>> -> memref<1x128xi32, #tpu.memory_space<vmem>>
    %dma_wait3A_890 = tpu.memref_squeeze %dma_wait3A_889 : memref<1x128xi32, #tpu.memory_space<vmem>> -> memref<128xi32, #tpu.memory_space<vmem>>
    %dma_wait3A_891 = arith.constant 0 : i32
    %dma_wait3A_892 = arith.constant 0 : i32
    %dma_wait3A_893 = tpu.memref_slice %arg3[%dma_wait3A_891, %dma_wait3A_892] : memref<102400x64xi32, #tpu.memory_space<hbm>> -> memref<102400x64xi32, #tpu.memory_space<hbm>>
    tpu.wait_indirect_dma semaphore(%arg9 : memref<!tpu.dma_semaphore, #tpu.memory_space<semaphore_mem>>) src(%dma_wait3A_893 : memref<102400x64xi32, #tpu.memory_space<hbm>>) dst(%arg7 : memref<128x64xi32, #tpu.memory_space<vmem>>)
    %dma_wait3A_894 = arith.constant 0 : i32
    %dma_wait3A_895 = tpu.memref_slice %arg4[%add3A_882, %dma_wait3A_894] : memref<16384x64xi32, #tpu.memory_space<hbm>> -> memref<128x64xi32, #tpu.memory_space<hbm>>
    %dma_wait3A_896 = arith.constant 0 : i32
    %dma_wait3A_897 = tpu.memref_slice %arg4[%add3A_882, %dma_wait3A_896] : memref<16384x64xi32, #tpu.memory_space<hbm>> -> memref<128x64xi32, #tpu.memory_space<hbm>>
    tpu.wait_dma2 semaphore(%arg10 : memref<!tpu.dma_semaphore, #tpu.memory_space<semaphore_mem>>) src(%arg6 : memref<128x64xi32, #tpu.memory_space<vmem>>) dst(%dma_wait3A_897 : memref<128x64xi32, #tpu.memory_space<hbm>>)
    %dma_start3A_898 = arith.constant 2 : i32
    %dma_start3A_899 = arith.constant 0 : i32
    %dma_start3A_900 = tpu.memref_slice %arg5[%dma_start3A_898, %dma_start3A_899] : memref<4x128xi32, #tpu.memory_space<vmem>> -> memref<1x128xi32, #tpu.memory_space<vmem>>
    %dma_start3A_901 = tpu.memref_squeeze %dma_start3A_900 : memref<1x128xi32, #tpu.memory_space<vmem>> -> memref<128xi32, #tpu.memory_space<vmem>>
    %dma_start3A_902 = arith.constant 0 : i32
    %dma_start3A_903 = arith.constant 0 : i32
    %dma_start3A_904 = tpu.memref_slice %arg3[%dma_start3A_902, %dma_start3A_903] : memref<102400x64xi32, #tpu.memory_space<hbm>> -> memref<102400x64xi32, #tpu.memory_space<hbm>>
    tpu.enqueue_indirect_dma source(%dma_start3A_904 : memref<102400x64xi32, #tpu.memory_space<hbm>>) target(%arg6 : memref<128x64xi32, #tpu.memory_space<vmem>>) offsets(%dma_start3A_901 : memref<128xi32, #tpu.memory_space<vmem>>) semaphore(%arg8 : memref<!tpu.dma_semaphore, #tpu.memory_space<semaphore_mem>>)
    %add3A_905 = arith.constant 128 : i32
    %add3A_906 = arith.addi %mul3A_2, %add3A_905 : i32
    %dma_start3A_907 = arith.constant 0 : i32
    %dma_start3A_908 = tpu.memref_slice %arg4[%add3A_906, %dma_start3A_907] : memref<16384x64xi32, #tpu.memory_space<hbm>> -> memref<128x64xi32, #tpu.memory_space<hbm>>
    %dma_start3A_909 = arith.constant 0 : i32
    %dma_start3A_910 = tpu.memref_slice %arg4[%add3A_906, %dma_start3A_909] : memref<16384x64xi32, #tpu.memory_space<hbm>> -> memref<128x64xi32, #tpu.memory_space<hbm>>
    tpu.enqueue_dma source(%arg7 : memref<128x64xi32, #tpu.memory_space<vmem>>) target(%dma_start3A_910 : memref<128x64xi32, #tpu.memory_space<hbm>>) target_semaphore(%arg10 : memref<!tpu.dma_semaphore, #tpu.memory_space<semaphore_mem>>)
    %dma_wait3A_911 = arith.constant 2 : i32
    %dma_wait3A_912 = arith.constant 0 : i32
    %dma_wait3A_913 = tpu.memref_slice %arg5[%dma_wait3A_911, %dma_wait3A_912] : memref<4x128xi32, #tpu.memory_space<vmem>> -> memref<1x128xi32, #tpu.memory_space<vmem>>
    %dma_wait3A_914 = tpu.memref_squeeze %dma_wait3A_913 : memref<1x128xi32, #tpu.memory_space<vmem>> -> memref<128xi32, #tpu.memory_space<vmem>>
    %dma_wait3A_915 = arith.constant 0 : i32
    %dma_wait3A_916 = arith.constant 0 : i32
    %dma_wait3A_917 = tpu.memref_slice %arg3[%dma_wait3A_915, %dma_wait3A_916] : memref<102400x64xi32, #tpu.memory_space<hbm>> -> memref<102400x64xi32, #tpu.memory_space<hbm>>
    tpu.wait_indirect_dma semaphore(%arg8 : memref<!tpu.dma_semaphore, #tpu.memory_space<semaphore_mem>>) src(%dma_wait3A_917 : memref<102400x64xi32, #tpu.memory_space<hbm>>) dst(%arg6 : memref<128x64xi32, #tpu.memory_space<vmem>>)
    %dma_wait3A_918 = arith.constant 0 : i32
    %dma_wait3A_919 = tpu.memref_slice %arg4[%add3A_906, %dma_wait3A_918] : memref<16384x64xi32, #tpu.memory_space<hbm>> -> memref<128x64xi32, #tpu.memory_space<hbm>>
    %dma_wait3A_920 = arith.constant 0 : i32
    %dma_wait3A_921 = tpu.memref_slice %arg4[%add3A_906, %dma_wait3A_920] : memref<16384x64xi32, #tpu.memory_space<hbm>> -> memref<128x64xi32, #tpu.memory_space<hbm>>
    tpu.wait_dma2 semaphore(%arg10 : memref<!tpu.dma_semaphore, #tpu.memory_space<semaphore_mem>>) src(%arg7 : memref<128x64xi32, #tpu.memory_space<vmem>>) dst(%dma_wait3A_921 : memref<128x64xi32, #tpu.memory_space<hbm>>)
    %dma_start3A_922 = arith.constant 3 : i32
    %dma_start3A_923 = arith.constant 0 : i32
    %dma_start3A_924 = tpu.memref_slice %arg5[%dma_start3A_922, %dma_start3A_923] : memref<4x128xi32, #tpu.memory_space<vmem>> -> memref<1x128xi32, #tpu.memory_space<vmem>>
    %dma_start3A_925 = tpu.memref_squeeze %dma_start3A_924 : memref<1x128xi32, #tpu.memory_space<vmem>> -> memref<128xi32, #tpu.memory_space<vmem>>
    %dma_start3A_926 = arith.constant 0 : i32
    %dma_start3A_927 = arith.constant 0 : i32
    %dma_start3A_928 = tpu.memref_slice %arg3[%dma_start3A_926, %dma_start3A_927] : memref<102400x64xi32, #tpu.memory_space<hbm>> -> memref<102400x64xi32, #tpu.memory_space<hbm>>
    tpu.enqueue_indirect_dma source(%dma_start3A_928 : memref<102400x64xi32, #tpu.memory_space<hbm>>) target(%arg7 : memref<128x64xi32, #tpu.memory_space<vmem>>) offsets(%dma_start3A_925 : memref<128xi32, #tpu.memory_space<vmem>>) semaphore(%arg9 : memref<!tpu.dma_semaphore, #tpu.memory_space<semaphore_mem>>)
    %add3A_929 = arith.constant 256 : i32
    %add3A_930 = arith.addi %mul3A_2, %add3A_929 : i32
    %dma_start3A_931 = arith.constant 0 : i32
    %dma_start3A_932 = tpu.memref_slice %arg4[%add3A_930, %dma_start3A_931] : memref<16384x64xi32, #tpu.memory_space<hbm>> -> memref<128x64xi32, #tpu.memory_space<hbm>>
    %dma_start3A_933 = arith.constant 0 : i32
    %dma_start3A_934 = tpu.memref_slice %arg4[%add3A_930, %dma_start3A_933] : memref<16384x64xi32, #tpu.memory_space<hbm>> -> memref<128x64xi32, #tpu.memory_space<hbm>>
    tpu.enqueue_dma source(%arg6 : memref<128x64xi32, #tpu.memory_space<vmem>>) target(%dma_start3A_934 : memref<128x64xi32, #tpu.memory_space<hbm>>) target_semaphore(%arg10 : memref<!tpu.dma_semaphore, #tpu.memory_space<semaphore_mem>>)
    %dma_wait3A_935 = arith.constant 3 : i32
    %dma_wait3A_936 = arith.constant 0 : i32
    %dma_wait3A_937 = tpu.memref_slice %arg5[%dma_wait3A_935, %dma_wait3A_936] : memref<4x128xi32, #tpu.memory_space<vmem>> -> memref<1x128xi32, #tpu.memory_space<vmem>>
    %dma_wait3A_938 = tpu.memref_squeeze %dma_wait3A_937 : memref<1x128xi32, #tpu.memory_space<vmem>> -> memref<128xi32, #tpu.memory_space<vmem>>
    %dma_wait3A_939 = arith.constant 0 : i32
    %dma_wait3A_940 = arith.constant 0 : i32
    %dma_wait3A_941 = tpu.memref_slice %arg3[%dma_wait3A_939, %dma_wait3A_940] : memref<102400x64xi32, #tpu.memory_space<hbm>> -> memref<102400x64xi32, #tpu.memory_space<hbm>>
    tpu.wait_indirect_dma semaphore(%arg9 : memref<!tpu.dma_semaphore, #tpu.memory_space<semaphore_mem>>) src(%dma_wait3A_941 : memref<102400x64xi32, #tpu.memory_space<hbm>>) dst(%arg7 : memref<128x64xi32, #tpu.memory_space<vmem>>)
    %add3A_942 = arith.constant 384 : i32
    %add3A_943 = arith.addi %mul3A_2, %add3A_942 : i32
    %dma_start3A_944 = arith.constant 0 : i32
    %dma_start3A_945 = tpu.memref_slice %arg4[%add3A_943, %dma_start3A_944] : memref<16384x64xi32, #tpu.memory_space<hbm>> -> memref<128x64xi32, #tpu.memory_space<hbm>>
    %dma_start3A_946 = arith.constant 0 : i32
    %dma_start3A_947 = tpu.memref_slice %arg4[%add3A_943, %dma_start3A_946] : memref<16384x64xi32, #tpu.memory_space<hbm>> -> memref<128x64xi32, #tpu.memory_space<hbm>>
    tpu.enqueue_dma source(%arg7 : memref<128x64xi32, #tpu.memory_space<vmem>>) target(%dma_start3A_947 : memref<128x64xi32, #tpu.memory_space<hbm>>) target_semaphore(%arg10 : memref<!tpu.dma_semaphore, #tpu.memory_space<semaphore_mem>>)
    %dma_wait3A_948 = arith.constant 0 : i32
    %dma_wait3A_949 = tpu.memref_slice %arg4[%add3A_930, %dma_wait3A_948] : memref<16384x64xi32, #tpu.memory_space<hbm>> -> memref<128x64xi32, #tpu.memory_space<hbm>>
    %dma_wait3A_950 = arith.constant 0 : i32
    %dma_wait3A_951 = tpu.memref_slice %arg4[%add3A_930, %dma_wait3A_950] : memref<16384x64xi32, #tpu.memory_space<hbm>> -> memref<128x64xi32, #tpu.memory_space<hbm>>
    tpu.wait_dma2 semaphore(%arg10 : memref<!tpu.dma_semaphore, #tpu.memory_space<semaphore_mem>>) src(%arg6 : memref<128x64xi32, #tpu.memory_space<vmem>>) dst(%dma_wait3A_951 : memref<128x64xi32, #tpu.memory_space<hbm>>)
    %dma_wait3A_952 = arith.constant 0 : i32
    %dma_wait3A_953 = tpu.memref_slice %arg4[%add3A_943, %dma_wait3A_952] : memref<16384x64xi32, #tpu.memory_space<hbm>> -> memref<128x64xi32, #tpu.memory_space<hbm>>
    %dma_wait3A_954 = arith.constant 0 : i32
    %dma_wait3A_955 = tpu.memref_slice %arg4[%add3A_943, %dma_wait3A_954] : memref<16384x64xi32, #tpu.memory_space<hbm>> -> memref<128x64xi32, #tpu.memory_space<hbm>>
    tpu.wait_dma2 semaphore(%arg10 : memref<!tpu.dma_semaphore, #tpu.memory_space<semaphore_mem>>) src(%arg7 : memref<128x64xi32, #tpu.memory_space<vmem>>) dst(%dma_wait3A_955 : memref<128x64xi32, #tpu.memory_space<hbm>>)
    return
  }
}

module attributes {stable_mosaic.version = 14 : i64} {
  func.func @_tc_pack_kernel(%arg0: i32, %arg1: memref<64x5120xf32, #tpu.memory_space<vmem>>, %arg2: memref<64x5120xf32, #tpu.memory_space<vmem>>, %arg3: memref<64x5120xf32, #tpu.memory_space<vmem>>, %arg4: memref<64x5120xf32, #tpu.memory_space<vmem>>, %arg5: memref<5120x128xi32, #tpu.memory_space<vmem>>) attributes {dimension_semantics = [#tpu.dimension_semantics<arbitrary>], iteration_bounds = array<i64: 10>, scalar_prefetch = 0 : i64, scratch_operands = 0 : i64, tpu.core_type = #tpu.core_type<tc>, window_params = [{transform_indices = @transform_0, window_bounds = array<i64: 64, 5120>}, {transform_indices = @transform_1, window_bounds = array<i64: 64, 5120>}, {transform_indices = @transform_2, window_bounds = array<i64: 64, 5120>}, {transform_indices = @transform_3, window_bounds = array<i64: 64, 5120>}, {transform_indices = @transform_4, window_bounds = array<i64: 5120, 128>}]} {
    %get3A = arith.constant 0 : index
    %get3A_0 = arith.constant 0 : index
    %get3A_1 = vector.load %arg1[%get3A, %get3A_0] : memref<64x5120xf32, #tpu.memory_space<vmem>>, vector<64x5120xf32>
    %get3A_2 = arith.constant 0 : index
    %get3A_3 = arith.constant 0 : index
    %get3A_4 = vector.load %arg3[%get3A_2, %get3A_3] : memref<64x5120xf32, #tpu.memory_space<vmem>>, vector<64x5120xf32>
    %convert_element_type3A = arith.truncf %get3A_1 : vector<64x5120xf32> to vector<64x5120xbf16>
    %transpose3A = tpu.transpose %convert_element_type3A, [1, 0] : vector<64x5120xbf16> -> vector<5120x64xbf16>
    %bitcast_convert_type3A = tpu.bitcast %transpose3A : vector<5120x64xbf16> -> vector<5120x64xi16>
    %convert_element_type3A_5 = arith.extui %bitcast_convert_type3A : vector<5120x64xi16> to vector<5120x64xi32>
    %convert_element_type3A_6 = arith.truncf %get3A_4 : vector<64x5120xf32> to vector<64x5120xbf16>
    %transpose3A_7 = tpu.transpose %convert_element_type3A_6, [1, 0] : vector<64x5120xbf16> -> vector<5120x64xbf16>
    %bitcast_convert_type3A_8 = tpu.bitcast %transpose3A_7 : vector<5120x64xbf16> -> vector<5120x64xi16>
    %convert_element_type3A_9 = arith.extui %bitcast_convert_type3A_8 : vector<5120x64xi16> to vector<5120x64xi32>
    %shift_left3A = arith.constant 16 : i32
    %shift_left3A_10 = vector.broadcast %shift_left3A : i32 to vector<5120x64xi32>
    %shift_left3A_11 = arith.shli %convert_element_type3A_9, %shift_left3A_10 : vector<5120x64xi32>
    %or3A = arith.ori %shift_left3A_11, %convert_element_type3A_5 : vector<5120x64xi32>
    %bitcast_convert_type3A_12 = tpu.bitcast %or3A : vector<5120x64xi32> -> vector<5120x64xi32>
    %swap3A = arith.constant 0 : index
    %swap3A_13 = arith.constant 0 : index
    %swap3A_14 = vector.load %arg5[%swap3A, %swap3A_13] : memref<5120x128xi32, #tpu.memory_space<vmem>>, vector<5120x64xi32>
    tpu.vector_store %arg5[%swap3A, %swap3A_13], %bitcast_convert_type3A_12 {strides = array<i32>} : memref<5120x128xi32, #tpu.memory_space<vmem>>, vector<5120x64xi32>,
    %get3A_15 = arith.constant 0 : index
    %get3A_16 = arith.constant 0 : index
    %get3A_17 = vector.load %arg2[%get3A_15, %get3A_16] : memref<64x5120xf32, #tpu.memory_space<vmem>>, vector<64x5120xf32>
    %get3A_18 = arith.constant 0 : index
    %get3A_19 = arith.constant 0 : index
    %get3A_20 = vector.load %arg4[%get3A_18, %get3A_19] : memref<64x5120xf32, #tpu.memory_space<vmem>>, vector<64x5120xf32>
    %convert_element_type3A_21 = arith.truncf %get3A_17 : vector<64x5120xf32> to vector<64x5120xbf16>
    %transpose3A_22 = tpu.transpose %convert_element_type3A_21, [1, 0] : vector<64x5120xbf16> -> vector<5120x64xbf16>
    %bitcast_convert_type3A_23 = tpu.bitcast %transpose3A_22 : vector<5120x64xbf16> -> vector<5120x64xi16>
    %convert_element_type3A_24 = arith.extui %bitcast_convert_type3A_23 : vector<5120x64xi16> to vector<5120x64xi32>
    %convert_element_type3A_25 = arith.truncf %get3A_20 : vector<64x5120xf32> to vector<64x5120xbf16>
    %transpose3A_26 = tpu.transpose %convert_element_type3A_25, [1, 0] : vector<64x5120xbf16> -> vector<5120x64xbf16>
    %bitcast_convert_type3A_27 = tpu.bitcast %transpose3A_26 : vector<5120x64xbf16> -> vector<5120x64xi16>
    %convert_element_type3A_28 = arith.extui %bitcast_convert_type3A_27 : vector<5120x64xi16> to vector<5120x64xi32>
    %shift_left3A_29 = arith.constant 16 : i32
    %shift_left3A_30 = vector.broadcast %shift_left3A_29 : i32 to vector<5120x64xi32>
    %shift_left3A_31 = arith.shli %convert_element_type3A_28, %shift_left3A_30 : vector<5120x64xi32>
    %or3A_32 = arith.ori %shift_left3A_31, %convert_element_type3A_24 : vector<5120x64xi32>
    %bitcast_convert_type3A_33 = tpu.bitcast %or3A_32 : vector<5120x64xi32> -> vector<5120x64xi32>
    %swap3A_34 = arith.constant 0 : index
    %swap3A_35 = arith.constant 64 : index
    %swap3A_36 = vector.load %arg5[%swap3A_34, %swap3A_35] : memref<5120x128xi32, #tpu.memory_space<vmem>>, vector<5120x64xi32>
    tpu.vector_store %arg5[%swap3A_34, %swap3A_35], %bitcast_convert_type3A_33 {strides = array<i32>} : memref<5120x128xi32, #tpu.memory_space<vmem>>, vector<5120x64xi32>,
    return
  }
  func.func @transform_0(%arg0: i32) -> (i32, i32) {
    %c0_i32 = arith.constant 0 : i32
    %c0_i32_0 = arith.constant 0 : i32
    return %c0_i32, %arg0 : i32, i32
  }
  func.func @transform_1(%arg0: i32) -> (i32, i32) {
    %add3A = arith.constant 10 : i32
    %add3A_0 = arith.addi %arg0, %add3A : i32
    %c0_i32 = arith.constant 0 : i32
    %c0_i32_1 = arith.constant 0 : i32
    return %c0_i32, %add3A_0 : i32, i32
  }
  func.func @transform_2(%arg0: i32) -> (i32, i32) {
    %c0_i32 = arith.constant 0 : i32
    %c0_i32_0 = arith.constant 0 : i32
    return %c0_i32, %arg0 : i32, i32
  }
  func.func @transform_3(%arg0: i32) -> (i32, i32) {
    %add3A = arith.constant 10 : i32
    %add3A_0 = arith.addi %arg0, %add3A : i32
    %c0_i32 = arith.constant 0 : i32
    %c0_i32_1 = arith.constant 0 : i32
    return %c0_i32, %add3A_0 : i32, i32
  }
  func.func @transform_4(%arg0: i32) -> (i32, i32) {
    %c0_i32 = arith.constant 0 : i32
    %c0_i32_0 = arith.constant 0 : i32
    return %arg0, %c0_i32 : i32, i32
  }
}

module attributes {stable_mosaic.version = 14 : i64} {
  func.func @_tc_dense_kernel(%arg0: i32, %arg1: memref<4096x64xi32, #tpu.memory_space<vmem>>, %arg2: memref<4096x64xi32, #tpu.memory_space<vmem>>, %arg3: memref<128x64xf32, #tpu.memory_space<vmem>>, %arg4: memref<64xf32, #tpu.memory_space<vmem>>, %arg5: memref<64x32xf32, #tpu.memory_space<vmem>>, %arg6: memref<32xf32, #tpu.memory_space<vmem>>, %arg7: memref<32x16xf32, #tpu.memory_space<vmem>>, %arg8: memref<16xf32, #tpu.memory_space<vmem>>, %arg9: memref<80x1xf32, #tpu.memory_space<vmem>>, %arg10: memref<1xf32, #tpu.memory_space<vmem>>, %arg11: memref<4096x1xf32, #tpu.memory_space<vmem>>) attributes {dimension_semantics = [#tpu.dimension_semantics<arbitrary>], iteration_bounds = array<i64: 4>, scalar_prefetch = 0 : i64, scratch_operands = 0 : i64, tpu.core_type = #tpu.core_type<tc>, window_params = [{transform_indices = @transform_0, window_bounds = array<i64: 4096, 64>}, {transform_indices = @transform_1, window_bounds = array<i64: 4096, 64>}, {pipeline_mode = #tpu.pipeline_mode<synchronous>, transform_indices = @transform_2, window_bounds = array<i64: 128, 64>}, {pipeline_mode = #tpu.pipeline_mode<synchronous>, transform_indices = @transform_3, window_bounds = array<i64: 64>}, {pipeline_mode = #tpu.pipeline_mode<synchronous>, transform_indices = @transform_4, window_bounds = array<i64: 64, 32>}, {pipeline_mode = #tpu.pipeline_mode<synchronous>, transform_indices = @transform_5, window_bounds = array<i64: 32>}, {pipeline_mode = #tpu.pipeline_mode<synchronous>, transform_indices = @transform_6, window_bounds = array<i64: 32, 16>}, {pipeline_mode = #tpu.pipeline_mode<synchronous>, transform_indices = @transform_7, window_bounds = array<i64: 16>}, {pipeline_mode = #tpu.pipeline_mode<synchronous>, transform_indices = @transform_8, window_bounds = array<i64: 80, 1>}, {pipeline_mode = #tpu.pipeline_mode<synchronous>, transform_indices = @transform_9, window_bounds = array<i64: 1>}, {transform_indices = @transform_10, window_bounds = array<i64: 4096, 1>}]} {
    %get3A = arith.constant 0 : index
    %get3A_0 = arith.constant 0 : index
    %get3A_1 = vector.load %arg1[%get3A, %get3A_0] : memref<4096x64xi32, #tpu.memory_space<vmem>>, vector<4096x64xi32>
    %bitcast_convert_type3A = tpu.bitcast %get3A_1 : vector<4096x64xi32> -> vector<4096x64xi32>
    %and3A = arith.constant 65535 : i32
    %and3A_2 = vector.broadcast %and3A : i32 to vector<4096x64xi32>
    %and3A_3 = arith.andi %bitcast_convert_type3A, %and3A_2 : vector<4096x64xi32>
    %convert_element_type3A = arith.trunci %and3A_3 : vector<4096x64xi32> to vector<4096x64xi16>
    %bitcast_convert_type3A_4 = tpu.bitcast %convert_element_type3A : vector<4096x64xi16> -> vector<4096x64xbf16>
    %shift_right_logical3A = arith.constant 16 : i32
    %shift_right_logical3A_5 = vector.broadcast %shift_right_logical3A : i32 to vector<4096x64xi32>
    %shift_right_logical3A_6 = arith.shrui %bitcast_convert_type3A, %shift_right_logical3A_5 : vector<4096x64xi32>
    %convert_element_type3A_7 = arith.trunci %shift_right_logical3A_6 : vector<4096x64xi32> to vector<4096x64xi16>
    %bitcast_convert_type3A_8 = tpu.bitcast %convert_element_type3A_7 : vector<4096x64xi16> -> vector<4096x64xbf16>
    %get3A_9 = arith.constant 0 : index
    %get3A_10 = arith.constant 0 : index
    %get3A_11 = vector.load %arg2[%get3A_9, %get3A_10] : memref<4096x64xi32, #tpu.memory_space<vmem>>, vector<4096x64xi32>
    %bitcast_convert_type3A_12 = tpu.bitcast %get3A_11 : vector<4096x64xi32> -> vector<4096x64xi32>
    %and3A_13 = arith.constant 65535 : i32
    %and3A_14 = vector.broadcast %and3A_13 : i32 to vector<4096x64xi32>
    %and3A_15 = arith.andi %bitcast_convert_type3A_12, %and3A_14 : vector<4096x64xi32>
    %convert_element_type3A_16 = arith.trunci %and3A_15 : vector<4096x64xi32> to vector<4096x64xi16>
    %bitcast_convert_type3A_17 = tpu.bitcast %convert_element_type3A_16 : vector<4096x64xi16> -> vector<4096x64xbf16>
    %shift_right_logical3A_18 = arith.constant 16 : i32
    %shift_right_logical3A_19 = vector.broadcast %shift_right_logical3A_18 : i32 to vector<4096x64xi32>
    %shift_right_logical3A_20 = arith.shrui %bitcast_convert_type3A_12, %shift_right_logical3A_19 : vector<4096x64xi32>
    %convert_element_type3A_21 = arith.trunci %shift_right_logical3A_20 : vector<4096x64xi32> to vector<4096x64xi16>
    %bitcast_convert_type3A_22 = tpu.bitcast %convert_element_type3A_21 : vector<4096x64xi16> -> vector<4096x64xbf16>
    %convert_element_type3A_23 = arith.extf %bitcast_convert_type3A_4 : vector<4096x64xbf16> to vector<4096x64xf32>
    %convert_element_type3A_24 = arith.extf %bitcast_convert_type3A_17 : vector<4096x64xbf16> to vector<4096x64xf32>
    %mul3A = arith.mulf %convert_element_type3A_23, %convert_element_type3A_24 : vector<4096x64xf32>
    %get3A_25 = arith.constant 0 : index
    %get3A_26 = arith.constant 0 : index
    %get3A_27 = vector.load %arg3[%get3A_25, %get3A_26] : memref<128x64xf32, #tpu.memory_space<vmem>>, vector<128x64xf32>
    %convert_element_type3A_28 = arith.truncf %get3A_27 : vector<128x64xf32> to vector<128x64xbf16>
    %slice3A = vector.extract_strided_slice %convert_element_type3A_28 {offsets = [0, 0], sizes = [64, 64], strides = [1, 1]} : vector<128x64xbf16> to vector<64x64xbf16>
    %dot_general3A = arith.constant dense<0.000000e+00> : vector<4096x64xf32>
    %dot_general3A_29 = tpu.matmul %bitcast_convert_type3A_8, %slice3A, %dot_general3A {dimension_numbers = #tpu.dot_dimension_numbers<[1], [0], [0], [1], [0, 0, 1, 1], [], []>, transpose_lhs_hint = false} : vector<4096x64xbf16>, vector<64x64xbf16>, vector<4096x64xf32> -> vector<4096x64xf32>
    %slice3A_30 = vector.extract_strided_slice %convert_element_type3A_28 {offsets = [64, 0], sizes = [64, 64], strides = [1, 1]} : vector<128x64xbf16> to vector<64x64xbf16>
    %dot_general3A_31 = arith.constant dense<0.000000e+00> : vector<4096x64xf32>
    %dot_general3A_32 = tpu.matmul %bitcast_convert_type3A_22, %slice3A_30, %dot_general3A_31 {dimension_numbers = #tpu.dot_dimension_numbers<[1], [0], [0], [1], [0, 0, 1, 1], [], []>, transpose_lhs_hint = false} : vector<4096x64xbf16>, vector<64x64xbf16>, vector<4096x64xf32> -> vector<4096x64xf32>
    %add3A = arith.addf %dot_general3A_29, %dot_general3A_32 : vector<4096x64xf32>
    %get3A_33 = arith.constant 0 : index
    %get3A_34 = vector.load %arg4[%get3A_33] : memref<64xf32, #tpu.memory_space<vmem>>, vector<64xf32>
    %broadcast_in_dim3A = vector.shape_cast %get3A_34 : vector<64xf32> to vector<1x64xf32>
    %add3A_35 = vector.broadcast %broadcast_in_dim3A : vector<1x64xf32> to vector<4096x64xf32>
    %add3A_36 = arith.addf %add3A, %add3A_35 : vector<4096x64xf32>
    %max3A = arith.constant 0.000000e+00 : f32
    %max3A_37 = vector.broadcast %max3A : f32 to vector<4096x64xf32>
    %max3A_38 = arith.maximumf %add3A_36, %max3A_37 : vector<4096x64xf32>
    %get3A_39 = arith.constant 0 : index
    %get3A_40 = arith.constant 0 : index
    %get3A_41 = vector.load %arg5[%get3A_39, %get3A_40] : memref<64x32xf32, #tpu.memory_space<vmem>>, vector<64x32xf32>
    %dot_general3A_42 = arith.constant dense<0.000000e+00> : vector<4096x32xf32>
    %dot_general3A_43 = tpu.matmul %max3A_38, %get3A_41, %dot_general3A_42 {dimension_numbers = #tpu.dot_dimension_numbers<[1], [0], [0], [1], [0, 0, 1, 1], [], []>, transpose_lhs_hint = false} : vector<4096x64xf32>, vector<64x32xf32>, vector<4096x32xf32> -> vector<4096x32xf32>
    %get3A_44 = arith.constant 0 : index
    %get3A_45 = vector.load %arg6[%get3A_44] : memref<32xf32, #tpu.memory_space<vmem>>, vector<32xf32>
    %broadcast_in_dim3A_46 = vector.shape_cast %get3A_45 : vector<32xf32> to vector<1x32xf32>
    %add3A_47 = vector.broadcast %broadcast_in_dim3A_46 : vector<1x32xf32> to vector<4096x32xf32>
    %add3A_48 = arith.addf %dot_general3A_43, %add3A_47 : vector<4096x32xf32>
    %max3A_49 = arith.constant 0.000000e+00 : f32
    %max3A_50 = vector.broadcast %max3A_49 : f32 to vector<4096x32xf32>
    %max3A_51 = arith.maximumf %add3A_48, %max3A_50 : vector<4096x32xf32>
    %get3A_52 = arith.constant 0 : index
    %get3A_53 = arith.constant 0 : index
    %get3A_54 = vector.load %arg7[%get3A_52, %get3A_53] : memref<32x16xf32, #tpu.memory_space<vmem>>, vector<32x16xf32>
    %dot_general3A_55 = arith.constant dense<0.000000e+00> : vector<4096x16xf32>
    %dot_general3A_56 = tpu.matmul %max3A_51, %get3A_54, %dot_general3A_55 {dimension_numbers = #tpu.dot_dimension_numbers<[1], [0], [0], [1], [0, 0, 1, 1], [], []>, transpose_lhs_hint = false} : vector<4096x32xf32>, vector<32x16xf32>, vector<4096x16xf32> -> vector<4096x16xf32>
    %get3A_57 = arith.constant 0 : index
    %get3A_58 = vector.load %arg8[%get3A_57] : memref<16xf32, #tpu.memory_space<vmem>>, vector<16xf32>
    %broadcast_in_dim3A_59 = vector.shape_cast %get3A_58 : vector<16xf32> to vector<1x16xf32>
    %add3A_60 = vector.broadcast %broadcast_in_dim3A_59 : vector<1x16xf32> to vector<4096x16xf32>
    %add3A_61 = arith.addf %dot_general3A_56, %add3A_60 : vector<4096x16xf32>
    %max3A_62 = arith.constant 0.000000e+00 : f32
    %max3A_63 = vector.broadcast %max3A_62 : f32 to vector<4096x16xf32>
    %max3A_64 = arith.maximumf %add3A_61, %max3A_63 : vector<4096x16xf32>
    %get3A_65 = arith.constant 0 : index
    %get3A_66 = arith.constant 0 : index
    %get3A_67 = vector.load %arg9[%get3A_65, %get3A_66] : memref<80x1xf32, #tpu.memory_space<vmem>>, vector<80x1xf32>
    %slice3A_68 = vector.extract_strided_slice %get3A_67 {offsets = [0, 0], sizes = [64, 1], strides = [1, 1]} : vector<80x1xf32> to vector<64x1xf32>
    %dot_general3A_69 = arith.constant dense<0.000000e+00> : vector<4096x1xf32>
    %dot_general3A_70 = tpu.matmul %mul3A, %slice3A_68, %dot_general3A_69 {dimension_numbers = #tpu.dot_dimension_numbers<[1], [0], [0], [1], [0, 0, 1, 1], [], []>, transpose_lhs_hint = false} : vector<4096x64xf32>, vector<64x1xf32>, vector<4096x1xf32> -> vector<4096x1xf32>
    %slice3A_71 = vector.extract_strided_slice %get3A_67 {offsets = [64, 0], sizes = [16, 1], strides = [1, 1]} : vector<80x1xf32> to vector<16x1xf32>
    %dot_general3A_72 = arith.constant dense<0.000000e+00> : vector<4096x1xf32>
    %dot_general3A_73 = tpu.matmul %max3A_64, %slice3A_71, %dot_general3A_72 {dimension_numbers = #tpu.dot_dimension_numbers<[1], [0], [0], [1], [0, 0, 1, 1], [], []>, transpose_lhs_hint = false} : vector<4096x16xf32>, vector<16x1xf32>, vector<4096x1xf32> -> vector<4096x1xf32>
    %add3A_74 = arith.addf %dot_general3A_70, %dot_general3A_73 : vector<4096x1xf32>
    %get3A_75 = arith.constant 0 : index
    %get3A_76 = vector.load %arg10[%get3A_75] : memref<1xf32, #tpu.memory_space<vmem>>, vector<1xf32>
    %broadcast_in_dim3A_77 = vector.shape_cast %get3A_76 : vector<1xf32> to vector<1x1xf32>
    %add3A_78 = vector.broadcast %broadcast_in_dim3A_77 : vector<1x1xf32> to vector<4096x1xf32>
    %add3A_79 = arith.addf %add3A_74, %add3A_78 : vector<4096x1xf32>
    %swap3A = arith.constant 0 : index
    %swap3A_80 = arith.constant 0 : index
    %swap3A_81 = vector.load %arg11[%swap3A, %swap3A_80] : memref<4096x1xf32, #tpu.memory_space<vmem>>, vector<4096x1xf32>
    tpu.vector_store %arg11[%swap3A, %swap3A_80], %add3A_79 {strides = array<i32>} : memref<4096x1xf32, #tpu.memory_space<vmem>>, vector<4096x1xf32>,
    return
  }
  func.func @transform_0(%arg0: i32) -> (i32, i32) {
    %c0_i32 = arith.constant 0 : i32
    %c0_i32_0 = arith.constant 0 : i32
    return %arg0, %c0_i32 : i32, i32
  }
  func.func @transform_1(%arg0: i32) -> (i32, i32) {
    %c0_i32 = arith.constant 0 : i32
    %c0_i32_0 = arith.constant 0 : i32
    return %arg0, %c0_i32 : i32, i32
  }
  func.func @transform_2(%arg0: i32) -> (i32, i32) {
    %c0_i32 = arith.constant 0 : i32
    %c0_i32_0 = arith.constant 0 : i32
    %c0_i32_1 = arith.constant 0 : i32
    return %c0_i32, %c0_i32_0 : i32, i32
  }
  func.func @transform_3(%arg0: i32) -> i32 {
    %c0_i32 = arith.constant 0 : i32
    %c0_i32_0 = arith.constant 0 : i32
    return %c0_i32 : i32
  }
  func.func @transform_4(%arg0: i32) -> (i32, i32) {
    %c0_i32 = arith.constant 0 : i32
    %c0_i32_0 = arith.constant 0 : i32
    %c0_i32_1 = arith.constant 0 : i32
    return %c0_i32, %c0_i32_0 : i32, i32
  }
  func.func @transform_5(%arg0: i32) -> i32 {
    %c0_i32 = arith.constant 0 : i32
    %c0_i32_0 = arith.constant 0 : i32
    return %c0_i32 : i32
  }
  func.func @transform_6(%arg0: i32) -> (i32, i32) {
    %c0_i32 = arith.constant 0 : i32
    %c0_i32_0 = arith.constant 0 : i32
    %c0_i32_1 = arith.constant 0 : i32
    return %c0_i32, %c0_i32_0 : i32, i32
  }
  func.func @transform_7(%arg0: i32) -> i32 {
    %c0_i32 = arith.constant 0 : i32
    %c0_i32_0 = arith.constant 0 : i32
    return %c0_i32 : i32
  }
  func.func @transform_8(%arg0: i32) -> (i32, i32) {
    %c0_i32 = arith.constant 0 : i32
    %c0_i32_0 = arith.constant 0 : i32
    %c0_i32_1 = arith.constant 0 : i32
    return %c0_i32, %c0_i32_0 : i32, i32
  }
  func.func @transform_9(%arg0: i32) -> i32 {
    %c0_i32 = arith.constant 0 : i32
    %c0_i32_0 = arith.constant 0 : i32
    return %c0_i32 : i32
  }
  func.func @transform_10(%arg0: i32) -> (i32, i32) {
    %c0_i32 = arith.constant 0 : i32
    %c0_i32_0 = arith.constant 0 : i32
    return %arg0, %c0_i32 : i32, i32
  }
}

</mosaic_0001>

<sc_bundles>
// kernel: kernel.10.cloned.1.call-start
scs
__scs_entry_jumppad:
0x0: {  	(pc) =	sbr.rel $0x88, $3  }
0x1: {  	(tag) =	ssettag $0x0;
	lr =	simm.s32 $0x1  }
0x2: {  	[smem:$0x3F93] =	sst lr;
	_ =	strace $0xD0000000  }
0x3: {  	_ = 	snop  }
0x4: {  	_ = 	snop  }
0x5: {  	_ = 	snop  }
0x6: {  	_ = 	snop  }
0x7: {  	_ = 	snop  }
__scs_overlays_trampoline_lowered:
0x8: {  	[smem:$0x3FA2] =	sst s0  }
0x9: {  	[smem:$0x3FA3] =	sst s1  }
0xa: {  	[smem:$0x3FA4] =	sst s2  }
0xb: {  	[smem:$0x3FA5] =	sst s3  }
0xc: {  	[smem:$0x3FA6] =	sst s4  }
0xd: {  	[smem:$0x3FA7] =	sst s5  }
0xe: {  	[smem:$0x3FA8] =	sst s6  }
0xf: {  	[smem:$0x3FA9] =	sst s7  }
0x10: {  	[smem:$0x3FAA] =	sst s8  }
0x11: {  	[smem:$0x3FAB] =	sst s9;
	s0 =	simm.s32 @!p0 $0x0  }
0x12: {  	s1 =	sld [smem:$0x3F91];
	s0 =	simm.s32 @p0 $0x1  }
0x13: {  	[smem:$0x3FAC] =	sst s0;
	s0 =	simm.s32 @!p1 $0x0  }
0x14: {  	s2 =	sld [smem:$0x3F90];
	s0 =	simm.s32 @p1 $0x1  }
0x15: {  	[smem:$0x3FAD] =	sst s0;
	s0 =	simm.s32 @!p2 $0x0  }
0x16: {  	s3 =	sld [smem:$0x3FDB];
	s0 =	simm.s32 @p2 $0x1  }
0x17: {  	s4 =	simm.s32 $0x1BF5;
	[smem:$0x3FAF] =	sst s0  }
0x18: {  	s0 =	sld [smem:$0x3F92];
	_ =	swait.ge [sflag:s4], $0x0  }
0x19: {  	s7 =	sld [smem:$0x3F93]  }
0x1a: {  	s8 =	sadd.s32 $0xFFFFE003, lr  }
0x1b: {  	s9 =	sadd.s32 $0xFFFFFEF7, lr;
	s5 =	simm.s32 $0xFFFFFFFF;
	p2 =	slt.u32 s8, $0xFFFFF086  }
0x1c: {  	p1 =	slt.u32 s9, $0xF7A;
	s5 =	simm.s32 @!p2 $0x0  }
0x1d: {  	s5 =	simm.s32 @p1 $0x1;
	p0 =	seq.s32 s7, s2  }
0x1e: {  	s7 =	smul.u32 @!p0 $0xF7A, s2;
	p2 =	seq.s32 @!p0 s5, $0x0  }
0x1f: {  	s9 =	smul.u32 $0xF7A, s1;
	s8 =	simm.s32 @!p0 $0x1BF5;
	p2 =	por !p2, p0  }
0x20: {  	[sflag:s8] =	ssyncset.s32 @!p0 $0xFFFFF086;
	s6 =	sadd.s32 @!p0 s3, s7;
	s7 =	simm.s32 @!p0 $0x108  }
0x21: {  	s3 =	sadd.s32 s3, s9;
	s6 =	sadd.s32 @!p0 $0x88, s6;
	s7 =	simm.s32 @p2 $0x1082  }
0x22: {  	[simem:s7], [sflag:s8] =	dma.local @!p0 [hbm:s6], $0xF7A  }
0x23: {  	s9 =	sor.u32 $0xD0000000, s2;
	s6 =	simm.s32 $0x108;
	_ =	swait.ge @!p0 [sflag:s8], $0x0  }
0x24: {  	s3 =	sadd.s32 $0x88, s3;
	s6 =	simm.s32 @!p1 $0x1082;
	[sflag:s4] =	ssyncset.s32 $0xFFFFF086  }
0x25: {  	[simem:s6], [sflag:s4] =	dma.local [hbm:s3], $0xF7A  }
0x26: {  	[smem:$0x3F93] =	sst s1;
	(tag) =	ssettag s2;
	_ =	strace s9  }
0x27: {  	s1 =	sld [smem:$0x3FA3]  }
0x28: {  	s2 =	sld [smem:$0x3FA4]  }
0x29: {  	s4 =	sld [smem:$0x3FA6]  }
0x2a: {  	p0 =	seq.s32 s5, $0x0;
	s5 =	sld [smem:$0x3FA7]  }
0x2b: {  	s6 =	sld [smem:$0x3FA8]  }
0x2c: {  	s7 =	sld [smem:$0x3FA9]  }
0x2d: {  	s3 =	simm.s32 $0x108;
	s8 =	sld [smem:$0x3FAA]  }
0x2e: {  	s3 =	simm.s32 @!p0 $0x1082;
	s9 =	sld [smem:$0x3FAB]  }
0x2f: {  	lr =	sadd.s32 s0, s3;
	s0 =	sld [smem:$0x3FA2]  }
0x30: {  	s3 =	sld [smem:$0x3FA5]  }
0x31: {  	[smem:$0x3FAE] =	sst s10  }
0x32: {  	s10 =	sld [smem:$0x3FAC];
	_ =	sdelay $0x3  }
0x33: {  	p0 =	seq.s32 s10, $0x1;
	s10 =	sld [smem:$0x3FAE];
	_ =	sdelay $0x3  }
0x34: {  	[smem:$0x3FAE] =	sst s10  }
0x35: {  	s10 =	sld [smem:$0x3FAD];
	_ =	sdelay $0x3  }
0x36: {  	p1 =	seq.s32 s10, $0x1;
	s10 =	sld [smem:$0x3FAE];
	_ =	sdelay $0x3  }
0x37: {  	[smem:$0x3FAE] =	sst s10  }
0x38: {  	s10 =	sld [smem:$0x3FAF]  }
0x39: {  	_ = 	snop;
	(pc) =	sbr.ind lr, $3  }
0x3a: {  	_ = 	snop  }
0x3b: {  	_ = 	snop  }
0x3c: {  	p2 =	seq.s32 s10, $0x1;
	s10 =	sld [smem:$0x3FAE]  }
0x3d: {  	_ =	shalt  }
0x3e: {  	_ =	shalt  }
0x3f: {  	_ =	shalt  }
0x40: {  	_ =	shalt  }
0x41: {  	_ =	shalt  }
0x42: {  	_ =	shalt  }
0x43: {  	_ =	shalt  }
0x44: {  	_ =	shalt  }
0x45: {  	_ =	shalt  }
0x46: {  	_ =	shalt  }
0x47: {  	_ =	shalt  }
0x48: {  	_ =	shalt  }
0x49: {  	_ =	shalt  }
0x4a: {  	_ =	shalt  }
0x4b: {  	_ =	shalt  }
0x4c: {  	_ =	shalt  }
0x4d: {  	_ =	shalt  }
0x4e: {  	_ =	shalt  }
0x4f: {  	_ =	shalt  }
0x50: {  	_ =	shalt  }
0x51: {  	_ =	shalt  }
0x52: {  	_ =	shalt  }
0x53: {  	_ =	shalt  }
0x54: {  	_ =	shalt  }
0x55: {  	_ =	shalt  }
0x56: {  	_ =	shalt  }
0x57: {  	_ =	shalt  }
0x58: {  	_ =	shalt  }
0x59: {  	_ =	shalt  }
0x5a: {  	_ =	shalt  }
0x5b: {  	_ =	shalt  }
0x5c: {  	_ =	shalt  }
0x5d: {  	_ =	shalt  }
0x5e: {  	_ =	shalt  }
0x5f: {  	_ =	shalt  }
0x60: {  	_ =	shalt  }
0x61: {  	_ =	shalt  }
0x62: {  	_ =	shalt  }
0x63: {  	_ =	shalt  }
0x64: {  	_ =	shalt  }
0x65: {  	_ =	shalt  }
0x66: {  	_ =	shalt  }
0x67: {  	_ =	shalt  }
0x68: {  	_ =	shalt  }
0x69: {  	_ =	shalt  }
0x6a: {  	_ =	shalt  }
0x6b: {  	_ =	shalt  }
0x6c: {  	_ =	shalt  }
0x6d: {  	_ =	shalt  }
0x6e: {  	_ =	shalt  }
0x6f: {  	_ =	shalt  }
0x70: {  	_ =	shalt  }
0x71: {  	_ =	shalt  }
0x72: {  	_ =	shalt  }
0x73: {  	_ =	shalt  }
0x74: {  	_ =	shalt  }
0x75: {  	_ =	shalt  }
0x76: {  	_ =	shalt  }
0x77: {  	_ =	shalt  }
0x78: {  	_ =	shalt  }
0x79: {  	_ =	shalt  }
0x7a: {  	_ =	shalt  }
0x7b: {  	_ =	shalt  }
0x7c: {  	_ =	shalt  }
0x7d: {  	_ =	shalt  }
0x7e: {  	_ =	shalt  }
0x7f: {  	_ =	shalt  }
0x80: {  	_ =	shalt  }
0x81: {  	_ =	shalt  }
0x82: {  	_ =	shalt  }
0x83: {  	_ =	shalt  }
0x84: {  	_ =	shalt  }
0x85: {  	_ =	shalt  }
0x86: {  	_ =	shalt  }
0x87: {  	_ =	shalt  }
.Lfunc_end0:
.L_simem_size_0:
called_computation.1_lowered:
.L_overlay_start_0:
0x88: {  	s2 =	sld [smem:$0x3FD9]  }
0x89: {  	s3 =	sld [smem:$0x3FFE];
	_ =	sdelay $0x1  }
0x8a: {  	s1 =	srdreg.scid  }
0x8b: {  	s0 =	sand.u32 $0x1, s1  }
0x8c: {  	s17 =	sshll.u32 s0, $0xA;
	s2 =	sadd.s32 s3, s2  }
0x8d: {  	s2 =	sadd.s32 s2, s17  }
0x8e: {  	[smem:$0x3FBA] =	sst s2  }
0x8f: {  	_ = 	snop  }
0x90: {  	s2 =	sld [smem:$0x3FC8];
	(tm) =	ssettm $0x1  }
0x91: {  	s18 =	sld [smem:$0x3FFB];
	_ =	sdelay $0x3  }
0x92: {  	_ =	strace s18  }
0x93: {  	s3 =	sld [smem:$0x3FFC];
	_ =	sdelay $0x3  }
0x94: {  	_ =	strace s3  }
0x95: {  	s3 =	sld [smem:$0x3FFD];
	_ =	sdelay $0x3  }
0x96: {  	_ =	strace s3  }
0x97: {  	_ =	strace $0x8FFFFFFF  }
0x98: {  	s19 =	sld [smem:$0x3FDB];
	_ =	sdelay $0x1  }
0x99: {  	s4 =	simm.s32 $_scs_section_size  }
0x9a: {  	s5 =	simm.s32 $_size__tile_overlayer_lowered;
	s6 =	simm.s32 $_tile_overlayer_lowered  }
0x9b: {  	s22 =	simm.s32 $0x1BFF;
	s21 =	sshll.u32 s6, $0x1;
	s3 =	sadd.s32 s4, s19  }
0x9c: {  	s7 =	simm.s32 $0x0;
	s20 =	sshll.u32 s5, $0x1;
	s5 =	sadd.s32 s21, s3  }
0x9d: {  	[timem:s7], [sflag:s22] =	dma.local [hbm:s5], s20  }
0x9e: {  	_ =	swait.ge [sflag:s22], s20  }
0x9f: {  	s4 =	ssub.s32 $0x0, s20;
	[sflag:s22] =	ssyncset.done $0x0  }
0xa0: {  	[sflag:s22] =	ssyncadd.s32 s4;
	_ =	sdelay $0x1  }
0xa1: {  	s23 =	simm.s32 $0x1B8B  }
0xa2: {  	_ =	swait.ge [sflag:s23], $0x1  }
0xa3: {  	[sflag:s23] =	ssyncset.done $0x0  }
0xa4: {  	s25 =	simm.s32 $0x1B8E;
	s24 =	sld [smem:$0x3FFE];
	[sflag:s23] =	ssyncadd.s32 $0xFFFFFFFF  }
0xa5: {  	s26 =	simm.s32 $execute0_lowered;
	[smem:$0x3FD2] =	sst s25  }
0xa6: {  	s5 =	sshll.u32 s26, $0x1;
	_ =	strace $0x80000046;
	[dreg:$0x1] =	wrdreg $0xFFFFFFFF  }
0xa7: {  	s28 =	simm.s32 $_size_execute0_lowered;
	s3 =	sadd.s32 s3, s5;
	[dreg:$0x0] =	wrdreg $0x0  }
0xa8: {  	s5 =	sshll.u32 s28, $0x1;
	[dreg:$0x2] =	wrdreg s3  }
0xa9: {  	[dreg:$0x3] =	wrdreg s5  }
0xaa: {  	[dreg:$0x4] =	wrdreg $0xC0  }
0xab: {  	_ =	task [dreg:s7], $0x5FFFF  }
0xac: {  	[dreg:$0x1] =	wrdreg $0xFFFFFFFF  }
0xad: {  	[dreg:$0x0] =	wrdreg $0x60  }
0xae: {  	[dreg:$0x2] =	wrdreg s2  }
0xaf: {  	[dreg:$0x3] =	wrdreg s24  }
0xb0: {  	[dreg:$0x4] =	wrdreg $0xA  }
0xb1: {  	_ =	task.clear_ibuf [dreg:s7], $0x5FFFF;
	_ =	strace $0x90000046  }
0xb2: {  	s29 =	simm.s32 $0xA;
	_ =	strace $0x80000048  }
0xb3: {  	_ =	swait.ge [sflag:s29], $0x1  }
0xb4: {  	[sflag:s29] =	ssyncadd.s32 $0xFFFFFFFF  }
0xb5: {  	_ =	strace $0x90000048  }
0xb6: {  	_ =	sfence  }
0xb7: {  	s30 =	sld [smem:$0x0];
	_ =	sdelay $0x2  }
0xb8: {  	s31 =	sshll.u32 s1, $0xD;
	s1 =	sshrl.u32 s1, $0x2  }
0xb9: {  	s3 =	sand.u32 $0x4000, s31;
	s1 =	sadd.s32 s1, s30  }
0xba: {  	s0 =	sor.u32 s3, s0;
	s1 =	sshll.u32 s1, $0x11  }
0xbb: {  	s0 =	sor.u32 s1, s0  }
0xbc: {  	s0 =	sadd.s32 $0x8F2B, s0  }
0xbd: {  	[sflag:s0] =	ssyncadd.remote.s32 $0x1  }
0xbe: {  	_ =	sfence.sel $0xFFFF  }
0xbf: {  	[dreg:$0x0] =	wrdreg $0xFFFFFFFF;
	(pc) =	sbr.abs _section_cstart, $3  }
0xc0: {  	[dreg:$0x1] =	wrdreg $0xFFFFFFFF  }
0xc1: {  	_ =	task.clear_ibuf [dreg:s7], $0x2FFFF;
	_ =	strace $0x9FFFFFFF  }
0xc2: {  	(tm) =	ssettm $0x7FFFFFFF  }
0xc3: {  	_ =	shalt  }
tec
execute0_lowered:
.L_overlay_start_1:
0x0: {  	(tag) =	ssettag $0x1  }
0x1: {  	s3 =	rddreg [dreg:$0x0]  }
0x2: {  	s1 =	srdreg.scid;
	s0 =	stileid.u32  }
0x3: {  	s6 =	rddreg [dreg:$0x1];
	s5 =	sand.u32 $0x1, s1;
	s4 =	sshll.u32 s0, $0x1  }
0x4: {  	s2 =	simm.s32 $0x0;
	s1 =	rddreg [dreg:$0x2];
	s7 =	sor.u32 s5, s4  }
0x5: {  	[smem:$0x7FF] =	sst s2;
	s4 =	sshll.u32 s7, $0x6  }
0x6: {  	_ =	strace $0x80000047;
	s3 =	sadd.s32 s3, s4;
	s4 =	simm.s32 $0x4  }
0x7: {  	[tilespmem:s2], [sflag:$0x4] =	stream.linear.gather [hbm4b:s3+s2], $0x200, $0x38;
	[tilespmem:$0x4200] =	vst v63  }
0x8: {  	_ =	swait.ge [sflag:s4], $0x200  }
0x9: {  	[sflag:s4] =	ssyncset.done $0x0  }
0xa: {  	[sflag:s4] =	ssyncadd.s32 $0xFFFFFE00  }
0xb: {  	v0 =	vld [tilespmem:$0x1F0]  }
0xc: {  	v1 =	vld [tilespmem:$0x190]  }
0xd: {  	v2 =	vld [tilespmem:$0x30]  }
0xe: {  	v3 =	vld [tilespmem:$0x20]  }
0xf: {  	v5 =	vld [tilespmem:$0x50]  }
0x10: {  	v9 =	vld [tilespmem:$0x150]  }
0x11: {  	v11 =	vld [tilespmem:$0x10]  }
0x12: {  	v14 =	vld [tilespmem:$0x70]  }
0x13: {  	v16 =	vld [tilespmem:$0x80]  }
0x14: {  	v21 =	vld [tilespmem:$0xE0]  }
0x15: {  	v55 =	vld [tilespmem:$0x170]  }
0x16: {  	v56 =	vld [tilespmem:$0x160];
	v7 =	vshll.u32 v0, $0x1;
	vm0 =	vgt.s32 v1, $0xC7FF  }
0x17: {  	v58 =	vld [tilespmem:$0x180];
	v1 =	vshll.u32 v1, $0x1;
	vm1 =	vgt.s32 v0, $0xC7FF;
	vm3 =	vgt.s32 v3, $0xC7FF  }
0x18: {  	v59 =	vld [tilespmem:$0x1A0];
	v4 =	vshll.u32 v3, $0x1;
	vm2 =	vgt.s32 v5, $0xC7FF;
	v5 =	vshll.u32 v5, $0x1  }
0x19: {  	v15 =	vshll.u32 v2, $0x1;
	vm4 =	vgt.s32 v9, $0xC7FF;
	v20 =	vshll.u32 v9, $0x1  }
0x1a: {  	v9 =	vshll.u32 v11, $0x1;
	vm6 =	vgt.s32 v14, $0xC7FF;
	v14 =	vshll.u32 v14, $0x1  }
0x1b: {  	v6 =	vld [tilespmem:$0x0];
	v52 =	vshll.u32 v16, $0x1;
	vm9 =	vgt.s32 v16, $0xC7FF;
	v27 =	vshll.u32 v21, $0x1  }
0x1c: {  	v8 =	vld [tilespmem:$0x1D0];
	vm10 =	vgt.s32 v56, $0xC7FF;
	vm11 =	vgt.s32 v58, $0xC7FF;
	vm12 =	vgt.s32 v21, $0xC7FF  }
0x1d: {  	v19 =	vld [tilespmem:$0xA0];
	v61 =	vshll.u32 v55, $0x1;
	v62 =	vshll.u32 v59, $0x1;
	v0 =	vadd.s32 $0xFFFE7001, v7  }
0x1e: {  	v13 =	vld [tilespmem:$0x60];
	v10 =	vadd.s32 $0xFFFE7001, v1;
	v12 =	vadd.s32 $0xFFFE7001, v5;
	v17 =	vadd.s32 $0xFFFE7001, v15  }
0x1f: {  	v53 =	vld [tilespmem:$0x100];
	v23 =	vadd.s32 $0xFFFE7001, v52;
	v63 =	vadd.s32 $0xFFFE7001, v62;
	v10 =	vsel vm0, v10, v1  }
0x20: {  	v3 =	vld [tilespmem:$0x40];
	v1 =	vshll.u32 v6, $0x1;
	v7 =	vsel vm1, v0, v7;
	vm0 =	vgt.s32 v6, $0xC7FF  }
0x21: {  	v0 =	vshll.u32 v8, $0x1;
	v5 =	vsel vm2, v12, v5;
	vm1 =	vgt.s32 v2, $0xC7FF  }
0x22: {  	v12 =	vld [tilespmem:$0x90];
	vm2 =	vgt.s32 v19, $0xC7FF;
	v19 =	vshll.u32 v19, $0x1;
	v6 =	vadd.s32 $0xFFFE7001, v1  }
0x23: {  	v15 =	vsel vm1, v17, v15;
	v25 =	vadd.s32 $0xFFFE7001, v19;
	v6 =	vsel vm0, v6, v1  }
0x24: {  	v54 =	vld [tilespmem:$0x110];
	[tilespmem:$0x190] =	vst v10;
	v1 =	vadd.s32 $0xFFFE7001, v0;
	vm0 =	vgt.s32 v8, $0xC7FF;
	v8 =	vshll.u32 v13, $0x1  }
0x25: {  	v10 =	vld [tilespmem:$0x120];
	[tilespmem:$0x50] =	vst v5;
	v5 =	vsel vm2, v25, v19;
	vm2 =	vgt.s32 v53, $0xC7FF;
	v18 =	vshll.u32 v3, $0x1  }
0x26: {  	vm1 =	vgt.s32 v3, $0xC7FF;
	v3 =	vld [tilespmem:$0xC0];
	v22 =	vadd.s32 $0xFFFE7001, v8;
	v2 =	vadd.s32 $0xFFFE7001, v18  }
0x27: {  	v28 =	vld [tilespmem:$0x140];
	v51 =	vsel vm1, v2, v18;
	vm1 =	vgt.s32 v13, $0xC7FF;
	vm7 =	vgt.s32 v12, $0xC7FF  }
0x28: {  	v13 =	vld [tilespmem:$0xD0];
	v12 =	vshll.u32 v12, $0x1;
	v18 =	vsel vm9, v23, v52;
	v8 =	vsel vm1, v22, v8  }
0x29: {  	[tilespmem:$0x1F0] =	vst v7;
	v2 =	vld [tilespmem:$0xB0];
	vm1 =	vgt.s32 v11, $0xC7FF;
	v11 =	vadd.s32 $0xFFFE7001, v9;
	v57 =	vadd.s32 $0xFFFE7001, v12  }
0x2a: {  	vm9 =	vgt.s32 v59, $0xC7FF;
	v9 =	vsel vm1, v11, v9;
	[tilespmem:$0x60] =	vst v8;
	v8 =	vsel vm7, v57, v12  }
0x2b: {  	[tilespmem:$0x30] =	vst v15;
	vm7 =	vgt.s32 v10, $0xC7FF;
	v10 =	vshll.u32 v10, $0x1;
	v11 =	vshll.u32 v3, $0x1  }
0x2c: {  	v24 =	vld [tilespmem:$0xF0];
	vm1 =	vgt.s32 v3, $0xC7FF;
	v3 =	vadd.s32 $0xFFFE7001, v14;
	[tilespmem:$0x90] =	vst v8;
	v8 =	vshll.u32 v54, $0x1  }
0x2d: {  	[tilespmem:$0x0] =	vst v6;
	v14 =	vsel vm6, v3, v14;
	v3 =	vshll.u32 v53, $0x1;
	vm6 =	vgt.s32 v28, $0xC7FF  }
0x2e: {  	[tilespmem:$0xA0] =	vst v5;
	vm8 =	vgt.s32 v13, $0xC7FF;
	vm5 =	vgt.s32 v2, $0xC7FF;
	v26 =	vshll.u32 v2, $0x1  }
0x2f: {  	v5 =	vld [tilespmem:$0x1C0];
	[tilespmem:$0x40] =	vst v51;
	v2 =	vadd.s32 $0xFFFE7001, v11;
	v12 =	vshll.u32 v13, $0x1;
	v13 =	vshll.u32 v28, $0x1  }
0x30: {  	v7 =	vld [tilespmem:$0x130];
	[tilespmem:$0x70] =	vst v14;
	v14 =	vshll.u32 v58, $0x1;
	v6 =	vsel vm1, v2, v11;
	v11 =	vadd.s32 $0xFFFE7001, v26  }
0x31: {  	s8 =	ssub.s32 $0x2, s5;
	[tilespmem:$0x10] =	vst v9;
	vm1 =	vgt.s32 v24, $0xC7FF;
	v2 =	vshll.u32 v24, $0x1;
	v9 =	vadd.s32 $0xFFFE7001, v12  }
0x32: {  	s9 =	sshrl.u32 s8, $0x1;
	v15 =	vadd.s32 $0xFFFE7001, v14;
	[tilespmem:$0xC0] =	vst v6;
	v60 =	vsel vm8, v9, v12;
	v6 =	vadd.s32 $0xFFFE7001, v3  }
0x33: {  	s9 =	ssub.s32 s8, s9;
	[tilespmem:$0x80] =	vst v18;
	v9 =	vadd.s32 $0xFFFE7001, v13;
	vm8 =	vgt.s32 v55, $0xC7FF;
	v12 =	vadd.s32 $0xFFFE7001, v10  }
0x34: {  	s18 =	smax.u32 s9, $0x1;
	v11 =	vsel vm5, v11, v26;
	vm5 =	vgt.s32 v5, $0xC7FF;
	v10 =	vsel vm7, v12, v10;
	[tilespmem:$0xD0] =	vst v60  }
0x35: {  	s12 =	simm.s32 $0x200;
	s15 =	simm.s32 $0x1;
	p0 =	sne.s32 s18, $0x1;
	v13 =	vsel vm6, v9, v13;
	v9 =	vshll.u32 v7, $0x1;
	[tilespmem:$0x120] =	vst v10;
	v10 =	vadd.s32 $0xFFFE7001, v4  }
.Ltmp0:
0x36: {  	s10 =	simm.s32 $0x2200;
	s14 =	simm.s32 $0x2;
	vm7 =	vgt.s32 v7, $0xC7FF;
	v7 =	vadd.s32 $0xFFFE7001, v27;
	[tilespmem:$0xB0] =	vst v11;
	v4 =	vsel vm3, v10, v4;
	v10 =	vld [tilespmem:$0x1B0];
	(pc) =	sbr.rel @!p0 .LBB2_2-.Ltmp0, $4  }
0x37: {  	s11 =	simm.s32 $0x3;
	s17 =	simm.s32 $0x100;
	s7 =	sshll.u32 s7, $0xC;
	v11 =	vshll.u32 v56, $0x1;
	[tilespmem:$0x140] =	vst v13;
	v13 =	vsel vm12, v7, v27;
	v7 =	vadd.s32 $0xFFFE7001, v20  }
0x38: {  	s16 =	simm.s32 $0x180;
	s5 =	sadd.s32 $0x1600, s6;
	s7 =	sadd.s32 s7, s6;
	vm6 =	vgt.s32 v54, $0xC7FF;
	v7 =	vsel vm4, v7, v20;
	[tilespmem:$0x20] =	vst v4;
	v4 =	vadd.s32 $0xFFFE7001, v11  }
0x39: {  	s13 =	sadd.s32 $0xC9600, s7;
	s8 =	sadd.s32 $0xC9A00, s7;
	s6 =	sadd.s32 $0xC9E00, s7;
	v12 =	vadd.s32 $0xFFFE7001, v9;
	[tilespmem:$0x150] =	vst v7;
	v7 =	vadd.s32 $0xFFFE7001, v61;
	v4 =	vsel vm10, v4, v11;
	v11 =	vld [tilespmem:$0x1E0]  }
0x3a: {  	s7 =	sadd.s32 $0xCA200, s7;
	s9 =	simm.s32 $0x80;
	s18 =	sadd.s32 $0xFFFFFFFF, s18;
	[tilespmem:$0x160] =	vst v4;
	v4 =	vsel vm8, v7, v61;
	v7 =	vsel vm11, v15, v14;
	v14 =	vsel vm9, v63, v62  }
.LBB2_1:
0x3b: {  	p0 =	sne.s32 s18, $0x1;
	s18 =	sadd.s32 $0xFFFFFFFF, s18;
	[tilespmem:$0xE0] =	vst v13;
	v13 =	vadd.s32 $0xFFFE7001, v8;
	v9 =	vsel vm7, v12, v9;
	v12 =	vshll.u32 v10, $0x1  }
0x3c: {  	vm3 =	vgt.s32 v10, $0xC7FF;
	v8 =	vsel vm6, v13, v8;
	[tilespmem:$0x130] =	vst v9;
	v9 =	vadd.s32 $0xFFFE7001, v12  }
0x3d: {  	v10 =	vadd.s32 $0xFFFE7001, v2;
	v3 =	vsel vm2, v6, v3;
	[tilespmem:$0x110] =	vst v8;
	v6 =	vsel vm3, v9, v12  }
0x3e: {  	v2 =	vsel vm1, v10, v2;
	[tilespmem:$0x100] =	vst v3;
	v3 =	vshll.u32 v5, $0x1;
	v5 =	vshll.u32 v11, $0x1  }
0x3f: {  	vm1 =	vgt.s32 v11, $0xC7FF;
	[tilespmem:$0xF0] =	vst v2;
	v2 =	vadd.s32 $0xFFFE7001, v3;
	v8 =	vadd.s32 $0xFFFE7001, v5  }
0x40: {  	v0 =	vsel vm0, v1, v0;
	[tilespmem:$0x1A0] =	vst v14;
	v2 =	vsel vm5, v2, v3;
	v1 =	vsel vm1, v8, v5  }
0x41: {  	[tilespmem:$0x1D0] =	vst v0  }
0x42: {  	[tilespmem:$0x1C0] =	vst v2  }
0x43: {  	[tilespmem:$0x1E0] =	vst v1  }
0x44: {  	[tilespmem:$0x180] =	vst v7  }
0x45: {  	[tilespmem:$0x1B0] =	vst v6  }
0x46: {  	[tilespmem:$0x170] =	vst v4  }
0x47: {  	[tilespmem:s12], [sflag:$0x1] =	stream.indirect.gather [hbm4b:s5+s9], $0x40, s2, s9, $0xb8;
	[tilespmem:$0x4200] =	vst v63  }
0x48: {  	_ =	swait.ge [sflag:s15], $0x2000  }
0x49: {  	[sflag:s15] =	ssyncset.done $0x0  }
0x4a: {  	[sflag:s15] =	ssyncadd.s32 $0xFFFFE000  }
0x4b: {  	[tilespmem:s10], [sflag:$0x2] =	stream.indirect.gather [hbm4b:s5+s9], $0x40, s9, s9, $0xb8;
	[tilespmem:$0x4200] =	vst v63  }
0x4c: {  	_ = 	snop  }
0x4d: {  	[hbm4b:s13+s2] =	stream.linear.scatter [tilespmem:s12], [sflag:$0x3], $0x2000, $0x38;
	[tilespmem:$0x4200] =	vst v63  }
0x4e: {  	_ =	swait.ge [sflag:s14], $0x2000  }
0x4f: {  	[sflag:s14] =	ssyncset.done $0x0  }
0x50: {  	[sflag:s14] =	ssyncadd.s32 $0xFFFFE000  }
0x51: {  	_ =	swait.ge [sflag:s11], $0x2000  }
0x52: {  	[sflag:s11] =	ssyncset.done $0x0  }
0x53: {  	[sflag:s11] =	ssyncadd.s32 $0xFFFFE000  }
0x54: {  	[tilespmem:s12], [sflag:$0x1] =	stream.indirect.gather [hbm4b:s5+s9], $0x40, s17, s9, $0xb8;
	[tilespmem:$0x4200] =	vst v63  }
0x55: {  	_ = 	snop  }
0x56: {  	[hbm4b:s8+s2] =	stream.linear.scatter [tilespmem:s10], [sflag:$0x3], $0x2000, $0x38;
	[tilespmem:$0x4200] =	vst v63  }
0x57: {  	_ =	swait.ge [sflag:s15], $0x2000  }
0x58: {  	[sflag:s15] =	ssyncset.done $0x0  }
0x59: {  	[sflag:s15] =	ssyncadd.s32 $0xFFFFE000  }
0x5a: {  	_ =	swait.ge [sflag:s11], $0x2000  }
0x5b: {  	[sflag:s11] =	ssyncset.done $0x0  }
0x5c: {  	[sflag:s11] =	ssyncadd.s32 $0xFFFFE000  }
0x5d: {  	[tilespmem:s10], [sflag:$0x2] =	stream.indirect.gather [hbm4b:s5+s9], $0x40, s16, s9, $0xb8;
	[tilespmem:$0x4200] =	vst v63  }
0x5e: {  	_ = 	snop  }
0x5f: {  	[hbm4b:s6+s2] =	stream.linear.scatter [tilespmem:s12], [sflag:$0x3], $0x2000, $0x38;
	[tilespmem:$0x4200] =	vst v63  }
0x60: {  	_ =	swait.ge [sflag:s14], $0x2000  }
0x61: {  	[sflag:s14] =	ssyncset.done $0x0  }
0x62: {  	[sflag:s14] =	ssyncadd.s32 $0xFFFFE000  }
0x63: {  	[hbm4b:s7+s2] =	stream.linear.scatter [tilespmem:s10], [sflag:$0x3], $0x2000, $0x38;
	[tilespmem:$0x4200] =	vst v63  }
0x64: {  	_ =	swait.ge [sflag:s11], $0x2000  }
0x65: {  	[sflag:s11] =	ssyncset.done $0x0  }
0x66: {  	[sflag:s11] =	ssyncadd.s32 $0xFFFFE000  }
0x67: {  	_ =	swait.ge [sflag:s11], $0x2000  }
0x68: {  	[sflag:s11] =	ssyncset.done $0x0  }
0x69: {  	[sflag:s11] =	ssyncadd.s32 $0xFFFFE000  }
0x6a: {  	[tilespmem:s2], [sflag:$0x4] =	stream.linear.gather [hbm4b:s3+s2], $0x200, $0x38;
	[tilespmem:$0x4200] =	vst v63  }
0x6b: {  	_ =	swait.ge [sflag:s4], $0x200  }
0x6c: {  	[sflag:s4] =	ssyncset.done $0x0  }
0x6d: {  	[sflag:s4] =	ssyncadd.s32 $0xFFFFFE00  }
0x6e: {  	v0 =	vld [tilespmem:$0x1F0]  }
0x6f: {  	v1 =	vld [tilespmem:$0x190]  }
0x70: {  	v2 =	vld [tilespmem:$0x30]  }
0x71: {  	v3 =	vld [tilespmem:$0x20]  }
0x72: {  	v5 =	vld [tilespmem:$0x50]  }
0x73: {  	v6 =	vld [tilespmem:$0x0];
	v7 =	vshll.u32 v0, $0x1  }
0x74: {  	vm0 =	vgt.s32 v1, $0xC7FF;
	v1 =	vshll.u32 v1, $0x1;
	v8 =	vld [tilespmem:$0x1D0]  }
0x75: {  	vm1 =	vgt.s32 v0, $0xC7FF;
	v0 =	vadd.s32 $0xFFFE7001, v7;
	v9 =	vld [tilespmem:$0x150]  }
0x76: {  	v10 =	vadd.s32 $0xFFFE7001, v1;
	vm3 =	vgt.s32 v3, $0xC7FF;
	v4 =	vshll.u32 v3, $0x1;
	v3 =	vld [tilespmem:$0x40]  }
0x77: {  	v1 =	vsel vm0, v10, v1;
	v11 =	vld [tilespmem:$0x10];
	vm2 =	vgt.s32 v5, $0xC7FF;
	v5 =	vshll.u32 v5, $0x1  }
0x78: {  	v10 =	vshll.u32 v6, $0x1;
	v12 =	vadd.s32 $0xFFFE7001, v5;
	v13 =	vld [tilespmem:$0x60];
	[tilespmem:$0x190] =	vst v1;
	v1 =	vsel vm1, v0, v7  }
0x79: {  	vm0 =	vgt.s32 v6, $0xC7FF;
	v6 =	vadd.s32 $0xFFFE7001, v10;
	v14 =	vld [tilespmem:$0x70];
	v0 =	vshll.u32 v8, $0x1;
	[tilespmem:$0x1F0] =	vst v1  }
0x7a: {  	v6 =	vsel vm0, v6, v10;
	v10 =	vshll.u32 v2, $0x1;
	v15 =	vld [tilespmem:$0x80];
	v1 =	vadd.s32 $0xFFFE7001, v0  }
0x7b: {  	v5 =	vsel vm2, v12, v5;
	vm4 =	vgt.s32 v9, $0xC7FF;
	[tilespmem:$0x0] =	vst v6;
	v6 =	vadd.s32 $0xFFFE7001, v10;
	v12 =	vld [tilespmem:$0x90]  }
0x7c: {  	v7 =	vshll.u32 v9, $0x1;
	vm0 =	vgt.s32 v8, $0xC7FF;
	v16 =	vshll.u32 v3, $0x1;
	v17 =	vld [tilespmem:$0xA0]  }
0x7d: {  	vm1 =	vgt.s32 v2, $0xC7FF;
	v2 =	vadd.s32 $0xFFFE7001, v16;
	[tilespmem:$0x50] =	vst v5;
	v5 =	vshll.u32 v13, $0x1;
	v8 =	vld [tilespmem:$0xB0]  }
0x7e: {  	v9 =	vshll.u32 v11, $0x1;
	v6 =	vsel vm1, v6, v10;
	vm1 =	vgt.s32 v3, $0xC7FF;
	v3 =	vld [tilespmem:$0xC0]  }
0x7f: {  	v2 =	vsel vm1, v2, v16;
	vm1 =	vgt.s32 v13, $0xC7FF;
	vm6 =	vgt.s32 v14, $0xC7FF;
	v10 =	vld [tilespmem:$0xD0]  }
0x80: {  	v13 =	vshll.u32 v14, $0x1;
	[tilespmem:$0x40] =	vst v2;
	v2 =	vshll.u32 v15, $0x1;
	vm7 =	vgt.s32 v12, $0xC7FF;
	v14 =	vld [tilespmem:$0xE0]  }
0x81: {  	v16 =	vadd.s32 $0xFFFE7001, v5;
	v18 =	vadd.s32 $0xFFFE7001, v2;
	vm2 =	vgt.s32 v17, $0xC7FF;
	v19 =	vld [tilespmem:$0xF0]  }
0x82: {  	v5 =	vsel vm1, v16, v5;
	vm9 =	vgt.s32 v15, $0xC7FF;
	v12 =	vshll.u32 v12, $0x1;
	v15 =	vld [tilespmem:$0x100]  }
0x83: {  	vm1 =	vgt.s32 v11, $0xC7FF;
	v11 =	vadd.s32 $0xFFFE7001, v9;
	v16 =	vshll.u32 v17, $0x1;
	v17 =	vld [tilespmem:$0x110]  }
0x84: {  	v9 =	vsel vm1, v11, v9;
	[tilespmem:$0x60] =	vst v5;
	v5 =	vshll.u32 v3, $0x1;
	vm8 =	vgt.s32 v10, $0xC7FF;
	v20 =	vld [tilespmem:$0x120]  }
0x85: {  	v11 =	vadd.s32 $0xFFFE7001, v16;
	vm5 =	vgt.s32 v8, $0xC7FF;
	v21 =	vshll.u32 v8, $0x1;
	v22 =	vld [tilespmem:$0x130]  }
0x86: {  	vm1 =	vgt.s32 v3, $0xC7FF;
	v3 =	vadd.s32 $0xFFFE7001, v5;
	v23 =	vshll.u32 v14, $0x1;
	[tilespmem:$0x10] =	vst v9;
	v8 =	vld [tilespmem:$0x140]  }
0x87: {  	v24 =	vadd.s32 $0xFFFE7001, v21;
	v3 =	vsel vm1, v3, v5;
	vm1 =	vgt.s32 v19, $0xC7FF;
	v25 =	vld [tilespmem:$0x160]  }
0x88: {  	v9 =	vsel vm9, v18, v2;
	v5 =	vsel vm2, v11, v16;
	v2 =	vshll.u32 v19, $0x1;
	[tilespmem:$0xC0] =	vst v3;
	v16 =	vld [tilespmem:$0x170]  }
0x89: {  	v11 =	vadd.s32 $0xFFFE7001, v12;
	vm2 =	vgt.s32 v15, $0xC7FF;
	v3 =	vadd.s32 $0xFFFE7001, v13;
	[tilespmem:$0xA0] =	vst v5;
	v18 =	vld [tilespmem:$0x180]  }
0x8a: {  	v5 =	vsel vm6, v3, v13;
	v3 =	vsel vm7, v11, v12;
	vm7 =	vgt.s32 v20, $0xC7FF;
	[tilespmem:$0x30] =	vst v6;
	v19 =	vld [tilespmem:$0x1A0]  }
0x8b: {  	v11 =	vshll.u32 v10, $0x1;
	[tilespmem:$0x90] =	vst v3;
	v3 =	vshll.u32 v15, $0x1;
	v12 =	vshll.u32 v8, $0x1;
	v10 =	vld [tilespmem:$0x1B0]  }
0x8c: {  	v13 =	vadd.s32 $0xFFFE7001, v11;
	[tilespmem:$0x70] =	vst v5;
	v6 =	vadd.s32 $0xFFFE7001, v3;
	v15 =	vadd.s32 $0xFFFE7001, v12;
	v5 =	vld [tilespmem:$0x1C0]  }
0x8d: {  	vm6 =	vgt.s32 v8, $0xC7FF;
	[tilespmem:$0x80] =	vst v9;
	v9 =	vsel vm8, v13, v11;
	vm8 =	vgt.s32 v16, $0xC7FF;
	v11 =	vld [tilespmem:$0x1E0]  }
0x8e: {  	vm9 =	vgt.s32 v25, $0xC7FF;
	v13 =	vshll.u32 v20, $0x1;
	v12 =	vsel vm6, v15, v12;
	[tilespmem:$0xD0] =	vst v9  }
0x8f: {  	v8 =	vshll.u32 v17, $0x1;
	vm6 =	vgt.s32 v17, $0xC7FF;
	v9 =	vshll.u32 v22, $0x1;
	[tilespmem:$0x140] =	vst v12  }
0x90: {  	v15 =	vshll.u32 v18, $0x1;
	v12 =	vadd.s32 $0xFFFE7001, v13;
	vm10 =	vgt.s32 v19, $0xC7FF  }
0x91: {  	vm11 =	vgt.s32 v18, $0xC7FF;
	v13 =	vsel vm7, v12, v13;
	v12 =	vadd.s32 $0xFFFE7001, v9  }
0x92: {  	v17 =	vsel vm5, v24, v21;
	vm7 =	vgt.s32 v22, $0xC7FF;
	vm5 =	vgt.s32 v5, $0xC7FF;
	[tilespmem:$0x120] =	vst v13  }
0x93: {  	vm12 =	vgt.s32 v14, $0xC7FF;
	v14 =	vadd.s32 $0xFFFE7001, v15;
	v13 =	vadd.s32 $0xFFFE7001, v23;
	[tilespmem:$0xB0] =	vst v17  }
.Ltmp1:
0x94: {  	v18 =	vadd.s32 $0xFFFE7001, v7;
	v17 =	vadd.s32 $0xFFFE7001, v4;
	v13 =	vsel vm12, v13, v23;
	(pc) =	sbr.rel @p0 .LBB2_1-.Ltmp1, $4  }
0x95: {  	v7 =	vsel vm4, v18, v7;
	v4 =	vsel vm3, v17, v4;
	v17 =	vshll.u32 v25, $0x1  }
0x96: {  	v16 =	vshll.u32 v16, $0x1;
	v18 =	vshll.u32 v19, $0x1;
	[tilespmem:$0x20] =	vst v4;
	v4 =	vadd.s32 $0xFFFE7001, v17  }
0x97: {  	[tilespmem:$0x150] =	vst v7;
	v4 =	vsel vm9, v4, v17;
	v7 =	vadd.s32 $0xFFFE7001, v16;
	v17 =	vadd.s32 $0xFFFE7001, v18  }
0x98: {  	[tilespmem:$0x160] =	vst v4;
	v4 =	vsel vm8, v7, v16;
	v7 =	vsel vm11, v14, v15;
	v14 =	vsel vm10, v17, v18  }
.LBB2_2:
0x99: {  	[tilespmem:$0xE0] =	vst v13  }
0x9a: {  	[tilespmem:$0x1A0] =	vst v14  }
0x9b: {  	[tilespmem:$0x180] =	vst v7  }
0x9c: {  	v9 =	vsel vm7, v12, v9;
	[tilespmem:$0x170] =	vst v4  }
0x9d: {  	v3 =	vsel vm2, v6, v3;
	[tilespmem:$0x130] =	vst v9  }
0x9e: {  	v57 =	vadd.s32 $0xFFFE7001, v8;
	v58 =	vadd.s32 $0xFFFE7001, v2;
	v0 =	vsel vm0, v1, v0;
	[tilespmem:$0x100] =	vst v3  }
0x9f: {  	v59 =	vshll.u32 v5, $0x1;
	v62 =	vshll.u32 v10, $0x1;
	v8 =	vsel vm6, v57, v8;
	[tilespmem:$0x1D0] =	vst v0  }
0xa0: {  	vm15 =	vgt.s32 v10, $0xC7FF;
	v2 =	vsel vm1, v58, v2;
	v5 =	vadd.s32 $0xFFFE7001, v59;
	[tilespmem:$0x110] =	vst v8  }
0xa1: {  	v63 =	vadd.s32 $0xFFFE7001, v62;
	[tilespmem:$0xF0] =	vst v2;
	v3 =	vsel vm5, v5, v59;
	v60 =	vshll.u32 v11, $0x1  }
0xa2: {  	v0 =	vsel vm15, v63, v62;
	vm14 =	vgt.s32 v11, $0xC7FF;
	[tilespmem:$0x1C0] =	vst v3;
	v61 =	vadd.s32 $0xFFFE7001, v60  }
0xa3: {  	[tilespmem:$0x1B0] =	vst v0;
	v1 =	vsel vm14, v61, v60  }
0xa4: {  	[tilespmem:$0x1E0] =	vst v1  }
0xa5: {  	[tilespmem:s12], [sflag:$0x1] =	stream.indirect.gather [hbm4b:s5+s9], $0x40, s2, s9, $0xb8;
	[tilespmem:$0x4200] =	vst v63  }
0xa6: {  	_ =	swait.ge [sflag:s15], $0x2000  }
0xa7: {  	[sflag:s15] =	ssyncset.done $0x0  }
0xa8: {  	[sflag:s15] =	ssyncadd.s32 $0xFFFFE000  }
0xa9: {  	[tilespmem:s10], [sflag:$0x2] =	stream.indirect.gather [hbm4b:s5+s9], $0x40, s9, s9, $0xb8;
	[tilespmem:$0x4200] =	vst v63  }
0xaa: {  	_ = 	snop  }
0xab: {  	[hbm4b:s13+s2] =	stream.linear.scatter [tilespmem:s12], [sflag:$0x3], $0x2000, $0x38;
	[tilespmem:$0x4200] =	vst v63  }
0xac: {  	_ =	swait.ge [sflag:s14], $0x2000  }
0xad: {  	[sflag:s14] =	ssyncset.done $0x0  }
0xae: {  	[sflag:s14] =	ssyncadd.s32 $0xFFFFE000  }
0xaf: {  	_ =	swait.ge [sflag:s11], $0x2000  }
0xb0: {  	[sflag:s11] =	ssyncset.done $0x0  }
0xb1: {  	[sflag:s11] =	ssyncadd.s32 $0xFFFFE000  }
0xb2: {  	[tilespmem:s12], [sflag:$0x1] =	stream.indirect.gather [hbm4b:s5+s9], $0x40, s17, s9, $0xb8;
	[tilespmem:$0x4200] =	vst v63  }
0xb3: {  	_ = 	snop  }
0xb4: {  	[hbm4b:s8+s2] =	stream.linear.scatter [tilespmem:s10], [sflag:$0x3], $0x2000, $0x38;
	[tilespmem:$0x4200] =	vst v63  }
0xb5: {  	_ =	swait.ge [sflag:s15], $0x2000  }
0xb6: {  	[sflag:s15] =	ssyncset.done $0x0  }
0xb7: {  	[sflag:s15] =	ssyncadd.s32 $0xFFFFE000  }
0xb8: {  	_ =	swait.ge [sflag:s11], $0x2000  }
0xb9: {  	[sflag:s11] =	ssyncset.done $0x0  }
0xba: {  	[sflag:s11] =	ssyncadd.s32 $0xFFFFE000  }
0xbb: {  	[tilespmem:s10], [sflag:$0x2] =	stream.indirect.gather [hbm4b:s5+s9], $0x40, s16, s9, $0xb8;
	[tilespmem:$0x4200] =	vst v63  }
0xbc: {  	_ = 	snop  }
0xbd: {  	[hbm4b:s6+s2] =	stream.linear.scatter [tilespmem:s12], [sflag:$0x3], $0x2000, $0x38;
	[tilespmem:$0x4200] =	vst v63  }
0xbe: {  	_ =	swait.ge [sflag:s14], $0x2000  }
0xbf: {  	[sflag:s14] =	ssyncset.done $0x0  }
0xc0: {  	[sflag:s14] =	ssyncadd.s32 $0xFFFFE000  }
0xc1: {  	[hbm4b:s7+s2] =	stream.linear.scatter [tilespmem:s10], [sflag:$0x3], $0x2000, $0x38;
	[tilespmem:$0x4200] =	vst v63  }
0xc2: {  	_ =	swait.ge [sflag:s11], $0x2000  }
0xc3: {  	[sflag:s11] =	ssyncset.done $0x0  }
0xc4: {  	[sflag:s11] =	ssyncadd.s32 $0xFFFFE000  }
0xc5: {  	_ =	swait.ge [sflag:s11], $0x2000  }
0xc6: {  	[sflag:s11] =	ssyncset.done $0x0  }
0xc7: {  	[sflag:s11] =	ssyncadd.s32 $0xFFFFE000  }
0xc8: {  	_ =	sfence.sel $0x180000  }
0xc9: {  	[bflag:$0x0] =	sbarrier.arrive $0xFFFF  }
0xca: {  	p0 =	sne.s32 s0, $0x0;
	_ =	strace $0x90000047  }
0xcb: {  	s0 =	sadd.s32 @!p0 $0x100000, s1;
	[bflag:$0x2] =	sbarrier.arrive $0xFFFF  }
0xcc: {  	[sflag:s0] =	ssyncadd.tile.s32 @!p0 $0x1;
	_ =	shalt  }
.Lfunc_end2:
_tile_overlayer_lowered:
.L_overlay_start_2:
0xcd: {  	(tag) =	ssettag $0x2  }
0xce: {  	s0 =	rddreg [dreg:$0x0];
	s2 =	stileid.u32  }
0xcf: {  	s1 =	rddreg [dreg:$0x1];
	p0 =	sne.s32 s2, $0x0  }
0xd0: {  	s3 =	rddreg [dreg:$0x2];
	[bflag:$0x3] =	sbarrier.arrive $0xFFFF;
	s2 =	simm.s32 @!p0 $0x1C04  }
0xd1: {  	[timem:s3], [sflag:s2] =	dma.local @!p0 [hbm:s0], s1  }
0xd2: {  	s0 =	simm.s32 @!p0 $0x4  }
0xd3: {  	_ =	swait.ge @!p0 [sflag:s0], s1  }
0xd4: {  	s1 =	ssub.s32 @!p0 $0x0, s1;
	[sflag:s0] =	ssyncset.done @!p0 $0x0  }
0xd5: {  	[sflag:s0] =	ssyncadd.s32 @!p0 s1  }
0xd6: {  	[bflag:$0x3] =	sbarrier.arrive $0xFFFF  }
0xd7: {  	_ =	shalt  }

// kernel: kernel.7.cloned.1.call-start
scs
__scs_entry_jumppad:
0x0: {  	(pc) =	sbr.rel $0x88, $3  }
0x1: {  	(tag) =	ssettag $0x0;
	lr =	simm.s32 $0x1  }
0x2: {  	[smem:$0x3F93] =	sst lr;
	_ =	strace $0xD0000000  }
0x3: {  	_ = 	snop  }
0x4: {  	_ = 	snop  }
0x5: {  	_ = 	snop  }
0x6: {  	_ = 	snop  }
0x7: {  	_ = 	snop  }
__scs_overlays_trampoline_lowered:
0x8: {  	[smem:$0x3FA2] =	sst s0  }
0x9: {  	[smem:$0x3FA3] =	sst s1  }
0xa: {  	[smem:$0x3FA4] =	sst s2  }
0xb: {  	[smem:$0x3FA5] =	sst s3  }
0xc: {  	[smem:$0x3FA6] =	sst s4  }
0xd: {  	[smem:$0x3FA7] =	sst s5  }
0xe: {  	[smem:$0x3FA8] =	sst s6  }
0xf: {  	[smem:$0x3FA9] =	sst s7  }
0x10: {  	[smem:$0x3FAA] =	sst s8  }
0x11: {  	[smem:$0x3FAB] =	sst s9;
	s0 =	simm.s32 @!p0 $0x0  }
0x12: {  	s1 =	sld [smem:$0x3F91];
	s0 =	simm.s32 @p0 $0x1  }
0x13: {  	[smem:$0x3FAC] =	sst s0;
	s0 =	simm.s32 @!p1 $0x0  }
0x14: {  	s2 =	sld [smem:$0x3F90];
	s0 =	simm.s32 @p1 $0x1  }
0x15: {  	[smem:$0x3FAD] =	sst s0;
	s0 =	simm.s32 @!p2 $0x0  }
0x16: {  	s3 =	sld [smem:$0x3FDB];
	s0 =	simm.s32 @p2 $0x1  }
0x17: {  	s4 =	simm.s32 $0x1BF5;
	[smem:$0x3FAF] =	sst s0  }
0x18: {  	s0 =	sld [smem:$0x3F92];
	_ =	swait.ge [sflag:s4], $0x0  }
0x19: {  	s7 =	sld [smem:$0x3F93]  }
0x1a: {  	s8 =	sadd.s32 $0xFFFFE003, lr  }
0x1b: {  	s9 =	sadd.s32 $0xFFFFFEF7, lr;
	s5 =	simm.s32 $0xFFFFFFFF;
	p2 =	slt.u32 s8, $0xFFFFF086  }
0x1c: {  	p1 =	slt.u32 s9, $0xF7A;
	s5 =	simm.s32 @!p2 $0x0  }
0x1d: {  	s5 =	simm.s32 @p1 $0x1;
	p0 =	seq.s32 s7, s2  }
0x1e: {  	s7 =	smul.u32 @!p0 $0xF7A, s2;
	p2 =	seq.s32 @!p0 s5, $0x0  }
0x1f: {  	s9 =	smul.u32 $0xF7A, s1;
	s8 =	simm.s32 @!p0 $0x1BF5;
	p2 =	por !p2, p0  }
0x20: {  	[sflag:s8] =	ssyncset.s32 @!p0 $0xFFFFF086;
	s6 =	sadd.s32 @!p0 s3, s7;
	s7 =	simm.s32 @!p0 $0x108  }
0x21: {  	s3 =	sadd.s32 s3, s9;
	s6 =	sadd.s32 @!p0 $0x88, s6;
	s7 =	simm.s32 @p2 $0x1082  }
0x22: {  	[simem:s7], [sflag:s8] =	dma.local @!p0 [hbm:s6], $0xF7A  }
0x23: {  	s9 =	sor.u32 $0xD0000000, s2;
	s6 =	simm.s32 $0x108;
	_ =	swait.ge @!p0 [sflag:s8], $0x0  }
0x24: {  	s3 =	sadd.s32 $0x88, s3;
	s6 =	simm.s32 @!p1 $0x1082;
	[sflag:s4] =	ssyncset.s32 $0xFFFFF086  }
0x25: {  	[simem:s6], [sflag:s4] =	dma.local [hbm:s3], $0xF7A  }
0x26: {  	[smem:$0x3F93] =	sst s1;
	(tag) =	ssettag s2;
	_ =	strace s9  }
0x27: {  	s1 =	sld [smem:$0x3FA3]  }
0x28: {  	s2 =	sld [smem:$0x3FA4]  }
0x29: {  	s4 =	sld [smem:$0x3FA6]  }
0x2a: {  	p0 =	seq.s32 s5, $0x0;
	s5 =	sld [smem:$0x3FA7]  }
0x2b: {  	s6 =	sld [smem:$0x3FA8]  }
0x2c: {  	s7 =	sld [smem:$0x3FA9]  }
0x2d: {  	s3 =	simm.s32 $0x108;
	s8 =	sld [smem:$0x3FAA]  }
0x2e: {  	s3 =	simm.s32 @!p0 $0x1082;
	s9 =	sld [smem:$0x3FAB]  }
0x2f: {  	lr =	sadd.s32 s0, s3;
	s0 =	sld [smem:$0x3FA2]  }
0x30: {  	s3 =	sld [smem:$0x3FA5]  }
0x31: {  	[smem:$0x3FAE] =	sst s10  }
0x32: {  	s10 =	sld [smem:$0x3FAC];
	_ =	sdelay $0x3  }
0x33: {  	p0 =	seq.s32 s10, $0x1;
	s10 =	sld [smem:$0x3FAE];
	_ =	sdelay $0x3  }
0x34: {  	[smem:$0x3FAE] =	sst s10  }
0x35: {  	s10 =	sld [smem:$0x3FAD];
	_ =	sdelay $0x3  }
0x36: {  	p1 =	seq.s32 s10, $0x1;
	s10 =	sld [smem:$0x3FAE];
	_ =	sdelay $0x3  }
0x37: {  	[smem:$0x3FAE] =	sst s10  }
0x38: {  	s10 =	sld [smem:$0x3FAF]  }
0x39: {  	_ = 	snop;
	(pc) =	sbr.ind lr, $3  }
0x3a: {  	_ = 	snop  }
0x3b: {  	_ = 	snop  }
0x3c: {  	p2 =	seq.s32 s10, $0x1;
	s10 =	sld [smem:$0x3FAE]  }
0x3d: {  	_ =	shalt  }
0x3e: {  	_ =	shalt  }
0x3f: {  	_ =	shalt  }
0x40: {  	_ =	shalt  }
0x41: {  	_ =	shalt  }
0x42: {  	_ =	shalt  }
0x43: {  	_ =	shalt  }
0x44: {  	_ =	shalt  }
0x45: {  	_ =	shalt  }
0x46: {  	_ =	shalt  }
0x47: {  	_ =	shalt  }
0x48: {  	_ =	shalt  }
0x49: {  	_ =	shalt  }
0x4a: {  	_ =	shalt  }
0x4b: {  	_ =	shalt  }
0x4c: {  	_ =	shalt  }
0x4d: {  	_ =	shalt  }
0x4e: {  	_ =	shalt  }
0x4f: {  	_ =	shalt  }
0x50: {  	_ =	shalt  }
0x51: {  	_ =	shalt  }
0x52: {  	_ =	shalt  }
0x53: {  	_ =	shalt  }
0x54: {  	_ =	shalt  }
0x55: {  	_ =	shalt  }
0x56: {  	_ =	shalt  }
0x57: {  	_ =	shalt  }
0x58: {  	_ =	shalt  }
0x59: {  	_ =	shalt  }
0x5a: {  	_ =	shalt  }
0x5b: {  	_ =	shalt  }
0x5c: {  	_ =	shalt  }
0x5d: {  	_ =	shalt  }
0x5e: {  	_ =	shalt  }
0x5f: {  	_ =	shalt  }
0x60: {  	_ =	shalt  }
0x61: {  	_ =	shalt  }
0x62: {  	_ =	shalt  }
0x63: {  	_ =	shalt  }
0x64: {  	_ =	shalt  }
0x65: {  	_ =	shalt  }
0x66: {  	_ =	shalt  }
0x67: {  	_ =	shalt  }
0x68: {  	_ =	shalt  }
0x69: {  	_ =	shalt  }
0x6a: {  	_ =	shalt  }
0x6b: {  	_ =	shalt  }
0x6c: {  	_ =	shalt  }
0x6d: {  	_ =	shalt  }
0x6e: {  	_ =	shalt  }
0x6f: {  	_ =	shalt  }
0x70: {  	_ =	shalt  }
0x71: {  	_ =	shalt  }
0x72: {  	_ =	shalt  }
0x73: {  	_ =	shalt  }
0x74: {  	_ =	shalt  }
0x75: {  	_ =	shalt  }
0x76: {  	_ =	shalt  }
0x77: {  	_ =	shalt  }
0x78: {  	_ =	shalt  }
0x79: {  	_ =	shalt  }
0x7a: {  	_ =	shalt  }
0x7b: {  	_ =	shalt  }
0x7c: {  	_ =	shalt  }
0x7d: {  	_ =	shalt  }
0x7e: {  	_ =	shalt  }
0x7f: {  	_ =	shalt  }
0x80: {  	_ =	shalt  }
0x81: {  	_ =	shalt  }
0x82: {  	_ =	shalt  }
0x83: {  	_ =	shalt  }
0x84: {  	_ =	shalt  }
0x85: {  	_ =	shalt  }
0x86: {  	_ =	shalt  }
0x87: {  	_ =	shalt  }
.Lfunc_end0:
.L_simem_size_0:
called_computation_lowered:
.L_overlay_start_0:
0x88: {  	s2 =	sld [smem:$0x3FD9]  }
0x89: {  	s3 =	sld [smem:$0x3FFE];
	_ =	sdelay $0x1  }
0x8a: {  	s1 =	srdreg.scid  }
0x8b: {  	s0 =	sand.u32 $0x1, s1  }
0x8c: {  	s17 =	sshll.u32 s0, $0xA;
	s2 =	sadd.s32 s3, s2  }
0x8d: {  	s2 =	sadd.s32 s2, s17  }
0x8e: {  	[smem:$0x3FBA] =	sst s2  }
0x8f: {  	_ = 	snop  }
0x90: {  	s18 =	sld [smem:$0x3FC9];
	(tm) =	ssettm $0x1  }
0x91: {  	s19 =	sld [smem:$0x3FFB];
	_ =	sdelay $0x3  }
0x92: {  	_ =	strace s19  }
0x93: {  	s2 =	sld [smem:$0x3FFC];
	_ =	sdelay $0x3  }
0x94: {  	_ =	strace s2  }
0x95: {  	s2 =	sld [smem:$0x3FFD];
	_ =	sdelay $0x3  }
0x96: {  	_ =	strace s2  }
0x97: {  	_ =	strace $0x8FFFFFFF  }
0x98: {  	s20 =	sld [smem:$0x3FDB];
	_ =	sdelay $0x1  }
0x99: {  	s4 =	simm.s32 $_scs_section_size  }
0x9a: {  	s5 =	simm.s32 $_size__tile_overlayer_lowered;
	s6 =	simm.s32 $_tile_overlayer_lowered  }
0x9b: {  	s7 =	simm.s32 $0x1BFF;
	s21 =	sshll.u32 s6, $0x1;
	s4 =	sadd.s32 s4, s20  }
0x9c: {  	s22 =	simm.s32 $0x0;
	s5 =	sshll.u32 s5, $0x1;
	s6 =	sadd.s32 s21, s4  }
0x9d: {  	[timem:s22], [sflag:s7] =	dma.local [hbm:s6], s5  }
0x9e: {  	_ =	swait.ge [sflag:s7], s5  }
0x9f: {  	s5 =	ssub.s32 $0x0, s5;
	[sflag:s7] =	ssyncset.done $0x0  }
0xa0: {  	[sflag:s7] =	ssyncadd.s32 s5;
	_ =	sdelay $0x1  }
0xa1: {  	s23 =	simm.s32 $0x1B8B  }
0xa2: {  	_ =	swait.ge [sflag:s23], $0x1  }
0xa3: {  	[sflag:s23] =	ssyncset.done $0x0  }
0xa4: {  	[sflag:s23] =	ssyncadd.s32 $0xFFFFFFFF  }
0xa5: {  	s5 =	sld [smem:$0x0]  }
0xa6: {  	s6 =	sand.u32 $0xFFFFFFFE, s1  }
0xa7: {  	p0 =	sne.s32 s1, s6  }
0xa8: {  	s6 =	sshll.u32 @p0 s6, $0xE  }
0xa9: {  	s6 =	sadd.s32 @p0 $0x11B8D, s6;
	s7 =	sshll.u32 @p0 s5, $0x11  }
0xaa: {  	s6 =	sor.u32 @p0 s7, s6  }
0xab: {  	[sflag:s6] =	ssyncadd.remote.s32 @p0 $0x1;
	_ =	sdelay $0x1  }
0xac: {  	s6 =	simm.s32 @p0 $0x1B8D  }
0xad: {  	_ =	swait.eq @p0 [sflag:s6], $0x1  }
0xae: {  	[sflag:s6] =	ssyncadd.s32 @p0 $0xFFFFFFFF  }
0xaf: {  	s7 =	sshll.u32 @!p0 s1, $0xE  }
0xb0: {  	s7 =	sor.u32 @!p0 $0x4000, s7;
	s6 =	simm.s32 @!p0 $0x1B8D  }
0xb1: {  	s5 =	sshll.u32 @!p0 s5, $0x11;
	s7 =	sadd.s32 @!p0 $0x11B8D, s7;
	_ =	swait.eq @!p0 [sflag:s6], $0x1  }
0xb2: {  	s5 =	sor.u32 @!p0 s5, s7;
	[sflag:s6] =	ssyncadd.s32 @!p0 $0xFFFFFFFF  }
0xb3: {  	s25 =	simm.s32 $0x1B8E;
	s24 =	sld [smem:$0x3FFE];
	[sflag:s5] =	ssyncadd.remote.s32 @!p0 $0x1  }
0xb4: {  	s26 =	simm.s32 $execute0_lowered;
	[smem:$0x3FD2] =	sst s25  }
0xb5: {  	s6 =	sshll.u32 s26, $0x1;
	_ =	strace $0x80000049;
	[dreg:$0x1] =	wrdreg $0xFFFFFFFF  }
0xb6: {  	s28 =	simm.s32 $_size_execute0_lowered;
	s4 =	sadd.s32 s4, s6;
	[dreg:$0x0] =	wrdreg $0x0  }
0xb7: {  	s6 =	sshll.u32 s28, $0x1;
	[dreg:$0x2] =	wrdreg s4  }
0xb8: {  	[dreg:$0x3] =	wrdreg s6  }
0xb9: {  	[dreg:$0x4] =	wrdreg $0xC0  }
0xba: {  	_ =	task [dreg:s22], $0x5FFFF  }
0xbb: {  	[dreg:$0x1] =	wrdreg $0xFFFFFFFF  }
0xbc: {  	[dreg:$0x0] =	wrdreg $0x60  }
0xbd: {  	[dreg:$0x2] =	wrdreg s18  }
0xbe: {  	[dreg:$0x3] =	wrdreg s24  }
0xbf: {  	[dreg:$0x4] =	wrdreg $0x9  }
0xc0: {  	_ =	task.clear_ibuf [dreg:s22], $0x5FFFF;
	_ =	strace $0x90000049  }
0xc1: {  	s29 =	simm.s32 $0x9;
	_ =	strace $0x8000004B  }
0xc2: {  	_ =	swait.ge [sflag:s29], $0x1  }
0xc3: {  	[sflag:s29] =	ssyncadd.s32 $0xFFFFFFFF  }
0xc4: {  	_ =	strace $0x9000004B  }
0xc5: {  	_ =	sfence  }
0xc6: {  	s30 =	sld [smem:$0x0];
	_ =	sdelay $0x2  }
0xc7: {  	s31 =	sshll.u32 s1, $0xD;
	s1 =	sshrl.u32 s1, $0x2  }
0xc8: {  	s4 =	sand.u32 $0x4000, s31;
	s1 =	sadd.s32 s1, s30  }
0xc9: {  	s0 =	sor.u32 s4, s0;
	s1 =	sshll.u32 s1, $0x11  }
0xca: {  	s0 =	sor.u32 s1, s0  }
0xcb: {  	s0 =	sadd.s32 $0x8F2B, s0  }
0xcc: {  	[sflag:s0] =	ssyncadd.remote.s32 $0x1  }
0xcd: {  	_ =	sfence.sel $0xFFFF  }
0xce: {  	[dreg:$0x0] =	wrdreg $0xFFFFFFFF;
	(pc) =	sbr.abs _section_cstart, $3  }
0xcf: {  	[dreg:$0x1] =	wrdreg $0xFFFFFFFF  }
0xd0: {  	_ =	task.clear_ibuf [dreg:s22], $0x2FFFF;
	_ =	strace $0x9FFFFFFF  }
0xd1: {  	(tm) =	ssettm $0x7FFFFFFF  }
tec
execute0_lowered:
.L_overlay_start_1:
0x0: {  	(tag) =	ssettag $0x1  }
0x1: {  	s3 =	rddreg [dreg:$0x0]  }
0x2: {  	s1 =	srdreg.scid;
	s0 =	stileid.u32  }
0x3: {  	s5 =	rddreg [dreg:$0x1];
	s6 =	sand.u32 $0x1, s1;
	s4 =	sshll.u32 s0, $0x1  }
0x4: {  	s2 =	simm.s32 $0x0;
	s1 =	rddreg [dreg:$0x2];
	s7 =	sor.u32 s6, s4  }
0x5: {  	[smem:$0x7FF] =	sst s2;
	s4 =	sshll.u32 s7, $0x6  }
0x6: {  	_ =	strace $0x8000004A;
	s3 =	sadd.s32 s3, s4;
	s4 =	simm.s32 $0x4  }
0x7: {  	[tilespmem:s2], [sflag:$0x4] =	stream.linear.gather [hbm4b:s3+s2], $0x200, $0x38;
	[tilespmem:$0x4200] =	vst v63  }
0x8: {  	_ =	swait.ge [sflag:s4], $0x200  }
0x9: {  	[sflag:s4] =	ssyncset.done $0x0  }
0xa: {  	[sflag:s4] =	ssyncadd.s32 $0xFFFFFE00  }
0xb: {  	v0 =	vld [tilespmem:$0x1F0]  }
0xc: {  	v1 =	vld [tilespmem:$0x190]  }
0xd: {  	v2 =	vld [tilespmem:$0x30]  }
0xe: {  	v3 =	vld [tilespmem:$0x20]  }
0xf: {  	v5 =	vld [tilespmem:$0x50]  }
0x10: {  	v9 =	vld [tilespmem:$0x150]  }
0x11: {  	v11 =	vld [tilespmem:$0x10]  }
0x12: {  	v14 =	vld [tilespmem:$0x70]  }
0x13: {  	v16 =	vld [tilespmem:$0x80]  }
0x14: {  	v21 =	vld [tilespmem:$0xE0]  }
0x15: {  	v55 =	vld [tilespmem:$0x170]  }
0x16: {  	v56 =	vld [tilespmem:$0x160];
	v7 =	vshll.u32 v0, $0x1;
	vm0 =	vgt.s32 v1, $0xC7FF  }
0x17: {  	v58 =	vld [tilespmem:$0x180];
	v1 =	vshll.u32 v1, $0x1;
	vm1 =	vgt.s32 v0, $0xC7FF;
	vm3 =	vgt.s32 v3, $0xC7FF  }
0x18: {  	v59 =	vld [tilespmem:$0x1A0];
	v4 =	vshll.u32 v3, $0x1;
	vm2 =	vgt.s32 v5, $0xC7FF;
	v5 =	vshll.u32 v5, $0x1  }
0x19: {  	v15 =	vshll.u32 v2, $0x1;
	vm4 =	vgt.s32 v9, $0xC7FF;
	v20 =	vshll.u32 v9, $0x1  }
0x1a: {  	v9 =	vshll.u32 v11, $0x1;
	vm6 =	vgt.s32 v14, $0xC7FF;
	v14 =	vshll.u32 v14, $0x1  }
0x1b: {  	v6 =	vld [tilespmem:$0x0];
	v52 =	vshll.u32 v16, $0x1;
	vm9 =	vgt.s32 v16, $0xC7FF;
	v27 =	vshll.u32 v21, $0x1  }
0x1c: {  	v8 =	vld [tilespmem:$0x1D0];
	vm10 =	vgt.s32 v56, $0xC7FF;
	vm11 =	vgt.s32 v58, $0xC7FF;
	vm12 =	vgt.s32 v21, $0xC7FF  }
0x1d: {  	v19 =	vld [tilespmem:$0xA0];
	v61 =	vshll.u32 v55, $0x1;
	v62 =	vshll.u32 v59, $0x1;
	v0 =	vadd.s32 $0xFFFE7001, v7  }
0x1e: {  	v13 =	vld [tilespmem:$0x60];
	v10 =	vadd.s32 $0xFFFE7001, v1;
	v12 =	vadd.s32 $0xFFFE7001, v5;
	v17 =	vadd.s32 $0xFFFE7001, v15  }
0x1f: {  	v53 =	vld [tilespmem:$0x100];
	v23 =	vadd.s32 $0xFFFE7001, v52;
	v63 =	vadd.s32 $0xFFFE7001, v62;
	v10 =	vsel vm0, v10, v1  }
0x20: {  	v3 =	vld [tilespmem:$0x40];
	v1 =	vshll.u32 v6, $0x1;
	v7 =	vsel vm1, v0, v7;
	vm0 =	vgt.s32 v6, $0xC7FF  }
0x21: {  	v0 =	vshll.u32 v8, $0x1;
	v5 =	vsel vm2, v12, v5;
	vm1 =	vgt.s32 v2, $0xC7FF  }
0x22: {  	v12 =	vld [tilespmem:$0x90];
	vm2 =	vgt.s32 v19, $0xC7FF;
	v19 =	vshll.u32 v19, $0x1;
	v6 =	vadd.s32 $0xFFFE7001, v1  }
0x23: {  	v15 =	vsel vm1, v17, v15;
	v25 =	vadd.s32 $0xFFFE7001, v19;
	v6 =	vsel vm0, v6, v1  }
0x24: {  	v54 =	vld [tilespmem:$0x110];
	[tilespmem:$0x190] =	vst v10;
	v1 =	vadd.s32 $0xFFFE7001, v0;
	vm0 =	vgt.s32 v8, $0xC7FF;
	v8 =	vshll.u32 v13, $0x1  }
0x25: {  	v10 =	vld [tilespmem:$0x120];
	[tilespmem:$0x50] =	vst v5;
	v5 =	vsel vm2, v25, v19;
	vm2 =	vgt.s32 v53, $0xC7FF;
	v18 =	vshll.u32 v3, $0x1  }
0x26: {  	vm1 =	vgt.s32 v3, $0xC7FF;
	v3 =	vld [tilespmem:$0xC0];
	v22 =	vadd.s32 $0xFFFE7001, v8;
	v2 =	vadd.s32 $0xFFFE7001, v18  }
0x27: {  	v28 =	vld [tilespmem:$0x140];
	v51 =	vsel vm1, v2, v18;
	vm1 =	vgt.s32 v13, $0xC7FF;
	vm7 =	vgt.s32 v12, $0xC7FF  }
0x28: {  	v13 =	vld [tilespmem:$0xD0];
	v12 =	vshll.u32 v12, $0x1;
	v18 =	vsel vm9, v23, v52;
	v8 =	vsel vm1, v22, v8  }
0x29: {  	[tilespmem:$0x1F0] =	vst v7;
	v2 =	vld [tilespmem:$0xB0];
	vm1 =	vgt.s32 v11, $0xC7FF;
	v11 =	vadd.s32 $0xFFFE7001, v9;
	v57 =	vadd.s32 $0xFFFE7001, v12  }
0x2a: {  	vm9 =	vgt.s32 v59, $0xC7FF;
	v9 =	vsel vm1, v11, v9;
	[tilespmem:$0x60] =	vst v8;
	v8 =	vsel vm7, v57, v12  }
0x2b: {  	[tilespmem:$0x30] =	vst v15;
	vm7 =	vgt.s32 v10, $0xC7FF;
	v10 =	vshll.u32 v10, $0x1;
	v11 =	vshll.u32 v3, $0x1  }
0x2c: {  	v24 =	vld [tilespmem:$0xF0];
	vm1 =	vgt.s32 v3, $0xC7FF;
	v3 =	vadd.s32 $0xFFFE7001, v14;
	[tilespmem:$0x90] =	vst v8;
	v8 =	vshll.u32 v54, $0x1  }
0x2d: {  	[tilespmem:$0x0] =	vst v6;
	v14 =	vsel vm6, v3, v14;
	v3 =	vshll.u32 v53, $0x1;
	vm6 =	vgt.s32 v28, $0xC7FF  }
0x2e: {  	[tilespmem:$0xA0] =	vst v5;
	vm8 =	vgt.s32 v13, $0xC7FF;
	vm5 =	vgt.s32 v2, $0xC7FF;
	v26 =	vshll.u32 v2, $0x1  }
0x2f: {  	v5 =	vld [tilespmem:$0x1C0];
	[tilespmem:$0x40] =	vst v51;
	v2 =	vadd.s32 $0xFFFE7001, v11;
	v12 =	vshll.u32 v13, $0x1;
	v13 =	vshll.u32 v28, $0x1  }
0x30: {  	v7 =	vld [tilespmem:$0x130];
	[tilespmem:$0x70] =	vst v14;
	v14 =	vshll.u32 v58, $0x1;
	v6 =	vsel vm1, v2, v11;
	v11 =	vadd.s32 $0xFFFE7001, v26  }
0x31: {  	s6 =	ssub.s32 $0x2, s6;
	[tilespmem:$0x10] =	vst v9;
	vm1 =	vgt.s32 v24, $0xC7FF;
	v2 =	vshll.u32 v24, $0x1;
	v9 =	vadd.s32 $0xFFFE7001, v12  }
0x32: {  	s8 =	sshrl.u32 s6, $0x1;
	v15 =	vadd.s32 $0xFFFE7001, v14;
	[tilespmem:$0xC0] =	vst v6;
	v60 =	vsel vm8, v9, v12;
	v6 =	vadd.s32 $0xFFFE7001, v3  }
0x33: {  	s9 =	ssub.s32 s6, s8;
	[tilespmem:$0x80] =	vst v18;
	v9 =	vadd.s32 $0xFFFE7001, v13;
	vm8 =	vgt.s32 v55, $0xC7FF;
	v12 =	vadd.s32 $0xFFFE7001, v10  }
0x34: {  	s18 =	smax.u32 s9, $0x1;
	v11 =	vsel vm5, v11, v26;
	vm5 =	vgt.s32 v5, $0xC7FF;
	v10 =	vsel vm7, v12, v10;
	[tilespmem:$0xD0] =	vst v60  }
0x35: {  	s13 =	simm.s32 $0x200;
	s7 =	sshll.u32 s7, $0xC;
	p0 =	sne.s32 s18, $0x1;
	v13 =	vsel vm6, v9, v13;
	v9 =	vshll.u32 v7, $0x1;
	[tilespmem:$0x120] =	vst v10;
	v10 =	vadd.s32 $0xFFFE7001, v4  }
.Ltmp0:
0x36: {  	s15 =	simm.s32 $0x1;
	s7 =	sadd.s32 s7, s5;
	vm7 =	vgt.s32 v7, $0xC7FF;
	v7 =	vadd.s32 $0xFFFE7001, v27;
	[tilespmem:$0xB0] =	vst v11;
	v4 =	vsel vm3, v10, v4;
	v10 =	vld [tilespmem:$0x1B0];
	(pc) =	sbr.rel @!p0 .LBB2_2-.Ltmp0, $4  }
0x37: {  	s11 =	simm.s32 $0x2200;
	s14 =	simm.s32 $0x2;
	s10 =	sadd.s32 $0x1B1600, s7;
	v11 =	vshll.u32 v56, $0x1;
	[tilespmem:$0x140] =	vst v13;
	v13 =	vsel vm12, v7, v27;
	v7 =	vadd.s32 $0xFFFE7001, v20  }
0x38: {  	s12 =	simm.s32 $0x3;
	s16 =	simm.s32 $0x180;
	s8 =	sadd.s32 $0x1B1A00, s7;
	vm6 =	vgt.s32 v54, $0xC7FF;
	v7 =	vsel vm4, v7, v20;
	[tilespmem:$0x20] =	vst v4;
	v4 =	vadd.s32 $0xFFFE7001, v11  }
0x39: {  	s17 =	simm.s32 $0x100;
	s5 =	sadd.s32 $0xE9600, s5;
	s6 =	sadd.s32 $0x1B1E00, s7;
	v12 =	vadd.s32 $0xFFFE7001, v9;
	[tilespmem:$0x150] =	vst v7;
	v7 =	vadd.s32 $0xFFFE7001, v61;
	v4 =	vsel vm10, v4, v11;
	v11 =	vld [tilespmem:$0x1E0]  }
0x3a: {  	s7 =	sadd.s32 $0x1B2200, s7;
	s9 =	simm.s32 $0x80;
	s18 =	sadd.s32 $0xFFFFFFFF, s18;
	[tilespmem:$0x160] =	vst v4;
	v4 =	vsel vm8, v7, v61;
	v7 =	vsel vm11, v15, v14;
	v14 =	vsel vm9, v63, v62  }
.LBB2_1:
0x3b: {  	p0 =	sne.s32 s18, $0x1;
	s18 =	sadd.s32 $0xFFFFFFFF, s18;
	[tilespmem:$0xE0] =	vst v13;
	v13 =	vadd.s32 $0xFFFE7001, v8;
	v9 =	vsel vm7, v12, v9;
	v12 =	vshll.u32 v10, $0x1  }
0x3c: {  	vm3 =	vgt.s32 v10, $0xC7FF;
	v8 =	vsel vm6, v13, v8;
	[tilespmem:$0x130] =	vst v9;
	v9 =	vadd.s32 $0xFFFE7001, v12  }
0x3d: {  	v10 =	vadd.s32 $0xFFFE7001, v2;
	v3 =	vsel vm2, v6, v3;
	[tilespmem:$0x110] =	vst v8;
	v6 =	vsel vm3, v9, v12  }
0x3e: {  	v2 =	vsel vm1, v10, v2;
	[tilespmem:$0x100] =	vst v3;
	v3 =	vshll.u32 v5, $0x1;
	v5 =	vshll.u32 v11, $0x1  }
0x3f: {  	vm1 =	vgt.s32 v11, $0xC7FF;
	[tilespmem:$0xF0] =	vst v2;
	v2 =	vadd.s32 $0xFFFE7001, v3;
	v8 =	vadd.s32 $0xFFFE7001, v5  }
0x40: {  	v0 =	vsel vm0, v1, v0;
	[tilespmem:$0x1A0] =	vst v14;
	v2 =	vsel vm5, v2, v3;
	v1 =	vsel vm1, v8, v5  }
0x41: {  	[tilespmem:$0x1D0] =	vst v0  }
0x42: {  	[tilespmem:$0x1C0] =	vst v2  }
0x43: {  	[tilespmem:$0x1E0] =	vst v1  }
0x44: {  	[tilespmem:$0x180] =	vst v7  }
0x45: {  	[tilespmem:$0x1B0] =	vst v6  }
0x46: {  	[tilespmem:$0x170] =	vst v4  }
0x47: {  	[tilespmem:s13], [sflag:$0x1] =	stream.indirect.gather [hbm4b:s5+s9], $0x40, s2, s9, $0xb8;
	[tilespmem:$0x4200] =	vst v63  }
0x48: {  	_ =	swait.ge [sflag:s15], $0x2000  }
0x49: {  	[sflag:s15] =	ssyncset.done $0x0  }
0x4a: {  	[sflag:s15] =	ssyncadd.s32 $0xFFFFE000  }
0x4b: {  	[tilespmem:s11], [sflag:$0x2] =	stream.indirect.gather [hbm4b:s5+s9], $0x40, s9, s9, $0xb8;
	[tilespmem:$0x4200] =	vst v63  }
0x4c: {  	_ = 	snop  }
0x4d: {  	[hbm4b:s10+s2] =	stream.linear.scatter [tilespmem:s13], [sflag:$0x3], $0x2000, $0x38;
	[tilespmem:$0x4200] =	vst v63  }
0x4e: {  	_ =	swait.ge [sflag:s14], $0x2000  }
0x4f: {  	[sflag:s14] =	ssyncset.done $0x0  }
0x50: {  	[sflag:s14] =	ssyncadd.s32 $0xFFFFE000  }
0x51: {  	_ =	swait.ge [sflag:s12], $0x2000  }
0x52: {  	[sflag:s12] =	ssyncset.done $0x0  }
0x53: {  	[sflag:s12] =	ssyncadd.s32 $0xFFFFE000  }
0x54: {  	[tilespmem:s13], [sflag:$0x1] =	stream.indirect.gather [hbm4b:s5+s9], $0x40, s17, s9, $0xb8;
	[tilespmem:$0x4200] =	vst v63  }
0x55: {  	_ = 	snop  }
0x56: {  	[hbm4b:s8+s2] =	stream.linear.scatter [tilespmem:s11], [sflag:$0x3], $0x2000, $0x38;
	[tilespmem:$0x4200] =	vst v63  }
0x57: {  	_ =	swait.ge [sflag:s15], $0x2000  }
0x58: {  	[sflag:s15] =	ssyncset.done $0x0  }
0x59: {  	[sflag:s15] =	ssyncadd.s32 $0xFFFFE000  }
0x5a: {  	_ =	swait.ge [sflag:s12], $0x2000  }
0x5b: {  	[sflag:s12] =	ssyncset.done $0x0  }
0x5c: {  	[sflag:s12] =	ssyncadd.s32 $0xFFFFE000  }
0x5d: {  	[tilespmem:s11], [sflag:$0x2] =	stream.indirect.gather [hbm4b:s5+s9], $0x40, s16, s9, $0xb8;
	[tilespmem:$0x4200] =	vst v63  }
0x5e: {  	_ = 	snop  }
0x5f: {  	[hbm4b:s6+s2] =	stream.linear.scatter [tilespmem:s13], [sflag:$0x3], $0x2000, $0x38;
	[tilespmem:$0x4200] =	vst v63  }
0x60: {  	_ =	swait.ge [sflag:s14], $0x2000  }
0x61: {  	[sflag:s14] =	ssyncset.done $0x0  }
0x62: {  	[sflag:s14] =	ssyncadd.s32 $0xFFFFE000  }
0x63: {  	[hbm4b:s7+s2] =	stream.linear.scatter [tilespmem:s11], [sflag:$0x3], $0x2000, $0x38;
	[tilespmem:$0x4200] =	vst v63  }
0x64: {  	_ =	swait.ge [sflag:s12], $0x2000  }
0x65: {  	[sflag:s12] =	ssyncset.done $0x0  }
0x66: {  	[sflag:s12] =	ssyncadd.s32 $0xFFFFE000  }
0x67: {  	_ =	swait.ge [sflag:s12], $0x2000  }
0x68: {  	[sflag:s12] =	ssyncset.done $0x0  }
0x69: {  	[sflag:s12] =	ssyncadd.s32 $0xFFFFE000  }
0x6a: {  	[tilespmem:s2], [sflag:$0x4] =	stream.linear.gather [hbm4b:s3+s2], $0x200, $0x38;
	[tilespmem:$0x4200] =	vst v63  }
0x6b: {  	_ =	swait.ge [sflag:s4], $0x200  }
0x6c: {  	[sflag:s4] =	ssyncset.done $0x0  }
0x6d: {  	[sflag:s4] =	ssyncadd.s32 $0xFFFFFE00  }
0x6e: {  	v0 =	vld [tilespmem:$0x1F0]  }
0x6f: {  	v1 =	vld [tilespmem:$0x190]  }
0x70: {  	v2 =	vld [tilespmem:$0x30]  }
0x71: {  	v3 =	vld [tilespmem:$0x20]  }
0x72: {  	v5 =	vld [tilespmem:$0x50]  }
0x73: {  	v6 =	vld [tilespmem:$0x0];
	v7 =	vshll.u32 v0, $0x1  }
0x74: {  	vm0 =	vgt.s32 v1, $0xC7FF;
	v1 =	vshll.u32 v1, $0x1;
	v8 =	vld [tilespmem:$0x1D0]  }
0x75: {  	vm1 =	vgt.s32 v0, $0xC7FF;
	v0 =	vadd.s32 $0xFFFE7001, v7;
	v9 =	vld [tilespmem:$0x150]  }
0x76: {  	v10 =	vadd.s32 $0xFFFE7001, v1;
	vm3 =	vgt.s32 v3, $0xC7FF;
	v4 =	vshll.u32 v3, $0x1;
	v3 =	vld [tilespmem:$0x40]  }
0x77: {  	v1 =	vsel vm0, v10, v1;
	v11 =	vld [tilespmem:$0x10];
	vm2 =	vgt.s32 v5, $0xC7FF;
	v5 =	vshll.u32 v5, $0x1  }
0x78: {  	v10 =	vshll.u32 v6, $0x1;
	v12 =	vadd.s32 $0xFFFE7001, v5;
	v13 =	vld [tilespmem:$0x60];
	[tilespmem:$0x190] =	vst v1;
	v1 =	vsel vm1, v0, v7  }
0x79: {  	vm0 =	vgt.s32 v6, $0xC7FF;
	v6 =	vadd.s32 $0xFFFE7001, v10;
	v14 =	vld [tilespmem:$0x70];
	v0 =	vshll.u32 v8, $0x1;
	[tilespmem:$0x1F0] =	vst v1  }
0x7a: {  	v6 =	vsel vm0, v6, v10;
	v10 =	vshll.u32 v2, $0x1;
	v15 =	vld [tilespmem:$0x80];
	v1 =	vadd.s32 $0xFFFE7001, v0  }
0x7b: {  	v5 =	vsel vm2, v12, v5;
	vm4 =	vgt.s32 v9, $0xC7FF;
	[tilespmem:$0x0] =	vst v6;
	v6 =	vadd.s32 $0xFFFE7001, v10;
	v12 =	vld [tilespmem:$0x90]  }
0x7c: {  	v7 =	vshll.u32 v9, $0x1;
	vm0 =	vgt.s32 v8, $0xC7FF;
	v16 =	vshll.u32 v3, $0x1;
	v17 =	vld [tilespmem:$0xA0]  }
0x7d: {  	vm1 =	vgt.s32 v2, $0xC7FF;
	v2 =	vadd.s32 $0xFFFE7001, v16;
	[tilespmem:$0x50] =	vst v5;
	v5 =	vshll.u32 v13, $0x1;
	v8 =	vld [tilespmem:$0xB0]  }
0x7e: {  	v9 =	vshll.u32 v11, $0x1;
	v6 =	vsel vm1, v6, v10;
	vm1 =	vgt.s32 v3, $0xC7FF;
	v3 =	vld [tilespmem:$0xC0]  }
0x7f: {  	v2 =	vsel vm1, v2, v16;
	vm1 =	vgt.s32 v13, $0xC7FF;
	vm6 =	vgt.s32 v14, $0xC7FF;
	v10 =	vld [tilespmem:$0xD0]  }
0x80: {  	v13 =	vshll.u32 v14, $0x1;
	[tilespmem:$0x40] =	vst v2;
	v2 =	vshll.u32 v15, $0x1;
	vm7 =	vgt.s32 v12, $0xC7FF;
	v14 =	vld [tilespmem:$0xE0]  }
0x81: {  	v16 =	vadd.s32 $0xFFFE7001, v5;
	v18 =	vadd.s32 $0xFFFE7001, v2;
	vm2 =	vgt.s32 v17, $0xC7FF;
	v19 =	vld [tilespmem:$0xF0]  }
0x82: {  	v5 =	vsel vm1, v16, v5;
	vm9 =	vgt.s32 v15, $0xC7FF;
	v12 =	vshll.u32 v12, $0x1;
	v15 =	vld [tilespmem:$0x100]  }
0x83: {  	vm1 =	vgt.s32 v11, $0xC7FF;
	v11 =	vadd.s32 $0xFFFE7001, v9;
	v16 =	vshll.u32 v17, $0x1;
	v17 =	vld [tilespmem:$0x110]  }
0x84: {  	v9 =	vsel vm1, v11, v9;
	[tilespmem:$0x60] =	vst v5;
	v5 =	vshll.u32 v3, $0x1;
	vm8 =	vgt.s32 v10, $0xC7FF;
	v20 =	vld [tilespmem:$0x120]  }
0x85: {  	v11 =	vadd.s32 $0xFFFE7001, v16;
	vm5 =	vgt.s32 v8, $0xC7FF;
	v21 =	vshll.u32 v8, $0x1;
	v22 =	vld [tilespmem:$0x130]  }
0x86: {  	vm1 =	vgt.s32 v3, $0xC7FF;
	v3 =	vadd.s32 $0xFFFE7001, v5;
	v23 =	vshll.u32 v14, $0x1;
	[tilespmem:$0x10] =	vst v9;
	v8 =	vld [tilespmem:$0x140]  }
0x87: {  	v24 =	vadd.s32 $0xFFFE7001, v21;
	v3 =	vsel vm1, v3, v5;
	vm1 =	vgt.s32 v19, $0xC7FF;
	v25 =	vld [tilespmem:$0x160]  }
0x88: {  	v9 =	vsel vm9, v18, v2;
	v5 =	vsel vm2, v11, v16;
	v2 =	vshll.u32 v19, $0x1;
	[tilespmem:$0xC0] =	vst v3;
	v16 =	vld [tilespmem:$0x170]  }
0x89: {  	v11 =	vadd.s32 $0xFFFE7001, v12;
	vm2 =	vgt.s32 v15, $0xC7FF;
	v3 =	vadd.s32 $0xFFFE7001, v13;
	[tilespmem:$0xA0] =	vst v5;
	v18 =	vld [tilespmem:$0x180]  }
0x8a: {  	v5 =	vsel vm6, v3, v13;
	v3 =	vsel vm7, v11, v12;
	vm7 =	vgt.s32 v20, $0xC7FF;
	[tilespmem:$0x30] =	vst v6;
	v19 =	vld [tilespmem:$0x1A0]  }
0x8b: {  	v11 =	vshll.u32 v10, $0x1;
	[tilespmem:$0x90] =	vst v3;
	v3 =	vshll.u32 v15, $0x1;
	v12 =	vshll.u32 v8, $0x1;
	v10 =	vld [tilespmem:$0x1B0]  }
0x8c: {  	v13 =	vadd.s32 $0xFFFE7001, v11;
	[tilespmem:$0x70] =	vst v5;
	v6 =	vadd.s32 $0xFFFE7001, v3;
	v15 =	vadd.s32 $0xFFFE7001, v12;
	v5 =	vld [tilespmem:$0x1C0]  }
0x8d: {  	vm6 =	vgt.s32 v8, $0xC7FF;
	[tilespmem:$0x80] =	vst v9;
	v9 =	vsel vm8, v13, v11;
	vm8 =	vgt.s32 v16, $0xC7FF;
	v11 =	vld [tilespmem:$0x1E0]  }
0x8e: {  	vm9 =	vgt.s32 v25, $0xC7FF;
	v13 =	vshll.u32 v20, $0x1;
	v12 =	vsel vm6, v15, v12;
	[tilespmem:$0xD0] =	vst v9  }
0x8f: {  	v8 =	vshll.u32 v17, $0x1;
	vm6 =	vgt.s32 v17, $0xC7FF;
	v9 =	vshll.u32 v22, $0x1;
	[tilespmem:$0x140] =	vst v12  }
0x90: {  	v15 =	vshll.u32 v18, $0x1;
	v12 =	vadd.s32 $0xFFFE7001, v13;
	vm10 =	vgt.s32 v19, $0xC7FF  }
0x91: {  	vm11 =	vgt.s32 v18, $0xC7FF;
	v13 =	vsel vm7, v12, v13;
	v12 =	vadd.s32 $0xFFFE7001, v9  }
0x92: {  	v17 =	vsel vm5, v24, v21;
	vm7 =	vgt.s32 v22, $0xC7FF;
	vm5 =	vgt.s32 v5, $0xC7FF;
	[tilespmem:$0x120] =	vst v13  }
0x93: {  	vm12 =	vgt.s32 v14, $0xC7FF;
	v14 =	vadd.s32 $0xFFFE7001, v15;
	v13 =	vadd.s32 $0xFFFE7001, v23;
	[tilespmem:$0xB0] =	vst v17  }
.Ltmp1:
0x94: {  	v18 =	vadd.s32 $0xFFFE7001, v7;
	v17 =	vadd.s32 $0xFFFE7001, v4;
	v13 =	vsel vm12, v13, v23;
	(pc) =	sbr.rel @p0 .LBB2_1-.Ltmp1, $4  }
0x95: {  	v7 =	vsel vm4, v18, v7;
	v4 =	vsel vm3, v17, v4;
	v17 =	vshll.u32 v25, $0x1  }
0x96: {  	v16 =	vshll.u32 v16, $0x1;
	v18 =	vshll.u32 v19, $0x1;
	[tilespmem:$0x20] =	vst v4;
	v4 =	vadd.s32 $0xFFFE7001, v17  }
0x97: {  	[tilespmem:$0x150] =	vst v7;
	v4 =	vsel vm9, v4, v17;
	v7 =	vadd.s32 $0xFFFE7001, v16;
	v17 =	vadd.s32 $0xFFFE7001, v18  }
0x98: {  	[tilespmem:$0x160] =	vst v4;
	v4 =	vsel vm8, v7, v16;
	v7 =	vsel vm11, v14, v15;
	v14 =	vsel vm10, v17, v18  }
.LBB2_2:
0x99: {  	[tilespmem:$0xE0] =	vst v13  }
0x9a: {  	[tilespmem:$0x1A0] =	vst v14  }
0x9b: {  	[tilespmem:$0x180] =	vst v7  }
0x9c: {  	v9 =	vsel vm7, v12, v9;
	[tilespmem:$0x170] =	vst v4  }
0x9d: {  	v3 =	vsel vm2, v6, v3;
	[tilespmem:$0x130] =	vst v9  }
0x9e: {  	v57 =	vadd.s32 $0xFFFE7001, v8;
	v58 =	vadd.s32 $0xFFFE7001, v2;
	v0 =	vsel vm0, v1, v0;
	[tilespmem:$0x100] =	vst v3  }
0x9f: {  	v59 =	vshll.u32 v5, $0x1;
	v62 =	vshll.u32 v10, $0x1;
	v8 =	vsel vm6, v57, v8;
	[tilespmem:$0x1D0] =	vst v0  }
0xa0: {  	vm15 =	vgt.s32 v10, $0xC7FF;
	v2 =	vsel vm1, v58, v2;
	v5 =	vadd.s32 $0xFFFE7001, v59;
	[tilespmem:$0x110] =	vst v8  }
0xa1: {  	v63 =	vadd.s32 $0xFFFE7001, v62;
	[tilespmem:$0xF0] =	vst v2;
	v3 =	vsel vm5, v5, v59;
	v60 =	vshll.u32 v11, $0x1  }
0xa2: {  	v0 =	vsel vm15, v63, v62;
	vm14 =	vgt.s32 v11, $0xC7FF;
	[tilespmem:$0x1C0] =	vst v3;
	v61 =	vadd.s32 $0xFFFE7001, v60  }
0xa3: {  	[tilespmem:$0x1B0] =	vst v0;
	v1 =	vsel vm14, v61, v60  }
0xa4: {  	[tilespmem:$0x1E0] =	vst v1  }
0xa5: {  	[tilespmem:s13], [sflag:$0x1] =	stream.indirect.gather [hbm4b:s5+s9], $0x40, s2, s9, $0xb8;
	[tilespmem:$0x4200] =	vst v63  }
0xa6: {  	_ =	swait.ge [sflag:s15], $0x2000  }
0xa7: {  	[sflag:s15] =	ssyncset.done $0x0  }
0xa8: {  	[sflag:s15] =	ssyncadd.s32 $0xFFFFE000  }
0xa9: {  	[tilespmem:s11], [sflag:$0x2] =	stream.indirect.gather [hbm4b:s5+s9], $0x40, s9, s9, $0xb8;
	[tilespmem:$0x4200] =	vst v63  }
0xaa: {  	_ = 	snop  }
0xab: {  	[hbm4b:s10+s2] =	stream.linear.scatter [tilespmem:s13], [sflag:$0x3], $0x2000, $0x38;
	[tilespmem:$0x4200] =	vst v63  }
0xac: {  	_ =	swait.ge [sflag:s14], $0x2000  }
0xad: {  	[sflag:s14] =	ssyncset.done $0x0  }
0xae: {  	[sflag:s14] =	ssyncadd.s32 $0xFFFFE000  }
0xaf: {  	_ =	swait.ge [sflag:s12], $0x2000  }
0xb0: {  	[sflag:s12] =	ssyncset.done $0x0  }
0xb1: {  	[sflag:s12] =	ssyncadd.s32 $0xFFFFE000  }
0xb2: {  	[tilespmem:s13], [sflag:$0x1] =	stream.indirect.gather [hbm4b:s5+s9], $0x40, s17, s9, $0xb8;
	[tilespmem:$0x4200] =	vst v63  }
0xb3: {  	_ = 	snop  }
0xb4: {  	[hbm4b:s8+s2] =	stream.linear.scatter [tilespmem:s11], [sflag:$0x3], $0x2000, $0x38;
	[tilespmem:$0x4200] =	vst v63  }
0xb5: {  	_ =	swait.ge [sflag:s15], $0x2000  }
0xb6: {  	[sflag:s15] =	ssyncset.done $0x0  }
0xb7: {  	[sflag:s15] =	ssyncadd.s32 $0xFFFFE000  }
0xb8: {  	_ =	swait.ge [sflag:s12], $0x2000  }
0xb9: {  	[sflag:s12] =	ssyncset.done $0x0  }
0xba: {  	[sflag:s12] =	ssyncadd.s32 $0xFFFFE000  }
0xbb: {  	[tilespmem:s11], [sflag:$0x2] =	stream.indirect.gather [hbm4b:s5+s9], $0x40, s16, s9, $0xb8;
	[tilespmem:$0x4200] =	vst v63  }
0xbc: {  	_ = 	snop  }
0xbd: {  	[hbm4b:s6+s2] =	stream.linear.scatter [tilespmem:s13], [sflag:$0x3], $0x2000, $0x38;
	[tilespmem:$0x4200] =	vst v63  }
0xbe: {  	_ =	swait.ge [sflag:s14], $0x2000  }
0xbf: {  	[sflag:s14] =	ssyncset.done $0x0  }
0xc0: {  	[sflag:s14] =	ssyncadd.s32 $0xFFFFE000  }
0xc1: {  	[hbm4b:s7+s2] =	stream.linear.scatter [tilespmem:s11], [sflag:$0x3], $0x2000, $0x38;
	[tilespmem:$0x4200] =	vst v63  }
0xc2: {  	_ =	swait.ge [sflag:s12], $0x2000  }
0xc3: {  	[sflag:s12] =	ssyncset.done $0x0  }
0xc4: {  	[sflag:s12] =	ssyncadd.s32 $0xFFFFE000  }
0xc5: {  	_ =	swait.ge [sflag:s12], $0x2000  }
0xc6: {  	[sflag:s12] =	ssyncset.done $0x0  }
0xc7: {  	[sflag:s12] =	ssyncadd.s32 $0xFFFFE000  }
0xc8: {  	_ =	sfence.sel $0x180000  }
0xc9: {  	[bflag:$0x0] =	sbarrier.arrive $0xFFFF  }
0xca: {  	p0 =	sne.s32 s0, $0x0;
	_ =	strace $0x9000004A  }
0xcb: {  	s0 =	sadd.s32 @!p0 $0x100000, s1;
	[bflag:$0x2] =	sbarrier.arrive $0xFFFF  }
0xcc: {  	[sflag:s0] =	ssyncadd.tile.s32 @!p0 $0x1;
	_ =	shalt  }
.Lfunc_end2:
_tile_overlayer_lowered:
.L_overlay_start_2:
0xcd: {  	(tag) =	ssettag $0x2  }
0xce: {  	s0 =	rddreg [dreg:$0x0];
	s2 =	stileid.u32  }
0xcf: {  	s1 =	rddreg [dreg:$0x1];
	p0 =	sne.s32 s2, $0x0  }
0xd0: {  	s3 =	rddreg [dreg:$0x2];
	[bflag:$0x3] =	sbarrier.arrive $0xFFFF;
	s2 =	simm.s32 @!p0 $0x1C04  }
0xd1: {  	[timem:s3], [sflag:s2] =	dma.local @!p0 [hbm:s0], s1  }
0xd2: {  	s0 =	simm.s32 @!p0 $0x4  }
0xd3: {  	_ =	swait.ge @!p0 [sflag:s0], s1  }
0xd4: {  	s1 =	ssub.s32 @!p0 $0x0, s1;
	[sflag:s0] =	ssyncset.done @!p0 $0x0  }
0xd5: {  	[sflag:s0] =	ssyncadd.s32 @!p0 s1  }
0xd6: {  	[bflag:$0x3] =	sbarrier.arrive $0xFFFF  }
0xd7: {  	_ =	shalt  }

</sc_bundles>
